<compile_context>
chip_gen: v7x
topology: tpu7x:2x2x1
jax: 0.10.2.dev20260603
libtpu: 0.0.44.dev20260713+nightly
codegen_flags: <defaults>
</compile_context>

<pallas_src>
import functools

import jax
import jax.numpy as jnp
from jax import lax
from jax.experimental import pallas as pl
from jax.experimental.pallas import tpu as pltpu
from jax.experimental.pallas import tpu_sc as plsc

_NC = 2
_NS = 16
_CHUNK = 80


def _deg_pad(N):
    unit = 128 * _NS
    return ((N + unit - 1) // unit) * unit


def _make_sc_aggregate(N, D, E, with_deg):
    NW = _NC * _NS
    ep = E // NW
    nch = ep // _CHUNK
    rp = (N // (8 * _NS)) * 8
    tail = N - _NS * rp
    npad = _deg_pad(N)
    dp = npad // _NS

    mesh = plsc.VectorSubcoreMesh(core_axis_name="c", subcore_axis_name="s")

    out_type = jax.ShapeDtypeStruct((_NC, N, D), jnp.float32)
    scratch = [
        [pltpu.VMEM((_CHUNK,), jnp.int32) for _ in range(8)],
        [pltpu.VMEM((_CHUNK,), jnp.int32) for _ in range(8)],
        [pltpu.VMEM((_CHUNK, D), jnp.float32) for _ in range(4)],
        pltpu.VMEM_SHARED((N, D), jnp.float32),
        [pltpu.SemaphoreType.DMA for _ in range(8)],
        [pltpu.SemaphoreType.DMA for _ in range(4)],
        [pltpu.SemaphoreType.DMA for _ in range(4)],
    ]
    if with_deg:
        out_type = [out_type, jax.ShapeDtypeStruct((_NC, npad), jnp.float32)]
        scratch += [
            pltpu.VMEM((_CHUNK,), jnp.float32),
            pltpu.VMEM((128,), jnp.float32),
            pltpu.VMEM_SHARED((npad,), jnp.float32),
        ]

    @functools.partial(pl.kernel, mesh=mesh, out_type=out_type,
                       scratch_types=scratch)
    def agg(t_hbm, edge_hbm, *refs):
        if with_deg:
            (out_hbm, deg_hbm, rowb, colb, msgs, agg_sh,
             isems, gsems, ssems, ones_v, zero_v, deg_sh) = refs
        else:
            out_hbm, rowb, colb, msgs, agg_sh, isems, gsems, ssems = refs
        cid = lax.axis_index("c")
        sid = lax.axis_index("s")
        wid = cid * _NS + sid
        e0 = wid * ep
        c0 = E + wid * ep

        def start_idx(j, ib):
            pltpu.async_copy(edge_hbm.at[pl.ds(e0 + j * _CHUNK, _CHUNK)],
                             rowb[ib], isems[ib])
            pltpu.async_copy(edge_hbm.at[pl.ds(c0 + j * _CHUNK, _CHUNK)],
                             colb[ib], isems[ib])

        def wait_idx(j, ib):
            pltpu.make_async_copy(edge_hbm.at[pl.ds(e0 + j * _CHUNK, _CHUNK)],
                                  rowb[ib], isems[ib]).wait()
            pltpu.make_async_copy(edge_hbm.at[pl.ds(c0 + j * _CHUNK, _CHUNK)],
                                  colb[ib], isems[ib]).wait()

        def start_gather(b, ib):
            pltpu.async_copy(t_hbm.at[rowb[ib]], msgs[b], gsems[b])

        def wait_gather(b, ib):
            pltpu.make_async_copy(t_hbm.at[rowb[ib]], msgs[b], gsems[b]).wait()

        def start_scatter(b, ib):
            pltpu.async_copy(msgs[b], agg_sh.at[colb[ib]], ssems[b], add=True)
            if with_deg:
                pltpu.async_copy(ones_v, deg_sh.at[colb[ib]], ssems[b],
                                 add=True)

        def drain_scatter(b, ib):
            pltpu.make_async_copy(msgs[b], agg_sh.at[colb[ib]], ssems[b]).wait()
            if with_deg:
                pltpu.make_async_copy(ones_v, deg_sh.at[colb[ib]],
                                      ssems[b]).wait()

        for k in range(5):
            start_idx(k, k)
        for k in range(3):
            wait_idx(k, k)
            start_gather(k, k)

        r0 = sid * rp
        pltpu.sync_copy(t_hbm.at[pl.ds(r0, rp)], agg_sh.at[pl.ds(r0, rp)])
        if tail:
            @pl.when(sid == 0)
            def _():
                pltpu.sync_copy(t_hbm.at[pl.ds(_NS * rp, tail)],
                                agg_sh.at[pl.ds(_NS * rp, tail)])
        if with_deg:
            for k in range(_CHUNK // 16):
                ones_v[pl.ds(16 * k, 16)] = jnp.full((16,), 1.0, jnp.float32)
            for k in range(8):
                zero_v[pl.ds(16 * k, 16)] = jnp.zeros((16,), jnp.float32)
            for m in range(dp // 128):
                pltpu.sync_copy(zero_v,
                                deg_sh.at[pl.ds(sid * dp + 128 * m, 128)])
        plsc.subcore_barrier()

        def body(i, carry):
            j0 = 8 * i
            for p in range(8):
                j = j0 + p
                b = p % 4

                @pl.when(j < nch)
                def _():
                    wait_gather(b, p)
                    if p == 0:
                        @pl.when(j >= 1)
                        def _():
                            drain_scatter((b + 3) % 4, (p + 7) % 8)
                    else:
                        drain_scatter((b + 3) % 4, (p + 7) % 8)

                    @pl.when(j + 3 < nch)
                    def _():
                        wait_idx(j + 3, (p + 3) % 8)
                        start_gather((b + 3) % 4, (p + 3) % 8)

                    @pl.when(j + 5 < nch)
                    def _():
                        start_idx(j + 5, (p + 5) % 8)
                    start_scatter(b, p)
            return carry

        lax.fori_loop(0, (nch + 7) // 8, body, 0)
        drain_scatter((nch - 1) % 4, (nch - 1) % 8)
        plsc.subcore_barrier()
        pltpu.sync_copy(agg_sh.at[pl.ds(r0, rp)],
                        out_hbm.at[cid, pl.ds(r0, rp)])
        if tail:
            @pl.when(sid == 0)
            def _():
                pltpu.sync_copy(agg_sh.at[pl.ds(_NS * rp, tail)],
                                out_hbm.at[cid, pl.ds(_NS * rp, tail)])
        if with_deg:
            pltpu.sync_copy(deg_sh.at[pl.ds(sid * dp, dp)],
                            deg_hbm.at[cid, pl.ds(sid * dp, dp)])

    return agg


_BR = 1024


def _tc_transform(p, t, dg, w, b, relu):
    N, D = p.shape[1], p.shape[2]

    def body(p_ref, t_ref, dg_ref, w_ref, b_ref, o_ref):
        s = p_ref[0] + p_ref[1] - t_ref[...]
        scale = (1.0 + dg_ref[0] + dg_ref[1])[:, None]
        o = lax.dot_general(
            s, w_ref[...] * 0.5, (((1,), (1,)), ((), ())),
            preferred_element_type=jnp.float32) + scale * (b_ref[...] * 0.5)
        if relu:
            o = jnp.maximum(o, 0.0)
        o_ref[...] = o

    return pl.pallas_call(
        body,
        grid=((N + _BR - 1) // _BR,),
        in_specs=[
            pl.BlockSpec((_NC, _BR, D), lambda i: (0, i, 0)),
            pl.BlockSpec((_BR, D), lambda i: (i, 0)),
            pl.BlockSpec((_NC, _BR), lambda i: (0, i)),
            pl.BlockSpec((D, D), lambda i: (0, 0)),
            pl.BlockSpec((1, D), lambda i: (0, 0)),
        ],
        out_specs=pl.BlockSpec((_BR, D), lambda i: (i, 0)),
        out_shape=jax.ShapeDtypeStruct((N, D), jnp.float32),
    )(p, t, dg, w, b)


def kernel(node_features, edge_index, weight0, bias0, weight1, bias1,
           hidden_dim):
    N, D = node_features.shape
    E = edge_index.shape[1]
    edges = edge_index.reshape(2 * E)

    sc_agg_deg = _make_sc_aggregate(N, D, E, True)
    sc_agg = _make_sc_aggregate(N, D, E, False)

    p1, deg = sc_agg_deg(node_features, edges)
    h = _tc_transform(p1, node_features, deg, weight0[0], bias0, True)
    p2 = sc_agg(h, edges)
    return _tc_transform(p2, h, deg, weight1[0], bias1, False)

# --- scband reference (transcript-rebuilt; emitter-appended) ---
"""Pipeline reference for scband-adaptive-dimension-hyper-gnn-12704513262258 (READ-ONLY COPY).

The authoritative reference and input builder live on the scoring server;
editing this copy changes nothing except your own understanding.
"""

import jax, jax.numpy as jnp
import numpy as np

N = 10000
E = 320000
D = 128


def setup_inputs(seed: int = 0) -> dict:
    key = jax.random.key(seed)
    k1, k2, k3, k4, k5, k6 = jax.random.split(key, 6)
    node_features = jax.random.normal(k1, (N, D), dtype=jnp.float32)
    edge_index = jax.random.randint(k2, (2, E), 0, N, dtype=jnp.int32)
    weight0 = jax.random.normal(k3, (1, D, D), dtype=jnp.float32) * 0.05
    bias0 = jax.random.normal(k4, (1, D), dtype=jnp.float32) * 0.05
    weight1 = jax.random.normal(k5, (1, D, D), dtype=jnp.float32) * 0.05
    bias1 = jax.random.normal(k6, (1, D), dtype=jnp.float32) * 0.05
    return {
        "node_features": node_features,
        "edge_index": edge_index,
        "weight0": weight0,
        "bias0": bias0,
        "weight1": weight1,
        "bias1": bias1,
        "hidden_dim": D,
    }


def _apply_adaptive_layer(features, row, col, weight_matrix, bias_vector):
    # transformed = features @ W^T + b
    transformed = jnp.dot(features, weight_matrix.T) + bias_vector
    # messages gathered from source nodes
    messages = jnp.take(transformed, row, axis=0)
    # scatter-add into destination nodes
    aggregated = jnp.zeros_like(transformed).at[col].add(messages)
    output = (transformed + aggregated) / 2.0
    return output


def reference(node_features, edge_index, weight0, bias0, weight1, bias1, hidden_dim):
    # node_features.shape[1] == hidden_dim, so the dynamic projection branch is skipped
    row = edge_index[0]
    col = edge_index[1]
    feat = node_features
    # layer 0
    feat = _apply_adaptive_layer(feat, row, col, weight0[0], bias0[0])
    # inter-layer activation (dropout is a no-op in eval mode)
    feat = jax.nn.relu(feat)
    # layer 1 (last layer: no relu)
    feat = _apply_adaptive_layer(feat, row, col, weight1[0], bias1[0])
    return feat

if __name__ == "__main__":
    import jax
    _d = setup_inputs()
    print(jax.jit(kernel)(*tuple(_d.values())))

</pallas_src>

<mosaic_0001>
#map = affine_map<(d0, d1) -> (0, 0)>
#map1 = affine_map<(d0, d1) -> (0)>
#map2 = affine_map<(d0, d1) -> (0, 0, 0)>
module attributes {stable_mosaic.version = 14 : i64} {
  func.func @agg(%arg0: i32, %arg1: i32, %arg2: memref<10000x128xf32, #tpu.memory_space<hbm>>, %arg3: memref<640000xi32, #tpu.memory_space<hbm>>, %arg4: memref<2x10000x128xf32, #tpu.memory_space<hbm>>, %arg5: memref<2x10240xf32, #tpu.memory_space<hbm>>, %arg6: memref<80xi32, #tpu.memory_space<vmem>>, %arg7: memref<80xi32, #tpu.memory_space<vmem>>, %arg8: memref<80xi32, #tpu.memory_space<vmem>>, %arg9: memref<80xi32, #tpu.memory_space<vmem>>, %arg10: memref<80xi32, #tpu.memory_space<vmem>>, %arg11: memref<80xi32, #tpu.memory_space<vmem>>, %arg12: memref<80xi32, #tpu.memory_space<vmem>>, %arg13: memref<80xi32, #tpu.memory_space<vmem>>, %arg14: memref<80xi32, #tpu.memory_space<vmem>>, %arg15: memref<80xi32, #tpu.memory_space<vmem>>, %arg16: memref<80xi32, #tpu.memory_space<vmem>>, %arg17: memref<80xi32, #tpu.memory_space<vmem>>, %arg18: memref<80xi32, #tpu.memory_space<vmem>>, %arg19: memref<80xi32, #tpu.memory_space<vmem>>, %arg20: memref<80xi32, #tpu.memory_space<vmem>>, %arg21: memref<80xi32, #tpu.memory_space<vmem>>, %arg22: memref<80x128xf32, #tpu.memory_space<vmem>>, %arg23: memref<80x128xf32, #tpu.memory_space<vmem>>, %arg24: memref<80x128xf32, #tpu.memory_space<vmem>>, %arg25: memref<80x128xf32, #tpu.memory_space<vmem>>, %arg26: memref<10000x128xf32, #tpu.memory_space<vmem_shared>>, %arg27: memref<!tpu.dma_semaphore, #tpu.memory_space<semaphore_mem>>, %arg28: memref<!tpu.dma_semaphore, #tpu.memory_space<semaphore_mem>>, %arg29: memref<!tpu.dma_semaphore, #tpu.memory_space<semaphore_mem>>, %arg30: memref<!tpu.dma_semaphore, #tpu.memory_space<semaphore_mem>>, %arg31: memref<!tpu.dma_semaphore, #tpu.memory_space<semaphore_mem>>, %arg32: memref<!tpu.dma_semaphore, #tpu.memory_space<semaphore_mem>>, %arg33: memref<!tpu.dma_semaphore, #tpu.memory_space<semaphore_mem>>, %arg34: memref<!tpu.dma_semaphore, #tpu.memory_space<semaphore_mem>>, %arg35: memref<!tpu.dma_semaphore, #tpu.memory_space<semaphore_mem>>, %arg36: memref<!tpu.dma_semaphore, #tpu.memory_space<semaphore_mem>>, %arg37: memref<!tpu.dma_semaphore, #tpu.memory_space<semaphore_mem>>, %arg38: memref<!tpu.dma_semaphore, #tpu.memory_space<semaphore_mem>>, %arg39: memref<!tpu.dma_semaphore, #tpu.memory_space<semaphore_mem>>, %arg40: memref<!tpu.dma_semaphore, #tpu.memory_space<semaphore_mem>>, %arg41: memref<!tpu.dma_semaphore, #tpu.memory_space<semaphore_mem>>, %arg42: memref<!tpu.dma_semaphore, #tpu.memory_space<semaphore_mem>>, %arg43: memref<80xf32, #tpu.memory_space<vmem>>, %arg44: memref<128xf32, #tpu.memory_space<vmem>>, %arg45: memref<10240xf32, #tpu.memory_space<vmem_shared>>) attributes {dimension_semantics = [#tpu.dimension_semantics<core_parallel>, #tpu.dimension_semantics<subcore_parallel>], iteration_bounds = array<i64: 2, 16>, scalar_prefetch = 0 : i64, scratch_operands = 40 : i64, tpu.core_type = #tpu.core_type<sc_vector_subcore>, window_params = [{transform_indices = #map}, {transform_indices = #map1}, {transform_indices = #map2}, {transform_indices = #map}]} {
    %mul3A = arith.constant 16 : i32
    %mul3A_0 = arith.muli %arg0, %mul3A : i32
    %add3A = arith.addi %mul3A_0, %arg1 : i32
    %mul3A_1 = arith.constant 10000 : i32
    %mul3A_2 = arith.muli %add3A, %mul3A_1 : i32
    %mul3A_3 = arith.constant 10000 : i32
    %mul3A_4 = arith.muli %add3A, %mul3A_3 : i32
    %add3A_5 = arith.constant 320000 : i32
    %add3A_6 = arith.addi %add3A_5, %mul3A_4 : i32
    %add3A_7 = arith.constant 0 : i32
    %add3A_8 = arith.addi %mul3A_2, %add3A_7 : i32
    %dma_start3A = tpu.memref_slice %arg3[%add3A_8] : memref<640000xi32, #tpu.memory_space<hbm>> -> memref<80xi32, #tpu.memory_space<hbm>>
    %dma_start3A_9 = tpu.memref_slice %arg3[%add3A_8] : memref<640000xi32, #tpu.memory_space<hbm>> -> memref<80xi32, #tpu.memory_space<hbm>>
    tpu.enqueue_dma source(%dma_start3A_9 : memref<80xi32, #tpu.memory_space<hbm>>) target(%arg6 : memref<80xi32, #tpu.memory_space<vmem>>) target_semaphore(%arg27 : memref<!tpu.dma_semaphore, #tpu.memory_space<semaphore_mem>>)
    %add3A_10 = arith.constant 0 : i32
    %add3A_11 = arith.addi %add3A_6, %add3A_10 : i32
    %dma_start3A_12 = tpu.memref_slice %arg3[%add3A_11] : memref<640000xi32, #tpu.memory_space<hbm>> -> memref<80xi32, #tpu.memory_space<hbm>>
    %dma_start3A_13 = tpu.memref_slice %arg3[%add3A_11] : memref<640000xi32, #tpu.memory_space<hbm>> -> memref<80xi32, #tpu.memory_space<hbm>>
    tpu.enqueue_dma source(%dma_start3A_13 : memref<80xi32, #tpu.memory_space<hbm>>) target(%arg14 : memref<80xi32, #tpu.memory_space<vmem>>) target_semaphore(%arg27 : memref<!tpu.dma_semaphore, #tpu.memory_space<semaphore_mem>>)
    %add3A_14 = arith.constant 80 : i32
    %add3A_15 = arith.addi %mul3A_2, %add3A_14 : i32
    %dma_start3A_16 = tpu.memref_slice %arg3[%add3A_15] : memref<640000xi32, #tpu.memory_space<hbm>> -> memref<80xi32, #tpu.memory_space<hbm>>
    %dma_start3A_17 = tpu.memref_slice %arg3[%add3A_15] : memref<640000xi32, #tpu.memory_space<hbm>> -> memref<80xi32, #tpu.memory_space<hbm>>
    tpu.enqueue_dma source(%dma_start3A_17 : memref<80xi32, #tpu.memory_space<hbm>>) target(%arg7 : memref<80xi32, #tpu.memory_space<vmem>>) target_semaphore(%arg28 : memref<!tpu.dma_semaphore, #tpu.memory_space<semaphore_mem>>)
    %add3A_18 = arith.constant 80 : i32
    %add3A_19 = arith.addi %add3A_6, %add3A_18 : i32
    %dma_start3A_20 = tpu.memref_slice %arg3[%add3A_19] : memref<640000xi32, #tpu.memory_space<hbm>> -> memref<80xi32, #tpu.memory_space<hbm>>
    %dma_start3A_21 = tpu.memref_slice %arg3[%add3A_19] : memref<640000xi32, #tpu.memory_space<hbm>> -> memref<80xi32, #tpu.memory_space<hbm>>
    tpu.enqueue_dma source(%dma_start3A_21 : memref<80xi32, #tpu.memory_space<hbm>>) target(%arg15 : memref<80xi32, #tpu.memory_space<vmem>>) target_semaphore(%arg28 : memref<!tpu.dma_semaphore, #tpu.memory_space<semaphore_mem>>)
    %add3A_22 = arith.constant 160 : i32
    %add3A_23 = arith.addi %mul3A_2, %add3A_22 : i32
    %dma_start3A_24 = tpu.memref_slice %arg3[%add3A_23] : memref<640000xi32, #tpu.memory_space<hbm>> -> memref<80xi32, #tpu.memory_space<hbm>>
    %dma_start3A_25 = tpu.memref_slice %arg3[%add3A_23] : memref<640000xi32, #tpu.memory_space<hbm>> -> memref<80xi32, #tpu.memory_space<hbm>>
    tpu.enqueue_dma source(%dma_start3A_25 : memref<80xi32, #tpu.memory_space<hbm>>) target(%arg8 : memref<80xi32, #tpu.memory_space<vmem>>) target_semaphore(%arg29 : memref<!tpu.dma_semaphore, #tpu.memory_space<semaphore_mem>>)
    %add3A_26 = arith.constant 160 : i32
    %add3A_27 = arith.addi %add3A_6, %add3A_26 : i32
    %dma_start3A_28 = tpu.memref_slice %arg3[%add3A_27] : memref<640000xi32, #tpu.memory_space<hbm>> -> memref<80xi32, #tpu.memory_space<hbm>>
    %dma_start3A_29 = tpu.memref_slice %arg3[%add3A_27] : memref<640000xi32, #tpu.memory_space<hbm>> -> memref<80xi32, #tpu.memory_space<hbm>>
    tpu.enqueue_dma source(%dma_start3A_29 : memref<80xi32, #tpu.memory_space<hbm>>) target(%arg16 : memref<80xi32, #tpu.memory_space<vmem>>) target_semaphore(%arg29 : memref<!tpu.dma_semaphore, #tpu.memory_space<semaphore_mem>>)
    %add3A_30 = arith.constant 240 : i32
    %add3A_31 = arith.addi %mul3A_2, %add3A_30 : i32
    %dma_start3A_32 = tpu.memref_slice %arg3[%add3A_31] : memref<640000xi32, #tpu.memory_space<hbm>> -> memref<80xi32, #tpu.memory_space<hbm>>
    %dma_start3A_33 = tpu.memref_slice %arg3[%add3A_31] : memref<640000xi32, #tpu.memory_space<hbm>> -> memref<80xi32, #tpu.memory_space<hbm>>
    tpu.enqueue_dma source(%dma_start3A_33 : memref<80xi32, #tpu.memory_space<hbm>>) target(%arg9 : memref<80xi32, #tpu.memory_space<vmem>>) target_semaphore(%arg30 : memref<!tpu.dma_semaphore, #tpu.memory_space<semaphore_mem>>)
    %add3A_34 = arith.constant 240 : i32
    %add3A_35 = arith.addi %add3A_6, %add3A_34 : i32
    %dma_start3A_36 = tpu.memref_slice %arg3[%add3A_35] : memref<640000xi32, #tpu.memory_space<hbm>> -> memref<80xi32, #tpu.memory_space<hbm>>
    %dma_start3A_37 = tpu.memref_slice %arg3[%add3A_35] : memref<640000xi32, #tpu.memory_space<hbm>> -> memref<80xi32, #tpu.memory_space<hbm>>
    tpu.enqueue_dma source(%dma_start3A_37 : memref<80xi32, #tpu.memory_space<hbm>>) target(%arg17 : memref<80xi32, #tpu.memory_space<vmem>>) target_semaphore(%arg30 : memref<!tpu.dma_semaphore, #tpu.memory_space<semaphore_mem>>)
    %add3A_38 = arith.constant 320 : i32
    %add3A_39 = arith.addi %mul3A_2, %add3A_38 : i32
    %dma_start3A_40 = tpu.memref_slice %arg3[%add3A_39] : memref<640000xi32, #tpu.memory_space<hbm>> -> memref<80xi32, #tpu.memory_space<hbm>>
    %dma_start3A_41 = tpu.memref_slice %arg3[%add3A_39] : memref<640000xi32, #tpu.memory_space<hbm>> -> memref<80xi32, #tpu.memory_space<hbm>>
    tpu.enqueue_dma source(%dma_start3A_41 : memref<80xi32, #tpu.memory_space<hbm>>) target(%arg10 : memref<80xi32, #tpu.memory_space<vmem>>) target_semaphore(%arg31 : memref<!tpu.dma_semaphore, #tpu.memory_space<semaphore_mem>>)
    %add3A_42 = arith.constant 320 : i32
    %add3A_43 = arith.addi %add3A_6, %add3A_42 : i32
    %dma_start3A_44 = tpu.memref_slice %arg3[%add3A_43] : memref<640000xi32, #tpu.memory_space<hbm>> -> memref<80xi32, #tpu.memory_space<hbm>>
    %dma_start3A_45 = tpu.memref_slice %arg3[%add3A_43] : memref<640000xi32, #tpu.memory_space<hbm>> -> memref<80xi32, #tpu.memory_space<hbm>>
    tpu.enqueue_dma source(%dma_start3A_45 : memref<80xi32, #tpu.memory_space<hbm>>) target(%arg18 : memref<80xi32, #tpu.memory_space<vmem>>) target_semaphore(%arg31 : memref<!tpu.dma_semaphore, #tpu.memory_space<semaphore_mem>>)
    %add3A_46 = arith.constant 0 : i32
    %add3A_47 = arith.addi %mul3A_2, %add3A_46 : i32
    %dma_wait3A = tpu.memref_slice %arg3[%add3A_47] : memref<640000xi32, #tpu.memory_space<hbm>> -> memref<80xi32, #tpu.memory_space<hbm>>
    %dma_wait3A_48 = tpu.memref_slice %arg3[%add3A_47] : memref<640000xi32, #tpu.memory_space<hbm>> -> memref<80xi32, #tpu.memory_space<hbm>>
    tpu.wait_dma2 semaphore(%arg27 : memref<!tpu.dma_semaphore, #tpu.memory_space<semaphore_mem>>) src(%dma_wait3A_48 : memref<80xi32, #tpu.memory_space<hbm>>) dst(%arg6 : memref<80xi32, #tpu.memory_space<vmem>>)
    %add3A_49 = arith.constant 0 : i32
    %add3A_50 = arith.addi %add3A_6, %add3A_49 : i32
    %dma_wait3A_51 = tpu.memref_slice %arg3[%add3A_50] : memref<640000xi32, #tpu.memory_space<hbm>> -> memref<80xi32, #tpu.memory_space<hbm>>
    %dma_wait3A_52 = tpu.memref_slice %arg3[%add3A_50] : memref<640000xi32, #tpu.memory_space<hbm>> -> memref<80xi32, #tpu.memory_space<hbm>>
    tpu.wait_dma2 semaphore(%arg27 : memref<!tpu.dma_semaphore, #tpu.memory_space<semaphore_mem>>) src(%dma_wait3A_52 : memref<80xi32, #tpu.memory_space<hbm>>) dst(%arg14 : memref<80xi32, #tpu.memory_space<vmem>>)
    %dma_start3A_53 = arith.constant 0 : i32
    %dma_start3A_54 = arith.constant 0 : i32
    %dma_start3A_55 = tpu.memref_slice %arg2[%dma_start3A_53, %dma_start3A_54] : memref<10000x128xf32, #tpu.memory_space<hbm>> -> memref<10000x128xf32, #tpu.memory_space<hbm>>
    tpu.enqueue_indirect_dma source(%dma_start3A_55 : memref<10000x128xf32, #tpu.memory_space<hbm>>) target(%arg22 : memref<80x128xf32, #tpu.memory_space<vmem>>) offsets(%arg6 : memref<80xi32, #tpu.memory_space<vmem>>) semaphore(%arg35 : memref<!tpu.dma_semaphore, #tpu.memory_space<semaphore_mem>>)
    %add3A_56 = arith.constant 80 : i32
    %add3A_57 = arith.addi %mul3A_2, %add3A_56 : i32
    %dma_wait3A_58 = tpu.memref_slice %arg3[%add3A_57] : memref<640000xi32, #tpu.memory_space<hbm>> -> memref<80xi32, #tpu.memory_space<hbm>>
    %dma_wait3A_59 = tpu.memref_slice %arg3[%add3A_57] : memref<640000xi32, #tpu.memory_space<hbm>> -> memref<80xi32, #tpu.memory_space<hbm>>
    tpu.wait_dma2 semaphore(%arg28 : memref<!tpu.dma_semaphore, #tpu.memory_space<semaphore_mem>>) src(%dma_wait3A_59 : memref<80xi32, #tpu.memory_space<hbm>>) dst(%arg7 : memref<80xi32, #tpu.memory_space<vmem>>)
    %add3A_60 = arith.constant 80 : i32
    %add3A_61 = arith.addi %add3A_6, %add3A_60 : i32
    %dma_wait3A_62 = tpu.memref_slice %arg3[%add3A_61] : memref<640000xi32, #tpu.memory_space<hbm>> -> memref<80xi32, #tpu.memory_space<hbm>>
    %dma_wait3A_63 = tpu.memref_slice %arg3[%add3A_61] : memref<640000xi32, #tpu.memory_space<hbm>> -> memref<80xi32, #tpu.memory_space<hbm>>
    tpu.wait_dma2 semaphore(%arg28 : memref<!tpu.dma_semaphore, #tpu.memory_space<semaphore_mem>>) src(%dma_wait3A_63 : memref<80xi32, #tpu.memory_space<hbm>>) dst(%arg15 : memref<80xi32, #tpu.memory_space<vmem>>)
    %dma_start3A_64 = arith.constant 0 : i32
    %dma_start3A_65 = arith.constant 0 : i32
    %dma_start3A_66 = tpu.memref_slice %arg2[%dma_start3A_64, %dma_start3A_65] : memref<10000x128xf32, #tpu.memory_space<hbm>> -> memref<10000x128xf32, #tpu.memory_space<hbm>>
    tpu.enqueue_indirect_dma source(%dma_start3A_66 : memref<10000x128xf32, #tpu.memory_space<hbm>>) target(%arg23 : memref<80x128xf32, #tpu.memory_space<vmem>>) offsets(%arg7 : memref<80xi32, #tpu.memory_space<vmem>>) semaphore(%arg36 : memref<!tpu.dma_semaphore, #tpu.memory_space<semaphore_mem>>)
    %add3A_67 = arith.constant 160 : i32
    %add3A_68 = arith.addi %mul3A_2, %add3A_67 : i32
    %dma_wait3A_69 = tpu.memref_slice %arg3[%add3A_68] : memref<640000xi32, #tpu.memory_space<hbm>> -> memref<80xi32, #tpu.memory_space<hbm>>
    %dma_wait3A_70 = tpu.memref_slice %arg3[%add3A_68] : memref<640000xi32, #tpu.memory_space<hbm>> -> memref<80xi32, #tpu.memory_space<hbm>>
    tpu.wait_dma2 semaphore(%arg29 : memref<!tpu.dma_semaphore, #tpu.memory_space<semaphore_mem>>) src(%dma_wait3A_70 : memref<80xi32, #tpu.memory_space<hbm>>) dst(%arg8 : memref<80xi32, #tpu.memory_space<vmem>>)
    %add3A_71 = arith.constant 160 : i32
    %add3A_72 = arith.addi %add3A_6, %add3A_71 : i32
    %dma_wait3A_73 = tpu.memref_slice %arg3[%add3A_72] : memref<640000xi32, #tpu.memory_space<hbm>> -> memref<80xi32, #tpu.memory_space<hbm>>
    %dma_wait3A_74 = tpu.memref_slice %arg3[%add3A_72] : memref<640000xi32, #tpu.memory_space<hbm>> -> memref<80xi32, #tpu.memory_space<hbm>>
    tpu.wait_dma2 semaphore(%arg29 : memref<!tpu.dma_semaphore, #tpu.memory_space<semaphore_mem>>) src(%dma_wait3A_74 : memref<80xi32, #tpu.memory_space<hbm>>) dst(%arg16 : memref<80xi32, #tpu.memory_space<vmem>>)
    %dma_start3A_75 = arith.constant 0 : i32
    %dma_start3A_76 = arith.constant 0 : i32
    %dma_start3A_77 = tpu.memref_slice %arg2[%dma_start3A_75, %dma_start3A_76] : memref<10000x128xf32, #tpu.memory_space<hbm>> -> memref<10000x128xf32, #tpu.memory_space<hbm>>
    tpu.enqueue_indirect_dma source(%dma_start3A_77 : memref<10000x128xf32, #tpu.memory_space<hbm>>) target(%arg24 : memref<80x128xf32, #tpu.memory_space<vmem>>) offsets(%arg8 : memref<80xi32, #tpu.memory_space<vmem>>) semaphore(%arg37 : memref<!tpu.dma_semaphore, #tpu.memory_space<semaphore_mem>>)
    %mul3A_78 = arith.constant 624 : i32
    %mul3A_79 = arith.muli %arg1, %mul3A_78 : i32
    "tpu.region"() ({
      %run_scoped3A = tpu.sem_alloc : memref<!tpu.dma_semaphore, #tpu.memory_space<semaphore_mem>>
      %dma_start3A_198 = arith.constant 0 : i32
      %dma_start3A_199 = tpu.memref_slice %arg26[%mul3A_79, %dma_start3A_198] : memref<10000x128xf32, #tpu.memory_space<vmem_shared>> -> memref<624x128xf32, #tpu.memory_space<vmem_shared>>
      %dma_start3A_200 = arith.constant 0 : i32
      %dma_start3A_201 = tpu.memref_slice %arg2[%mul3A_79, %dma_start3A_200] : memref<10000x128xf32, #tpu.memory_space<hbm>> -> memref<624x128xf32, #tpu.memory_space<hbm>>
      tpu.enqueue_dma source(%dma_start3A_201 : memref<624x128xf32, #tpu.memory_space<hbm>>) target(%dma_start3A_199 : memref<624x128xf32, #tpu.memory_space<vmem_shared>>) target_semaphore(%run_scoped3A : memref<!tpu.dma_semaphore, #tpu.memory_space<semaphore_mem>>)
      %dma_wait3A_202 = arith.constant 0 : i32
      %dma_wait3A_203 = tpu.memref_slice %arg26[%mul3A_79, %dma_wait3A_202] : memref<10000x128xf32, #tpu.memory_space<vmem_shared>> -> memref<624x128xf32, #tpu.memory_space<vmem_shared>>
      %dma_wait3A_204 = arith.constant 0 : i32
      %dma_wait3A_205 = tpu.memref_slice %arg2[%mul3A_79, %dma_wait3A_204] : memref<10000x128xf32, #tpu.memory_space<hbm>> -> memref<624x128xf32, #tpu.memory_space<hbm>>
      tpu.wait_dma2 semaphore(%run_scoped3A : memref<!tpu.dma_semaphore, #tpu.memory_space<semaphore_mem>>) src(%dma_wait3A_205 : memref<624x128xf32, #tpu.memory_space<hbm>>) dst(%dma_wait3A_203 : memref<624x128xf32, #tpu.memory_space<vmem_shared>>)
      tpu.yield
    }) : () -> ()
    %eq3A = arith.constant 0 : i32
    %eq3A_80 = arith.cmpi eq, %arg1, %eq3A : i32
    %convert_element_type3A = arith.extui %eq3A_80 : i1 to i32
    %cond3A = arith.constant 0 : i32
    %cond3A_81 = arith.cmpi ne, %convert_element_type3A, %cond3A : i32
    scf.if %cond3A_81 {
      "tpu.region"() ({
        %run_scoped3A = tpu.sem_alloc : memref<!tpu.dma_semaphore, #tpu.memory_space<semaphore_mem>>
        %dma_start3A_198 = arith.constant 9984 : i32
        %dma_start3A_199 = arith.constant 0 : i32
        %dma_start3A_200 = tpu.memref_slice %arg26[%dma_start3A_198, %dma_start3A_199] : memref<10000x128xf32, #tpu.memory_space<vmem_shared>> -> memref<16x128xf32, #tpu.memory_space<vmem_shared>>
        %dma_start3A_201 = arith.constant 9984 : i32
        %dma_start3A_202 = arith.constant 0 : i32
        %dma_start3A_203 = tpu.memref_slice %arg2[%dma_start3A_201, %dma_start3A_202] : memref<10000x128xf32, #tpu.memory_space<hbm>> -> memref<16x128xf32, #tpu.memory_space<hbm>>
        tpu.enqueue_dma source(%dma_start3A_203 : memref<16x128xf32, #tpu.memory_space<hbm>>) target(%dma_start3A_200 : memref<16x128xf32, #tpu.memory_space<vmem_shared>>) target_semaphore(%run_scoped3A : memref<!tpu.dma_semaphore, #tpu.memory_space<semaphore_mem>>)
        %dma_wait3A_204 = arith.constant 9984 : i32
        %dma_wait3A_205 = arith.constant 0 : i32
        %dma_wait3A_206 = tpu.memref_slice %arg26[%dma_wait3A_204, %dma_wait3A_205] : memref<10000x128xf32, #tpu.memory_space<vmem_shared>> -> memref<16x128xf32, #tpu.memory_space<vmem_shared>>
        %dma_wait3A_207 = arith.constant 9984 : i32
        %dma_wait3A_208 = arith.constant 0 : i32
        %dma_wait3A_209 = tpu.memref_slice %arg2[%dma_wait3A_207, %dma_wait3A_208] : memref<10000x128xf32, #tpu.memory_space<hbm>> -> memref<16x128xf32, #tpu.memory_space<hbm>>
        tpu.wait_dma2 semaphore(%run_scoped3A : memref<!tpu.dma_semaphore, #tpu.memory_space<semaphore_mem>>) src(%dma_wait3A_209 : memref<16x128xf32, #tpu.memory_space<hbm>>) dst(%dma_wait3A_206 : memref<16x128xf32, #tpu.memory_space<vmem_shared>>)
        tpu.yield
      }) : () -> ()
    } else {
    }
    %broadcast_in_dim3A = arith.constant 1.000000e+00 : f32
    %broadcast_in_dim3A_82 = vector.broadcast %broadcast_in_dim3A : f32 to vector<16xf32>
    %swap3A = arith.constant 0 : index
    %swap3A_83 = tpu.vector_load %arg43[%swap3A] {strides = array<i32>} : memref<80xf32, #tpu.memory_space<vmem>>, vector<16xf32>,
    %swap3A_84 = vector.shape_cast %swap3A_83 : vector<16xf32> to vector<16xf32>
    %swap3A_85 = vector.shape_cast %broadcast_in_dim3A_82 : vector<16xf32> to vector<16xf32>
    tpu.vector_store %arg43[%swap3A], %swap3A_85 {strides = array<i32>} : memref<80xf32, #tpu.memory_space<vmem>>, vector<16xf32>,
    %broadcast_in_dim3A_86 = arith.constant 1.000000e+00 : f32
    %broadcast_in_dim3A_87 = vector.broadcast %broadcast_in_dim3A_86 : f32 to vector<16xf32>
    %swap3A_88 = arith.constant 16 : index
    %swap3A_89 = tpu.vector_load %arg43[%swap3A_88] {strides = array<i32>} : memref<80xf32, #tpu.memory_space<vmem>>, vector<16xf32>,
    %swap3A_90 = vector.shape_cast %swap3A_89 : vector<16xf32> to vector<16xf32>
    %swap3A_91 = vector.shape_cast %broadcast_in_dim3A_87 : vector<16xf32> to vector<16xf32>
    tpu.vector_store %arg43[%swap3A_88], %swap3A_91 {strides = array<i32>} : memref<80xf32, #tpu.memory_space<vmem>>, vector<16xf32>,
    %broadcast_in_dim3A_92 = arith.constant 1.000000e+00 : f32
    %broadcast_in_dim3A_93 = vector.broadcast %broadcast_in_dim3A_92 : f32 to vector<16xf32>
    %swap3A_94 = arith.constant 32 : index
    %swap3A_95 = tpu.vector_load %arg43[%swap3A_94] {strides = array<i32>} : memref<80xf32, #tpu.memory_space<vmem>>, vector<16xf32>,
    %swap3A_96 = vector.shape_cast %swap3A_95 : vector<16xf32> to vector<16xf32>
    %swap3A_97 = vector.shape_cast %broadcast_in_dim3A_93 : vector<16xf32> to vector<16xf32>
    tpu.vector_store %arg43[%swap3A_94], %swap3A_97 {strides = array<i32>} : memref<80xf32, #tpu.memory_space<vmem>>, vector<16xf32>,
    %broadcast_in_dim3A_98 = arith.constant 1.000000e+00 : f32
    %broadcast_in_dim3A_99 = vector.broadcast %broadcast_in_dim3A_98 : f32 to vector<16xf32>
    %swap3A_100 = arith.constant 48 : index
    %swap3A_101 = tpu.vector_load %arg43[%swap3A_100] {strides = array<i32>} : memref<80xf32, #tpu.memory_space<vmem>>, vector<16xf32>,
    %swap3A_102 = vector.shape_cast %swap3A_101 : vector<16xf32> to vector<16xf32>
    %swap3A_103 = vector.shape_cast %broadcast_in_dim3A_99 : vector<16xf32> to vector<16xf32>
    tpu.vector_store %arg43[%swap3A_100], %swap3A_103 {strides = array<i32>} : memref<80xf32, #tpu.memory_space<vmem>>, vector<16xf32>,
    %broadcast_in_dim3A_104 = arith.constant 1.000000e+00 : f32
    %broadcast_in_dim3A_105 = vector.broadcast %broadcast_in_dim3A_104 : f32 to vector<16xf32>
    %swap3A_106 = arith.constant 64 : index
    %swap3A_107 = tpu.vector_load %arg43[%swap3A_106] {strides = array<i32>} : memref<80xf32, #tpu.memory_space<vmem>>, vector<16xf32>,
    %swap3A_108 = vector.shape_cast %swap3A_107 : vector<16xf32> to vector<16xf32>
    %swap3A_109 = vector.shape_cast %broadcast_in_dim3A_105 : vector<16xf32> to vector<16xf32>
    tpu.vector_store %arg43[%swap3A_106], %swap3A_109 {strides = array<i32>} : memref<80xf32, #tpu.memory_space<vmem>>, vector<16xf32>,
    %broadcast_in_dim3A_110 = arith.constant 0.000000e+00 : f32
    %broadcast_in_dim3A_111 = vector.broadcast %broadcast_in_dim3A_110 : f32 to vector<16xf32>
    %swap3A_112 = arith.constant 0 : index
    %swap3A_113 = tpu.vector_load %arg44[%swap3A_112] {strides = array<i32>} : memref<128xf32, #tpu.memory_space<vmem>>, vector<16xf32>,
    %swap3A_114 = vector.shape_cast %swap3A_113 : vector<16xf32> to vector<16xf32>
    %swap3A_115 = vector.shape_cast %broadcast_in_dim3A_111 : vector<16xf32> to vector<16xf32>
    tpu.vector_store %arg44[%swap3A_112], %swap3A_115 {strides = array<i32>} : memref<128xf32, #tpu.memory_space<vmem>>, vector<16xf32>,
    %broadcast_in_dim3A_116 = arith.constant 0.000000e+00 : f32
    %broadcast_in_dim3A_117 = vector.broadcast %broadcast_in_dim3A_116 : f32 to vector<16xf32>
    %swap3A_118 = arith.constant 16 : index
    %swap3A_119 = tpu.vector_load %arg44[%swap3A_118] {strides = array<i32>} : memref<128xf32, #tpu.memory_space<vmem>>, vector<16xf32>,
    %swap3A_120 = vector.shape_cast %swap3A_119 : vector<16xf32> to vector<16xf32>
    %swap3A_121 = vector.shape_cast %broadcast_in_dim3A_117 : vector<16xf32> to vector<16xf32>
    tpu.vector_store %arg44[%swap3A_118], %swap3A_121 {strides = array<i32>} : memref<128xf32, #tpu.memory_space<vmem>>, vector<16xf32>,
    %broadcast_in_dim3A_122 = arith.constant 0.000000e+00 : f32
    %broadcast_in_dim3A_123 = vector.broadcast %broadcast_in_dim3A_122 : f32 to vector<16xf32>
    %swap3A_124 = arith.constant 32 : index
    %swap3A_125 = tpu.vector_load %arg44[%swap3A_124] {strides = array<i32>} : memref<128xf32, #tpu.memory_space<vmem>>, vector<16xf32>,
    %swap3A_126 = vector.shape_cast %swap3A_125 : vector<16xf32> to vector<16xf32>
    %swap3A_127 = vector.shape_cast %broadcast_in_dim3A_123 : vector<16xf32> to vector<16xf32>
    tpu.vector_store %arg44[%swap3A_124], %swap3A_127 {strides = array<i32>} : memref<128xf32, #tpu.memory_space<vmem>>, vector<16xf32>,
    %broadcast_in_dim3A_128 = arith.constant 0.000000e+00 : f32
    %broadcast_in_dim3A_129 = vector.broadcast %broadcast_in_dim3A_128 : f32 to vector<16xf32>
    %swap3A_130 = arith.constant 48 : index
    %swap3A_131 = tpu.vector_load %arg44[%swap3A_130] {strides = array<i32>} : memref<128xf32, #tpu.memory_space<vmem>>, vector<16xf32>,
    %swap3A_132 = vector.shape_cast %swap3A_131 : vector<16xf32> to vector<16xf32>
    %swap3A_133 = vector.shape_cast %broadcast_in_dim3A_129 : vector<16xf32> to vector<16xf32>
    tpu.vector_store %arg44[%swap3A_130], %swap3A_133 {strides = array<i32>} : memref<128xf32, #tpu.memory_space<vmem>>, vector<16xf32>,
    %broadcast_in_dim3A_134 = arith.constant 0.000000e+00 : f32
    %broadcast_in_dim3A_135 = vector.broadcast %broadcast_in_dim3A_134 : f32 to vector<16xf32>
    %swap3A_136 = arith.constant 64 : index
    %swap3A_137 = tpu.vector_load %arg44[%swap3A_136] {strides = array<i32>} : memref<128xf32, #tpu.memory_space<vmem>>, vector<16xf32>,
    %swap3A_138 = vector.shape_cast %swap3A_137 : vector<16xf32> to vector<16xf32>
    %swap3A_139 = vector.shape_cast %broadcast_in_dim3A_135 : vector<16xf32> to vector<16xf32>
    tpu.vector_store %arg44[%swap3A_136], %swap3A_139 {strides = array<i32>} : memref<128xf32, #tpu.memory_space<vmem>>, vector<16xf32>,
    %broadcast_in_dim3A_140 = arith.constant 0.000000e+00 : f32
    %broadcast_in_dim3A_141 = vector.broadcast %broadcast_in_dim3A_140 : f32 to vector<16xf32>
    %swap3A_142 = arith.constant 80 : index
    %swap3A_143 = tpu.vector_load %arg44[%swap3A_142] {strides = array<i32>} : memref<128xf32, #tpu.memory_space<vmem>>, vector<16xf32>,
    %swap3A_144 = vector.shape_cast %swap3A_143 : vector<16xf32> to vector<16xf32>
    %swap3A_145 = vector.shape_cast %broadcast_in_dim3A_141 : vector<16xf32> to vector<16xf32>
    tpu.vector_store %arg44[%swap3A_142], %swap3A_145 {strides = array<i32>} : memref<128xf32, #tpu.memory_space<vmem>>, vector<16xf32>,
    %broadcast_in_dim3A_146 = arith.constant 0.000000e+00 : f32
    %broadcast_in_dim3A_147 = vector.broadcast %broadcast_in_dim3A_146 : f32 to vector<16xf32>
    %swap3A_148 = arith.constant 96 : index
    %swap3A_149 = tpu.vector_load %arg44[%swap3A_148] {strides = array<i32>} : memref<128xf32, #tpu.memory_space<vmem>>, vector<16xf32>,
    %swap3A_150 = vector.shape_cast %swap3A_149 : vector<16xf32> to vector<16xf32>
    %swap3A_151 = vector.shape_cast %broadcast_in_dim3A_147 : vector<16xf32> to vector<16xf32>
    tpu.vector_store %arg44[%swap3A_148], %swap3A_151 {strides = array<i32>} : memref<128xf32, #tpu.memory_space<vmem>>, vector<16xf32>,
    %broadcast_in_dim3A_152 = arith.constant 0.000000e+00 : f32
    %broadcast_in_dim3A_153 = vector.broadcast %broadcast_in_dim3A_152 : f32 to vector<16xf32>
    %swap3A_154 = arith.constant 112 : index
    %swap3A_155 = tpu.vector_load %arg44[%swap3A_154] {strides = array<i32>} : memref<128xf32, #tpu.memory_space<vmem>>, vector<16xf32>,
    %swap3A_156 = vector.shape_cast %swap3A_155 : vector<16xf32> to vector<16xf32>
    %swap3A_157 = vector.shape_cast %broadcast_in_dim3A_153 : vector<16xf32> to vector<16xf32>
    tpu.vector_store %arg44[%swap3A_154], %swap3A_157 {strides = array<i32>} : memref<128xf32, #tpu.memory_space<vmem>>, vector<16xf32>,
    %mul3A_158 = arith.constant 640 : i32
    %mul3A_159 = arith.muli %arg1, %mul3A_158 : i32
    %add3A_160 = arith.constant 0 : i32
    %add3A_161 = arith.addi %mul3A_159, %add3A_160 : i32
    "tpu.region"() ({
      %run_scoped3A = tpu.sem_alloc : memref<!tpu.dma_semaphore, #tpu.memory_space<semaphore_mem>>
      %dma_start3A_198 = tpu.memref_slice %arg45[%add3A_161] : memref<10240xf32, #tpu.memory_space<vmem_shared>> -> memref<128xf32, #tpu.memory_space<vmem_shared>>
      %dma_start3A_199 = tpu.memref_slice %arg45[%add3A_161] : memref<10240xf32, #tpu.memory_space<vmem_shared>> -> memref<128xf32, #tpu.memory_space<vmem_shared>>
      tpu.enqueue_dma source(%arg44 : memref<128xf32, #tpu.memory_space<vmem>>) target(%dma_start3A_199 : memref<128xf32, #tpu.memory_space<vmem_shared>>) target_semaphore(%run_scoped3A : memref<!tpu.dma_semaphore, #tpu.memory_space<semaphore_mem>>)
      %dma_wait3A_200 = tpu.memref_slice %arg45[%add3A_161] : memref<10240xf32, #tpu.memory_space<vmem_shared>> -> memref<128xf32, #tpu.memory_space<vmem_shared>>
      %dma_wait3A_201 = tpu.memref_slice %arg45[%add3A_161] : memref<10240xf32, #tpu.memory_space<vmem_shared>> -> memref<128xf32, #tpu.memory_space<vmem_shared>>
      tpu.wait_dma2 semaphore(%run_scoped3A : memref<!tpu.dma_semaphore, #tpu.memory_space<semaphore_mem>>) src(%arg44 : memref<128xf32, #tpu.memory_space<vmem>>) dst(%dma_wait3A_201 : memref<128xf32, #tpu.memory_space<vmem_shared>>)
      tpu.yield
    }) : () -> ()
    %mul3A_162 = arith.constant 640 : i32
    %mul3A_163 = arith.muli %arg1, %mul3A_162 : i32
    %add3A_164 = arith.constant 128 : i32
    %add3A_165 = arith.addi %mul3A_163, %add3A_164 : i32
    "tpu.region"() ({
      %run_scoped3A = tpu.sem_alloc : memref<!tpu.dma_semaphore, #tpu.memory_space<semaphore_mem>>
      %dma_start3A_198 = tpu.memref_slice %arg45[%add3A_165] : memref<10240xf32, #tpu.memory_space<vmem_shared>> -> memref<128xf32, #tpu.memory_space<vmem_shared>>
      %dma_start3A_199 = tpu.memref_slice %arg45[%add3A_165] : memref<10240xf32, #tpu.memory_space<vmem_shared>> -> memref<128xf32, #tpu.memory_space<vmem_shared>>
      tpu.enqueue_dma source(%arg44 : memref<128xf32, #tpu.memory_space<vmem>>) target(%dma_start3A_199 : memref<128xf32, #tpu.memory_space<vmem_shared>>) target_semaphore(%run_scoped3A : memref<!tpu.dma_semaphore, #tpu.memory_space<semaphore_mem>>)
      %dma_wait3A_200 = tpu.memref_slice %arg45[%add3A_165] : memref<10240xf32, #tpu.memory_space<vmem_shared>> -> memref<128xf32, #tpu.memory_space<vmem_shared>>
      %dma_wait3A_201 = tpu.memref_slice %arg45[%add3A_165] : memref<10240xf32, #tpu.memory_space<vmem_shared>> -> memref<128xf32, #tpu.memory_space<vmem_shared>>
      tpu.wait_dma2 semaphore(%run_scoped3A : memref<!tpu.dma_semaphore, #tpu.memory_space<semaphore_mem>>) src(%arg44 : memref<128xf32, #tpu.memory_space<vmem>>) dst(%dma_wait3A_201 : memref<128xf32, #tpu.memory_space<vmem_shared>>)
      tpu.yield
    }) : () -> ()
    %mul3A_166 = arith.constant 640 : i32
    %mul3A_167 = arith.muli %arg1, %mul3A_166 : i32
    %add3A_168 = arith.constant 256 : i32
    %add3A_169 = arith.addi %mul3A_167, %add3A_168 : i32
    "tpu.region"() ({
      %run_scoped3A = tpu.sem_alloc : memref<!tpu.dma_semaphore, #tpu.memory_space<semaphore_mem>>
      %dma_start3A_198 = tpu.memref_slice %arg45[%add3A_169] : memref<10240xf32, #tpu.memory_space<vmem_shared>> -> memref<128xf32, #tpu.memory_space<vmem_shared>>
      %dma_start3A_199 = tpu.memref_slice %arg45[%add3A_169] : memref<10240xf32, #tpu.memory_space<vmem_shared>> -> memref<128xf32, #tpu.memory_space<vmem_shared>>
      tpu.enqueue_dma source(%arg44 : memref<128xf32, #tpu.memory_space<vmem>>) target(%dma_start3A_199 : memref<128xf32, #tpu.memory_space<vmem_shared>>) target_semaphore(%run_scoped3A : memref<!tpu.dma_semaphore, #tpu.memory_space<semaphore_mem>>)
      %dma_wait3A_200 = tpu.memref_slice %arg45[%add3A_169] : memref<10240xf32, #tpu.memory_space<vmem_shared>> -> memref<128xf32, #tpu.memory_space<vmem_shared>>
      %dma_wait3A_201 = tpu.memref_slice %arg45[%add3A_169] : memref<10240xf32, #tpu.memory_space<vmem_shared>> -> memref<128xf32, #tpu.memory_space<vmem_shared>>
      tpu.wait_dma2 semaphore(%run_scoped3A : memref<!tpu.dma_semaphore, #tpu.memory_space<semaphore_mem>>) src(%arg44 : memref<128xf32, #tpu.memory_space<vmem>>) dst(%dma_wait3A_201 : memref<128xf32, #tpu.memory_space<vmem_shared>>)
      tpu.yield
    }) : () -> ()
    %mul3A_170 = arith.constant 640 : i32
    %mul3A_171 = arith.muli %arg1, %mul3A_170 : i32
    %add3A_172 = arith.constant 384 : i32
    %add3A_173 = arith.addi %mul3A_171, %add3A_172 : i32
    "tpu.region"() ({
      %run_scoped3A = tpu.sem_alloc : memref<!tpu.dma_semaphore, #tpu.memory_space<semaphore_mem>>
      %dma_start3A_198 = tpu.memref_slice %arg45[%add3A_173] : memref<10240xf32, #tpu.memory_space<vmem_shared>> -> memref<128xf32, #tpu.memory_space<vmem_shared>>
      %dma_start3A_199 = tpu.memref_slice %arg45[%add3A_173] : memref<10240xf32, #tpu.memory_space<vmem_shared>> -> memref<128xf32, #tpu.memory_space<vmem_shared>>
      tpu.enqueue_dma source(%arg44 : memref<128xf32, #tpu.memory_space<vmem>>) target(%dma_start3A_199 : memref<128xf32, #tpu.memory_space<vmem_shared>>) target_semaphore(%run_scoped3A : memref<!tpu.dma_semaphore, #tpu.memory_space<semaphore_mem>>)
      %dma_wait3A_200 = tpu.memref_slice %arg45[%add3A_173] : memref<10240xf32, #tpu.memory_space<vmem_shared>> -> memref<128xf32, #tpu.memory_space<vmem_shared>>
      %dma_wait3A_201 = tpu.memref_slice %arg45[%add3A_173] : memref<10240xf32, #tpu.memory_space<vmem_shared>> -> memref<128xf32, #tpu.memory_space<vmem_shared>>
      tpu.wait_dma2 semaphore(%run_scoped3A : memref<!tpu.dma_semaphore, #tpu.memory_space<semaphore_mem>>) src(%arg44 : memref<128xf32, #tpu.memory_space<vmem>>) dst(%dma_wait3A_201 : memref<128xf32, #tpu.memory_space<vmem_shared>>)
      tpu.yield
    }) : () -> ()
    %mul3A_174 = arith.constant 640 : i32
    %mul3A_175 = arith.muli %arg1, %mul3A_174 : i32
    %add3A_176 = arith.constant 512 : i32
    %add3A_177 = arith.addi %mul3A_175, %add3A_176 : i32
    "tpu.region"() ({
      %run_scoped3A = tpu.sem_alloc : memref<!tpu.dma_semaphore, #tpu.memory_space<semaphore_mem>>
      %dma_start3A_198 = tpu.memref_slice %arg45[%add3A_177] : memref<10240xf32, #tpu.memory_space<vmem_shared>> -> memref<128xf32, #tpu.memory_space<vmem_shared>>
      %dma_start3A_199 = tpu.memref_slice %arg45[%add3A_177] : memref<10240xf32, #tpu.memory_space<vmem_shared>> -> memref<128xf32, #tpu.memory_space<vmem_shared>>
      tpu.enqueue_dma source(%arg44 : memref<128xf32, #tpu.memory_space<vmem>>) target(%dma_start3A_199 : memref<128xf32, #tpu.memory_space<vmem_shared>>) target_semaphore(%run_scoped3A : memref<!tpu.dma_semaphore, #tpu.memory_space<semaphore_mem>>)
      %dma_wait3A_200 = tpu.memref_slice %arg45[%add3A_177] : memref<10240xf32, #tpu.memory_space<vmem_shared>> -> memref<128xf32, #tpu.memory_space<vmem_shared>>
      %dma_wait3A_201 = tpu.memref_slice %arg45[%add3A_177] : memref<10240xf32, #tpu.memory_space<vmem_shared>> -> memref<128xf32, #tpu.memory_space<vmem_shared>>
      tpu.wait_dma2 semaphore(%run_scoped3A : memref<!tpu.dma_semaphore, #tpu.memory_space<semaphore_mem>>) src(%arg44 : memref<128xf32, #tpu.memory_space<vmem>>) dst(%dma_wait3A_201 : memref<128xf32, #tpu.memory_space<vmem_shared>>)
      tpu.yield
    }) : () -> ()
    %barrier3A = arith.constant 0 : index
    tpu.barrier barrier_id(%barrier3A)
    %scan3A = arith.constant 0 : i32
    %scan3A_178 = arith.constant 0 : i32
    %scan3A_179 = arith.constant 16 : i32
    %scan3A_180 = arith.addi %scan3A_178, %scan3A_179 : i32
    %scan3A_181 = arith.constant 1 : i32
    scf.for %scan3A_198 = %scan3A_178 to %scan3A_180 step %scan3A_181  : i32 {
      %mul3A_199 = arith.constant 8 : i32
      %mul3A_200 = arith.muli %mul3A_199, %scan3A_198 : i32
      %add3A_201 = arith.constant 0 : i32
      %add3A_202 = arith.addi %mul3A_200, %add3A_201 : i32
      %lt3A = arith.constant 125 : i32
      %lt3A_203 = arith.cmpi slt, %add3A_202, %lt3A : i32
      %convert_element_type3A_204 = arith.extui %lt3A_203 : i1 to i32
      %cond3A_205 = arith.constant 0 : i32
      %cond3A_206 = arith.cmpi ne, %convert_element_type3A_204, %cond3A_205 : i32
      scf.if %cond3A_206 {
        %dma_wait3A_256 = arith.constant 0 : i32
        %dma_wait3A_257 = arith.constant 0 : i32
        %dma_wait3A_258 = tpu.memref_slice %arg2[%dma_wait3A_256, %dma_wait3A_257] : memref<10000x128xf32, #tpu.memory_space<hbm>> -> memref<10000x128xf32, #tpu.memory_space<hbm>>
        tpu.wait_indirect_dma semaphore(%arg35 : memref<!tpu.dma_semaphore, #tpu.memory_space<semaphore_mem>>) src(%dma_wait3A_258 : memref<10000x128xf32, #tpu.memory_space<hbm>>) dst(%arg22 : memref<80x128xf32, #tpu.memory_space<vmem>>)
        %ge3A = arith.constant 1 : i32
        %ge3A_259 = arith.cmpi sge, %add3A_202, %ge3A : i32
        %convert_element_type3A_260 = arith.extui %ge3A_259 : i1 to i32
        %cond3A_261 = arith.constant 0 : i32
        %cond3A_262 = arith.cmpi ne, %convert_element_type3A_260, %cond3A_261 : i32
        scf.if %cond3A_262 {
          %dma_wait3A_282 = arith.constant 0 : i32
          %dma_wait3A_283 = arith.constant 0 : i32
          %dma_wait3A_284 = tpu.memref_slice %arg26[%dma_wait3A_282, %dma_wait3A_283] : memref<10000x128xf32, #tpu.memory_space<vmem_shared>> -> memref<10000x128xf32, #tpu.memory_space<vmem_shared>>
          tpu.wait_indirect_dma semaphore(%arg42 : memref<!tpu.dma_semaphore, #tpu.memory_space<semaphore_mem>>) src(%arg25 : memref<80x128xf32, #tpu.memory_space<vmem>>) dst(%dma_wait3A_284 : memref<10000x128xf32, #tpu.memory_space<vmem_shared>>)
          %dma_wait3A_285 = arith.constant 0 : i32
          %dma_wait3A_286 = tpu.memref_slice %arg45[%dma_wait3A_285] : memref<10240xf32, #tpu.memory_space<vmem_shared>> -> memref<10240xf32, #tpu.memory_space<vmem_shared>>
          tpu.wait_indirect_dma semaphore(%arg42 : memref<!tpu.dma_semaphore, #tpu.memory_space<semaphore_mem>>) src(%arg43 : memref<80xf32, #tpu.memory_space<vmem>>) dst(%dma_wait3A_286 : memref<10240xf32, #tpu.memory_space<vmem_shared>>)
        } else {
        }
        %add3A_263 = arith.constant 3 : i32
        %add3A_264 = arith.addi %add3A_202, %add3A_263 : i32
        %lt3A_265 = arith.constant 125 : i32
        %lt3A_266 = arith.cmpi slt, %add3A_264, %lt3A_265 : i32
        %convert_element_type3A_267 = arith.extui %lt3A_266 : i1 to i32
        %cond3A_268 = arith.constant 0 : i32
        %cond3A_269 = arith.cmpi ne, %convert_element_type3A_267, %cond3A_268 : i32
        scf.if %cond3A_269 {
          %add3A_282 = arith.constant 3 : i32
          %add3A_283 = arith.addi %add3A_202, %add3A_282 : i32
          %mul3A_284 = arith.constant 80 : i32
          %mul3A_285 = arith.muli %add3A_283, %mul3A_284 : i32
          %add3A_286 = arith.addi %mul3A_2, %mul3A_285 : i32
          %dma_wait3A_287 = tpu.memref_slice %arg3[%add3A_286] : memref<640000xi32, #tpu.memory_space<hbm>> -> memref<80xi32, #tpu.memory_space<hbm>>
          %dma_wait3A_288 = tpu.memref_slice %arg3[%add3A_286] : memref<640000xi32, #tpu.memory_space<hbm>> -> memref<80xi32, #tpu.memory_space<hbm>>
          tpu.wait_dma2 semaphore(%arg30 : memref<!tpu.dma_semaphore, #tpu.memory_space<semaphore_mem>>) src(%dma_wait3A_288 : memref<80xi32, #tpu.memory_space<hbm>>) dst(%arg9 : memref<80xi32, #tpu.memory_space<vmem>>)
          %mul3A_289 = arith.constant 80 : i32
          %mul3A_290 = arith.muli %add3A_283, %mul3A_289 : i32
          %add3A_291 = arith.addi %add3A_6, %mul3A_290 : i32
          %dma_wait3A_292 = tpu.memref_slice %arg3[%add3A_291] : memref<640000xi32, #tpu.memory_space<hbm>> -> memref<80xi32, #tpu.memory_space<hbm>>
          %dma_wait3A_293 = tpu.memref_slice %arg3[%add3A_291] : memref<640000xi32, #tpu.memory_space<hbm>> -> memref<80xi32, #tpu.memory_space<hbm>>
          tpu.wait_dma2 semaphore(%arg30 : memref<!tpu.dma_semaphore, #tpu.memory_space<semaphore_mem>>) src(%dma_wait3A_293 : memref<80xi32, #tpu.memory_space<hbm>>) dst(%arg17 : memref<80xi32, #tpu.memory_space<vmem>>)
          %dma_start3A_294 = arith.constant 0 : i32
          %dma_start3A_295 = arith.constant 0 : i32
          %dma_start3A_296 = tpu.memref_slice %arg2[%dma_start3A_294, %dma_start3A_295] : memref<10000x128xf32, #tpu.memory_space<hbm>> -> memref<10000x128xf32, #tpu.memory_space<hbm>>
          tpu.enqueue_indirect_dma source(%dma_start3A_296 : memref<10000x128xf32, #tpu.memory_space<hbm>>) target(%arg25 : memref<80x128xf32, #tpu.memory_space<vmem>>) offsets(%arg9 : memref<80xi32, #tpu.memory_space<vmem>>) semaphore(%arg38 : memref<!tpu.dma_semaphore, #tpu.memory_space<semaphore_mem>>)
        } else {
        }
        %add3A_270 = arith.constant 5 : i32
        %add3A_271 = arith.addi %add3A_202, %add3A_270 : i32
        %lt3A_272 = arith.constant 125 : i32
        %lt3A_273 = arith.cmpi slt, %add3A_271, %lt3A_272 : i32
        %convert_element_type3A_274 = arith.extui %lt3A_273 : i1 to i32
        %cond3A_275 = arith.constant 0 : i32
        %cond3A_276 = arith.cmpi ne, %convert_element_type3A_274, %cond3A_275 : i32
        scf.if %cond3A_276 {
          %add3A_282 = arith.constant 5 : i32
          %add3A_283 = arith.addi %add3A_202, %add3A_282 : i32
          %mul3A_284 = arith.constant 80 : i32
          %mul3A_285 = arith.muli %add3A_283, %mul3A_284 : i32
          %add3A_286 = arith.addi %mul3A_2, %mul3A_285 : i32
          %dma_start3A_287 = tpu.memref_slice %arg3[%add3A_286] : memref<640000xi32, #tpu.memory_space<hbm>> -> memref<80xi32, #tpu.memory_space<hbm>>
          %dma_start3A_288 = tpu.memref_slice %arg3[%add3A_286] : memref<640000xi32, #tpu.memory_space<hbm>> -> memref<80xi32, #tpu.memory_space<hbm>>
          tpu.enqueue_dma source(%dma_start3A_288 : memref<80xi32, #tpu.memory_space<hbm>>) target(%arg11 : memref<80xi32, #tpu.memory_space<vmem>>) target_semaphore(%arg32 : memref<!tpu.dma_semaphore, #tpu.memory_space<semaphore_mem>>)
          %mul3A_289 = arith.constant 80 : i32
          %mul3A_290 = arith.muli %add3A_283, %mul3A_289 : i32
          %add3A_291 = arith.addi %add3A_6, %mul3A_290 : i32
          %dma_start3A_292 = tpu.memref_slice %arg3[%add3A_291] : memref<640000xi32, #tpu.memory_space<hbm>> -> memref<80xi32, #tpu.memory_space<hbm>>
          %dma_start3A_293 = tpu.memref_slice %arg3[%add3A_291] : memref<640000xi32, #tpu.memory_space<hbm>> -> memref<80xi32, #tpu.memory_space<hbm>>
          tpu.enqueue_dma source(%dma_start3A_293 : memref<80xi32, #tpu.memory_space<hbm>>) target(%arg19 : memref<80xi32, #tpu.memory_space<vmem>>) target_semaphore(%arg32 : memref<!tpu.dma_semaphore, #tpu.memory_space<semaphore_mem>>)
        } else {
        }
        %dma_start3A_277 = arith.constant 0 : i32
        %dma_start3A_278 = arith.constant 0 : i32
        %dma_start3A_279 = tpu.memref_slice %arg26[%dma_start3A_277, %dma_start3A_278] : memref<10000x128xf32, #tpu.memory_space<vmem_shared>> -> memref<10000x128xf32, #tpu.memory_space<vmem_shared>>
        tpu.enqueue_indirect_dma source(%arg22 : memref<80x128xf32, #tpu.memory_space<vmem>>) target(%dma_start3A_279 : memref<10000x128xf32, #tpu.memory_space<vmem_shared>>) offsets(%arg14 : memref<80xi32, #tpu.memory_space<vmem>>) semaphore(%arg39 : memref<!tpu.dma_semaphore, #tpu.memory_space<semaphore_mem>>) {add = true}
        %dma_start3A_280 = arith.constant 0 : i32
        %dma_start3A_281 = tpu.memref_slice %arg45[%dma_start3A_280] : memref<10240xf32, #tpu.memory_space<vmem_shared>> -> memref<10240xf32, #tpu.memory_space<vmem_shared>>
        tpu.enqueue_indirect_dma source(%arg43 : memref<80xf32, #tpu.memory_space<vmem>>) target(%dma_start3A_281 : memref<10240xf32, #tpu.memory_space<vmem_shared>>) offsets(%arg14 : memref<80xi32, #tpu.memory_space<vmem>>) semaphore(%arg39 : memref<!tpu.dma_semaphore, #tpu.memory_space<semaphore_mem>>) {add = true}
      } else {
      }
      %add3A_207 = arith.constant 1 : i32
      %add3A_208 = arith.addi %mul3A_200, %add3A_207 : i32
      %lt3A_209 = arith.constant 125 : i32
      %lt3A_210 = arith.cmpi slt, %add3A_208, %lt3A_209 : i32
      %convert_element_type3A_211 = arith.extui %lt3A_210 : i1 to i32
      %cond3A_212 = arith.constant 0 : i32
      %cond3A_213 = arith.cmpi ne, %convert_element_type3A_211, %cond3A_212 : i32
      scf.if %cond3A_213 {
        %dma_wait3A_256 = arith.constant 0 : i32
        %dma_wait3A_257 = arith.constant 0 : i32
        %dma_wait3A_258 = tpu.memref_slice %arg2[%dma_wait3A_256, %dma_wait3A_257] : memref<10000x128xf32, #tpu.memory_space<hbm>> -> memref<10000x128xf32, #tpu.memory_space<hbm>>
        tpu.wait_indirect_dma semaphore(%arg36 : memref<!tpu.dma_semaphore, #tpu.memory_space<semaphore_mem>>) src(%dma_wait3A_258 : memref<10000x128xf32, #tpu.memory_space<hbm>>) dst(%arg23 : memref<80x128xf32, #tpu.memory_space<vmem>>)
        %dma_wait3A_259 = arith.constant 0 : i32
        %dma_wait3A_260 = arith.constant 0 : i32
        %dma_wait3A_261 = tpu.memref_slice %arg26[%dma_wait3A_259, %dma_wait3A_260] : memref<10000x128xf32, #tpu.memory_space<vmem_shared>> -> memref<10000x128xf32, #tpu.memory_space<vmem_shared>>
        tpu.wait_indirect_dma semaphore(%arg39 : memref<!tpu.dma_semaphore, #tpu.memory_space<semaphore_mem>>) src(%arg22 : memref<80x128xf32, #tpu.memory_space<vmem>>) dst(%dma_wait3A_261 : memref<10000x128xf32, #tpu.memory_space<vmem_shared>>)
        %dma_wait3A_262 = arith.constant 0 : i32
        %dma_wait3A_263 = tpu.memref_slice %arg45[%dma_wait3A_262] : memref<10240xf32, #tpu.memory_space<vmem_shared>> -> memref<10240xf32, #tpu.memory_space<vmem_shared>>
        tpu.wait_indirect_dma semaphore(%arg39 : memref<!tpu.dma_semaphore, #tpu.memory_space<semaphore_mem>>) src(%arg43 : memref<80xf32, #tpu.memory_space<vmem>>) dst(%dma_wait3A_263 : memref<10240xf32, #tpu.memory_space<vmem_shared>>)
        %add3A_264 = arith.constant 3 : i32
        %add3A_265 = arith.addi %add3A_208, %add3A_264 : i32
        %lt3A_266 = arith.constant 125 : i32
        %lt3A_267 = arith.cmpi slt, %add3A_265, %lt3A_266 : i32
        %convert_element_type3A_268 = arith.extui %lt3A_267 : i1 to i32
        %cond3A_269 = arith.constant 0 : i32
        %cond3A_270 = arith.cmpi ne, %convert_element_type3A_268, %cond3A_269 : i32
        scf.if %cond3A_270 {
          %add3A_283 = arith.constant 3 : i32
          %add3A_284 = arith.addi %add3A_208, %add3A_283 : i32
          %mul3A_285 = arith.constant 80 : i32
          %mul3A_286 = arith.muli %add3A_284, %mul3A_285 : i32
          %add3A_287 = arith.addi %mul3A_2, %mul3A_286 : i32
          %dma_wait3A_288 = tpu.memref_slice %arg3[%add3A_287] : memref<640000xi32, #tpu.memory_space<hbm>> -> memref<80xi32, #tpu.memory_space<hbm>>
          %dma_wait3A_289 = tpu.memref_slice %arg3[%add3A_287] : memref<640000xi32, #tpu.memory_space<hbm>> -> memref<80xi32, #tpu.memory_space<hbm>>
          tpu.wait_dma2 semaphore(%arg31 : memref<!tpu.dma_semaphore, #tpu.memory_space<semaphore_mem>>) src(%dma_wait3A_289 : memref<80xi32, #tpu.memory_space<hbm>>) dst(%arg10 : memref<80xi32, #tpu.memory_space<vmem>>)
          %mul3A_290 = arith.constant 80 : i32
          %mul3A_291 = arith.muli %add3A_284, %mul3A_290 : i32
          %add3A_292 = arith.addi %add3A_6, %mul3A_291 : i32
          %dma_wait3A_293 = tpu.memref_slice %arg3[%add3A_292] : memref<640000xi32, #tpu.memory_space<hbm>> -> memref<80xi32, #tpu.memory_space<hbm>>
          %dma_wait3A_294 = tpu.memref_slice %arg3[%add3A_292] : memref<640000xi32, #tpu.memory_space<hbm>> -> memref<80xi32, #tpu.memory_space<hbm>>
          tpu.wait_dma2 semaphore(%arg31 : memref<!tpu.dma_semaphore, #tpu.memory_space<semaphore_mem>>) src(%dma_wait3A_294 : memref<80xi32, #tpu.memory_space<hbm>>) dst(%arg18 : memref<80xi32, #tpu.memory_space<vmem>>)
          %dma_start3A_295 = arith.constant 0 : i32
          %dma_start3A_296 = arith.constant 0 : i32
          %dma_start3A_297 = tpu.memref_slice %arg2[%dma_start3A_295, %dma_start3A_296] : memref<10000x128xf32, #tpu.memory_space<hbm>> -> memref<10000x128xf32, #tpu.memory_space<hbm>>
          tpu.enqueue_indirect_dma source(%dma_start3A_297 : memref<10000x128xf32, #tpu.memory_space<hbm>>) target(%arg22 : memref<80x128xf32, #tpu.memory_space<vmem>>) offsets(%arg10 : memref<80xi32, #tpu.memory_space<vmem>>) semaphore(%arg35 : memref<!tpu.dma_semaphore, #tpu.memory_space<semaphore_mem>>)
        } else {
        }
        %add3A_271 = arith.constant 5 : i32
        %add3A_272 = arith.addi %add3A_208, %add3A_271 : i32
        %lt3A_273 = arith.constant 125 : i32
        %lt3A_274 = arith.cmpi slt, %add3A_272, %lt3A_273 : i32
        %convert_element_type3A_275 = arith.extui %lt3A_274 : i1 to i32
        %cond3A_276 = arith.constant 0 : i32
        %cond3A_277 = arith.cmpi ne, %convert_element_type3A_275, %cond3A_276 : i32
        scf.if %cond3A_277 {
          %add3A_283 = arith.constant 5 : i32
          %add3A_284 = arith.addi %add3A_208, %add3A_283 : i32
          %mul3A_285 = arith.constant 80 : i32
          %mul3A_286 = arith.muli %add3A_284, %mul3A_285 : i32
          %add3A_287 = arith.addi %mul3A_2, %mul3A_286 : i32
          %dma_start3A_288 = tpu.memref_slice %arg3[%add3A_287] : memref<640000xi32, #tpu.memory_space<hbm>> -> memref<80xi32, #tpu.memory_space<hbm>>
          %dma_start3A_289 = tpu.memref_slice %arg3[%add3A_287] : memref<640000xi32, #tpu.memory_space<hbm>> -> memref<80xi32, #tpu.memory_space<hbm>>
          tpu.enqueue_dma source(%dma_start3A_289 : memref<80xi32, #tpu.memory_space<hbm>>) target(%arg12 : memref<80xi32, #tpu.memory_space<vmem>>) target_semaphore(%arg33 : memref<!tpu.dma_semaphore, #tpu.memory_space<semaphore_mem>>)
          %mul3A_290 = arith.constant 80 : i32
          %mul3A_291 = arith.muli %add3A_284, %mul3A_290 : i32
          %add3A_292 = arith.addi %add3A_6, %mul3A_291 : i32
          %dma_start3A_293 = tpu.memref_slice %arg3[%add3A_292] : memref<640000xi32, #tpu.memory_space<hbm>> -> memref<80xi32, #tpu.memory_space<hbm>>
          %dma_start3A_294 = tpu.memref_slice %arg3[%add3A_292] : memref<640000xi32, #tpu.memory_space<hbm>> -> memref<80xi32, #tpu.memory_space<hbm>>
          tpu.enqueue_dma source(%dma_start3A_294 : memref<80xi32, #tpu.memory_space<hbm>>) target(%arg20 : memref<80xi32, #tpu.memory_space<vmem>>) target_semaphore(%arg33 : memref<!tpu.dma_semaphore, #tpu.memory_space<semaphore_mem>>)
        } else {
        }
        %dma_start3A_278 = arith.constant 0 : i32
        %dma_start3A_279 = arith.constant 0 : i32
        %dma_start3A_280 = tpu.memref_slice %arg26[%dma_start3A_278, %dma_start3A_279] : memref<10000x128xf32, #tpu.memory_space<vmem_shared>> -> memref<10000x128xf32, #tpu.memory_space<vmem_shared>>
        tpu.enqueue_indirect_dma source(%arg23 : memref<80x128xf32, #tpu.memory_space<vmem>>) target(%dma_start3A_280 : memref<10000x128xf32, #tpu.memory_space<vmem_shared>>) offsets(%arg15 : memref<80xi32, #tpu.memory_space<vmem>>) semaphore(%arg40 : memref<!tpu.dma_semaphore, #tpu.memory_space<semaphore_mem>>) {add = true}
        %dma_start3A_281 = arith.constant 0 : i32
        %dma_start3A_282 = tpu.memref_slice %arg45[%dma_start3A_281] : memref<10240xf32, #tpu.memory_space<vmem_shared>> -> memref<10240xf32, #tpu.memory_space<vmem_shared>>
        tpu.enqueue_indirect_dma source(%arg43 : memref<80xf32, #tpu.memory_space<vmem>>) target(%dma_start3A_282 : memref<10240xf32, #tpu.memory_space<vmem_shared>>) offsets(%arg15 : memref<80xi32, #tpu.memory_space<vmem>>) semaphore(%arg40 : memref<!tpu.dma_semaphore, #tpu.memory_space<semaphore_mem>>) {add = true}
      } else {
      }
      %add3A_214 = arith.constant 2 : i32
      %add3A_215 = arith.addi %mul3A_200, %add3A_214 : i32
      %lt3A_216 = arith.constant 125 : i32
      %lt3A_217 = arith.cmpi slt, %add3A_215, %lt3A_216 : i32
      %convert_element_type3A_218 = arith.extui %lt3A_217 : i1 to i32
      %cond3A_219 = arith.constant 0 : i32
      %cond3A_220 = arith.cmpi ne, %convert_element_type3A_218, %cond3A_219 : i32
      scf.if %cond3A_220 {
        %dma_wait3A_256 = arith.constant 0 : i32
        %dma_wait3A_257 = arith.constant 0 : i32
        %dma_wait3A_258 = tpu.memref_slice %arg2[%dma_wait3A_256, %dma_wait3A_257] : memref<10000x128xf32, #tpu.memory_space<hbm>> -> memref<10000x128xf32, #tpu.memory_space<hbm>>
        tpu.wait_indirect_dma semaphore(%arg37 : memref<!tpu.dma_semaphore, #tpu.memory_space<semaphore_mem>>) src(%dma_wait3A_258 : memref<10000x128xf32, #tpu.memory_space<hbm>>) dst(%arg24 : memref<80x128xf32, #tpu.memory_space<vmem>>)
        %dma_wait3A_259 = arith.constant 0 : i32
        %dma_wait3A_260 = arith.constant 0 : i32
        %dma_wait3A_261 = tpu.memref_slice %arg26[%dma_wait3A_259, %dma_wait3A_260] : memref<10000x128xf32, #tpu.memory_space<vmem_shared>> -> memref<10000x128xf32, #tpu.memory_space<vmem_shared>>
        tpu.wait_indirect_dma semaphore(%arg40 : memref<!tpu.dma_semaphore, #tpu.memory_space<semaphore_mem>>) src(%arg23 : memref<80x128xf32, #tpu.memory_space<vmem>>) dst(%dma_wait3A_261 : memref<10000x128xf32, #tpu.memory_space<vmem_shared>>)
        %dma_wait3A_262 = arith.constant 0 : i32
        %dma_wait3A_263 = tpu.memref_slice %arg45[%dma_wait3A_262] : memref<10240xf32, #tpu.memory_space<vmem_shared>> -> memref<10240xf32, #tpu.memory_space<vmem_shared>>
        tpu.wait_indirect_dma semaphore(%arg40 : memref<!tpu.dma_semaphore, #tpu.memory_space<semaphore_mem>>) src(%arg43 : memref<80xf32, #tpu.memory_space<vmem>>) dst(%dma_wait3A_263 : memref<10240xf32, #tpu.memory_space<vmem_shared>>)
        %add3A_264 = arith.constant 3 : i32
        %add3A_265 = arith.addi %add3A_215, %add3A_264 : i32
        %lt3A_266 = arith.constant 125 : i32
        %lt3A_267 = arith.cmpi slt, %add3A_265, %lt3A_266 : i32
        %convert_element_type3A_268 = arith.extui %lt3A_267 : i1 to i32
        %cond3A_269 = arith.constant 0 : i32
        %cond3A_270 = arith.cmpi ne, %convert_element_type3A_268, %cond3A_269 : i32
        scf.if %cond3A_270 {
          %add3A_283 = arith.constant 3 : i32
          %add3A_284 = arith.addi %add3A_215, %add3A_283 : i32
          %mul3A_285 = arith.constant 80 : i32
          %mul3A_286 = arith.muli %add3A_284, %mul3A_285 : i32
          %add3A_287 = arith.addi %mul3A_2, %mul3A_286 : i32
          %dma_wait3A_288 = tpu.memref_slice %arg3[%add3A_287] : memref<640000xi32, #tpu.memory_space<hbm>> -> memref<80xi32, #tpu.memory_space<hbm>>
          %dma_wait3A_289 = tpu.memref_slice %arg3[%add3A_287] : memref<640000xi32, #tpu.memory_space<hbm>> -> memref<80xi32, #tpu.memory_space<hbm>>
          tpu.wait_dma2 semaphore(%arg32 : memref<!tpu.dma_semaphore, #tpu.memory_space<semaphore_mem>>) src(%dma_wait3A_289 : memref<80xi32, #tpu.memory_space<hbm>>) dst(%arg11 : memref<80xi32, #tpu.memory_space<vmem>>)
          %mul3A_290 = arith.constant 80 : i32
          %mul3A_291 = arith.muli %add3A_284, %mul3A_290 : i32
          %add3A_292 = arith.addi %add3A_6, %mul3A_291 : i32
          %dma_wait3A_293 = tpu.memref_slice %arg3[%add3A_292] : memref<640000xi32, #tpu.memory_space<hbm>> -> memref<80xi32, #tpu.memory_space<hbm>>
          %dma_wait3A_294 = tpu.memref_slice %arg3[%add3A_292] : memref<640000xi32, #tpu.memory_space<hbm>> -> memref<80xi32, #tpu.memory_space<hbm>>
          tpu.wait_dma2 semaphore(%arg32 : memref<!tpu.dma_semaphore, #tpu.memory_space<semaphore_mem>>) src(%dma_wait3A_294 : memref<80xi32, #tpu.memory_space<hbm>>) dst(%arg19 : memref<80xi32, #tpu.memory_space<vmem>>)
          %dma_start3A_295 = arith.constant 0 : i32
          %dma_start3A_296 = arith.constant 0 : i32
          %dma_start3A_297 = tpu.memref_slice %arg2[%dma_start3A_295, %dma_start3A_296] : memref<10000x128xf32, #tpu.memory_space<hbm>> -> memref<10000x128xf32, #tpu.memory_space<hbm>>
          tpu.enqueue_indirect_dma source(%dma_start3A_297 : memref<10000x128xf32, #tpu.memory_space<hbm>>) target(%arg23 : memref<80x128xf32, #tpu.memory_space<vmem>>) offsets(%arg11 : memref<80xi32, #tpu.memory_space<vmem>>) semaphore(%arg36 : memref<!tpu.dma_semaphore, #tpu.memory_space<semaphore_mem>>)
        } else {
        }
        %add3A_271 = arith.constant 5 : i32
        %add3A_272 = arith.addi %add3A_215, %add3A_271 : i32
        %lt3A_273 = arith.constant 125 : i32
        %lt3A_274 = arith.cmpi slt, %add3A_272, %lt3A_273 : i32
        %convert_element_type3A_275 = arith.extui %lt3A_274 : i1 to i32
        %cond3A_276 = arith.constant 0 : i32
        %cond3A_277 = arith.cmpi ne, %convert_element_type3A_275, %cond3A_276 : i32
        scf.if %cond3A_277 {
          %add3A_283 = arith.constant 5 : i32
          %add3A_284 = arith.addi %add3A_215, %add3A_283 : i32
          %mul3A_285 = arith.constant 80 : i32
          %mul3A_286 = arith.muli %add3A_284, %mul3A_285 : i32
          %add3A_287 = arith.addi %mul3A_2, %mul3A_286 : i32
          %dma_start3A_288 = tpu.memref_slice %arg3[%add3A_287] : memref<640000xi32, #tpu.memory_space<hbm>> -> memref<80xi32, #tpu.memory_space<hbm>>
          %dma_start3A_289 = tpu.memref_slice %arg3[%add3A_287] : memref<640000xi32, #tpu.memory_space<hbm>> -> memref<80xi32, #tpu.memory_space<hbm>>
          tpu.enqueue_dma source(%dma_start3A_289 : memref<80xi32, #tpu.memory_space<hbm>>) target(%arg13 : memref<80xi32, #tpu.memory_space<vmem>>) target_semaphore(%arg34 : memref<!tpu.dma_semaphore, #tpu.memory_space<semaphore_mem>>)
          %mul3A_290 = arith.constant 80 : i32
          %mul3A_291 = arith.muli %add3A_284, %mul3A_290 : i32
          %add3A_292 = arith.addi %add3A_6, %mul3A_291 : i32
          %dma_start3A_293 = tpu.memref_slice %arg3[%add3A_292] : memref<640000xi32, #tpu.memory_space<hbm>> -> memref<80xi32, #tpu.memory_space<hbm>>
          %dma_start3A_294 = tpu.memref_slice %arg3[%add3A_292] : memref<640000xi32, #tpu.memory_space<hbm>> -> memref<80xi32, #tpu.memory_space<hbm>>
          tpu.enqueue_dma source(%dma_start3A_294 : memref<80xi32, #tpu.memory_space<hbm>>) target(%arg21 : memref<80xi32, #tpu.memory_space<vmem>>) target_semaphore(%arg34 : memref<!tpu.dma_semaphore, #tpu.memory_space<semaphore_mem>>)
        } else {
        }
        %dma_start3A_278 = arith.constant 0 : i32
        %dma_start3A_279 = arith.constant 0 : i32
        %dma_start3A_280 = tpu.memref_slice %arg26[%dma_start3A_278, %dma_start3A_279] : memref<10000x128xf32, #tpu.memory_space<vmem_shared>> -> memref<10000x128xf32, #tpu.memory_space<vmem_shared>>
        tpu.enqueue_indirect_dma source(%arg24 : memref<80x128xf32, #tpu.memory_space<vmem>>) target(%dma_start3A_280 : memref<10000x128xf32, #tpu.memory_space<vmem_shared>>) offsets(%arg16 : memref<80xi32, #tpu.memory_space<vmem>>) semaphore(%arg41 : memref<!tpu.dma_semaphore, #tpu.memory_space<semaphore_mem>>) {add = true}
        %dma_start3A_281 = arith.constant 0 : i32
        %dma_start3A_282 = tpu.memref_slice %arg45[%dma_start3A_281] : memref<10240xf32, #tpu.memory_space<vmem_shared>> -> memref<10240xf32, #tpu.memory_space<vmem_shared>>
        tpu.enqueue_indirect_dma source(%arg43 : memref<80xf32, #tpu.memory_space<vmem>>) target(%dma_start3A_282 : memref<10240xf32, #tpu.memory_space<vmem_shared>>) offsets(%arg16 : memref<80xi32, #tpu.memory_space<vmem>>) semaphore(%arg41 : memref<!tpu.dma_semaphore, #tpu.memory_space<semaphore_mem>>) {add = true}
      } else {
      }
      %add3A_221 = arith.constant 3 : i32
      %add3A_222 = arith.addi %mul3A_200, %add3A_221 : i32
      %lt3A_223 = arith.constant 125 : i32
      %lt3A_224 = arith.cmpi slt, %add3A_222, %lt3A_223 : i32
      %convert_element_type3A_225 = arith.extui %lt3A_224 : i1 to i32
      %cond3A_226 = arith.constant 0 : i32
      %cond3A_227 = arith.cmpi ne, %convert_element_type3A_225, %cond3A_226 : i32
      scf.if %cond3A_227 {
        %dma_wait3A_256 = arith.constant 0 : i32
        %dma_wait3A_257 = arith.constant 0 : i32
        %dma_wait3A_258 = tpu.memref_slice %arg2[%dma_wait3A_256, %dma_wait3A_257] : memref<10000x128xf32, #tpu.memory_space<hbm>> -> memref<10000x128xf32, #tpu.memory_space<hbm>>
        tpu.wait_indirect_dma semaphore(%arg38 : memref<!tpu.dma_semaphore, #tpu.memory_space<semaphore_mem>>) src(%dma_wait3A_258 : memref<10000x128xf32, #tpu.memory_space<hbm>>) dst(%arg25 : memref<80x128xf32, #tpu.memory_space<vmem>>)
        %dma_wait3A_259 = arith.constant 0 : i32
        %dma_wait3A_260 = arith.constant 0 : i32
        %dma_wait3A_261 = tpu.memref_slice %arg26[%dma_wait3A_259, %dma_wait3A_260] : memref<10000x128xf32, #tpu.memory_space<vmem_shared>> -> memref<10000x128xf32, #tpu.memory_space<vmem_shared>>
        tpu.wait_indirect_dma semaphore(%arg41 : memref<!tpu.dma_semaphore, #tpu.memory_space<semaphore_mem>>) src(%arg24 : memref<80x128xf32, #tpu.memory_space<vmem>>) dst(%dma_wait3A_261 : memref<10000x128xf32, #tpu.memory_space<vmem_shared>>)
        %dma_wait3A_262 = arith.constant 0 : i32
        %dma_wait3A_263 = tpu.memref_slice %arg45[%dma_wait3A_262] : memref<10240xf32, #tpu.memory_space<vmem_shared>> -> memref<10240xf32, #tpu.memory_space<vmem_shared>>
        tpu.wait_indirect_dma semaphore(%arg41 : memref<!tpu.dma_semaphore, #tpu.memory_space<semaphore_mem>>) src(%arg43 : memref<80xf32, #tpu.memory_space<vmem>>) dst(%dma_wait3A_263 : memref<10240xf32, #tpu.memory_space<vmem_shared>>)
        %add3A_264 = arith.constant 3 : i32
        %add3A_265 = arith.addi %add3A_222, %add3A_264 : i32
        %lt3A_266 = arith.constant 125 : i32
        %lt3A_267 = arith.cmpi slt, %add3A_265, %lt3A_266 : i32
        %convert_element_type3A_268 = arith.extui %lt3A_267 : i1 to i32
        %cond3A_269 = arith.constant 0 : i32
        %cond3A_270 = arith.cmpi ne, %convert_element_type3A_268, %cond3A_269 : i32
        scf.if %cond3A_270 {
          %add3A_283 = arith.constant 3 : i32
          %add3A_284 = arith.addi %add3A_222, %add3A_283 : i32
          %mul3A_285 = arith.constant 80 : i32
          %mul3A_286 = arith.muli %add3A_284, %mul3A_285 : i32
          %add3A_287 = arith.addi %mul3A_2, %mul3A_286 : i32
          %dma_wait3A_288 = tpu.memref_slice %arg3[%add3A_287] : memref<640000xi32, #tpu.memory_space<hbm>> -> memref<80xi32, #tpu.memory_space<hbm>>
          %dma_wait3A_289 = tpu.memref_slice %arg3[%add3A_287] : memref<640000xi32, #tpu.memory_space<hbm>> -> memref<80xi32, #tpu.memory_space<hbm>>
          tpu.wait_dma2 semaphore(%arg33 : memref<!tpu.dma_semaphore, #tpu.memory_space<semaphore_mem>>) src(%dma_wait3A_289 : memref<80xi32, #tpu.memory_space<hbm>>) dst(%arg12 : memref<80xi32, #tpu.memory_space<vmem>>)
          %mul3A_290 = arith.constant 80 : i32
          %mul3A_291 = arith.muli %add3A_284, %mul3A_290 : i32
          %add3A_292 = arith.addi %add3A_6, %mul3A_291 : i32
          %dma_wait3A_293 = tpu.memref_slice %arg3[%add3A_292] : memref<640000xi32, #tpu.memory_space<hbm>> -> memref<80xi32, #tpu.memory_space<hbm>>
          %dma_wait3A_294 = tpu.memref_slice %arg3[%add3A_292] : memref<640000xi32, #tpu.memory_space<hbm>> -> memref<80xi32, #tpu.memory_space<hbm>>
          tpu.wait_dma2 semaphore(%arg33 : memref<!tpu.dma_semaphore, #tpu.memory_space<semaphore_mem>>) src(%dma_wait3A_294 : memref<80xi32, #tpu.memory_space<hbm>>) dst(%arg20 : memref<80xi32, #tpu.memory_space<vmem>>)
          %dma_start3A_295 = arith.constant 0 : i32
          %dma_start3A_296 = arith.constant 0 : i32
          %dma_start3A_297 = tpu.memref_slice %arg2[%dma_start3A_295, %dma_start3A_296] : memref<10000x128xf32, #tpu.memory_space<hbm>> -> memref<10000x128xf32, #tpu.memory_space<hbm>>
          tpu.enqueue_indirect_dma source(%dma_start3A_297 : memref<10000x128xf32, #tpu.memory_space<hbm>>) target(%arg24 : memref<80x128xf32, #tpu.memory_space<vmem>>) offsets(%arg12 : memref<80xi32, #tpu.memory_space<vmem>>) semaphore(%arg37 : memref<!tpu.dma_semaphore, #tpu.memory_space<semaphore_mem>>)
        } else {
        }
        %add3A_271 = arith.constant 5 : i32
        %add3A_272 = arith.addi %add3A_222, %add3A_271 : i32
        %lt3A_273 = arith.constant 125 : i32
        %lt3A_274 = arith.cmpi slt, %add3A_272, %lt3A_273 : i32
        %convert_element_type3A_275 = arith.extui %lt3A_274 : i1 to i32
        %cond3A_276 = arith.constant 0 : i32
        %cond3A_277 = arith.cmpi ne, %convert_element_type3A_275, %cond3A_276 : i32
        scf.if %cond3A_277 {
          %add3A_283 = arith.constant 5 : i32
          %add3A_284 = arith.addi %add3A_222, %add3A_283 : i32
          %mul3A_285 = arith.constant 80 : i32
          %mul3A_286 = arith.muli %add3A_284, %mul3A_285 : i32
          %add3A_287 = arith.addi %mul3A_2, %mul3A_286 : i32
          %dma_start3A_288 = tpu.memref_slice %arg3[%add3A_287] : memref<640000xi32, #tpu.memory_space<hbm>> -> memref<80xi32, #tpu.memory_space<hbm>>
          %dma_start3A_289 = tpu.memref_slice %arg3[%add3A_287] : memref<640000xi32, #tpu.memory_space<hbm>> -> memref<80xi32, #tpu.memory_space<hbm>>
          tpu.enqueue_dma source(%dma_start3A_289 : memref<80xi32, #tpu.memory_space<hbm>>) target(%arg6 : memref<80xi32, #tpu.memory_space<vmem>>) target_semaphore(%arg27 : memref<!tpu.dma_semaphore, #tpu.memory_space<semaphore_mem>>)
          %mul3A_290 = arith.constant 80 : i32
          %mul3A_291 = arith.muli %add3A_284, %mul3A_290 : i32
          %add3A_292 = arith.addi %add3A_6, %mul3A_291 : i32
          %dma_start3A_293 = tpu.memref_slice %arg3[%add3A_292] : memref<640000xi32, #tpu.memory_space<hbm>> -> memref<80xi32, #tpu.memory_space<hbm>>
          %dma_start3A_294 = tpu.memref_slice %arg3[%add3A_292] : memref<640000xi32, #tpu.memory_space<hbm>> -> memref<80xi32, #tpu.memory_space<hbm>>
          tpu.enqueue_dma source(%dma_start3A_294 : memref<80xi32, #tpu.memory_space<hbm>>) target(%arg14 : memref<80xi32, #tpu.memory_space<vmem>>) target_semaphore(%arg27 : memref<!tpu.dma_semaphore, #tpu.memory_space<semaphore_mem>>)
        } else {
        }
        %dma_start3A_278 = arith.constant 0 : i32
        %dma_start3A_279 = arith.constant 0 : i32
        %dma_start3A_280 = tpu.memref_slice %arg26[%dma_start3A_278, %dma_start3A_279] : memref<10000x128xf32, #tpu.memory_space<vmem_shared>> -> memref<10000x128xf32, #tpu.memory_space<vmem_shared>>
        tpu.enqueue_indirect_dma source(%arg25 : memref<80x128xf32, #tpu.memory_space<vmem>>) target(%dma_start3A_280 : memref<10000x128xf32, #tpu.memory_space<vmem_shared>>) offsets(%arg17 : memref<80xi32, #tpu.memory_space<vmem>>) semaphore(%arg42 : memref<!tpu.dma_semaphore, #tpu.memory_space<semaphore_mem>>) {add = true}
        %dma_start3A_281 = arith.constant 0 : i32
        %dma_start3A_282 = tpu.memref_slice %arg45[%dma_start3A_281] : memref<10240xf32, #tpu.memory_space<vmem_shared>> -> memref<10240xf32, #tpu.memory_space<vmem_shared>>
        tpu.enqueue_indirect_dma source(%arg43 : memref<80xf32, #tpu.memory_space<vmem>>) target(%dma_start3A_282 : memref<10240xf32, #tpu.memory_space<vmem_shared>>) offsets(%arg17 : memref<80xi32, #tpu.memory_space<vmem>>) semaphore(%arg42 : memref<!tpu.dma_semaphore, #tpu.memory_space<semaphore_mem>>) {add = true}
      } else {
      }
      %add3A_228 = arith.constant 4 : i32
      %add3A_229 = arith.addi %mul3A_200, %add3A_228 : i32
      %lt3A_230 = arith.constant 125 : i32
      %lt3A_231 = arith.cmpi slt, %add3A_229, %lt3A_230 : i32
      %convert_element_type3A_232 = arith.extui %lt3A_231 : i1 to i32
      %cond3A_233 = arith.constant 0 : i32
      %cond3A_234 = arith.cmpi ne, %convert_element_type3A_232, %cond3A_233 : i32
      scf.if %cond3A_234 {
        %dma_wait3A_256 = arith.constant 0 : i32
        %dma_wait3A_257 = arith.constant 0 : i32
        %dma_wait3A_258 = tpu.memref_slice %arg2[%dma_wait3A_256, %dma_wait3A_257] : memref<10000x128xf32, #tpu.memory_space<hbm>> -> memref<10000x128xf32, #tpu.memory_space<hbm>>
        tpu.wait_indirect_dma semaphore(%arg35 : memref<!tpu.dma_semaphore, #tpu.memory_space<semaphore_mem>>) src(%dma_wait3A_258 : memref<10000x128xf32, #tpu.memory_space<hbm>>) dst(%arg22 : memref<80x128xf32, #tpu.memory_space<vmem>>)
        %dma_wait3A_259 = arith.constant 0 : i32
        %dma_wait3A_260 = arith.constant 0 : i32
        %dma_wait3A_261 = tpu.memref_slice %arg26[%dma_wait3A_259, %dma_wait3A_260] : memref<10000x128xf32, #tpu.memory_space<vmem_shared>> -> memref<10000x128xf32, #tpu.memory_space<vmem_shared>>
        tpu.wait_indirect_dma semaphore(%arg42 : memref<!tpu.dma_semaphore, #tpu.memory_space<semaphore_mem>>) src(%arg25 : memref<80x128xf32, #tpu.memory_space<vmem>>) dst(%dma_wait3A_261 : memref<10000x128xf32, #tpu.memory_space<vmem_shared>>)
        %dma_wait3A_262 = arith.constant 0 : i32
        %dma_wait3A_263 = tpu.memref_slice %arg45[%dma_wait3A_262] : memref<10240xf32, #tpu.memory_space<vmem_shared>> -> memref<10240xf32, #tpu.memory_space<vmem_shared>>
        tpu.wait_indirect_dma semaphore(%arg42 : memref<!tpu.dma_semaphore, #tpu.memory_space<semaphore_mem>>) src(%arg43 : memref<80xf32, #tpu.memory_space<vmem>>) dst(%dma_wait3A_263 : memref<10240xf32, #tpu.memory_space<vmem_shared>>)
        %add3A_264 = arith.constant 3 : i32
        %add3A_265 = arith.addi %add3A_229, %add3A_264 : i32
        %lt3A_266 = arith.constant 125 : i32
        %lt3A_267 = arith.cmpi slt, %add3A_265, %lt3A_266 : i32
        %convert_element_type3A_268 = arith.extui %lt3A_267 : i1 to i32
        %cond3A_269 = arith.constant 0 : i32
        %cond3A_270 = arith.cmpi ne, %convert_element_type3A_268, %cond3A_269 : i32
        scf.if %cond3A_270 {
          %add3A_283 = arith.constant 3 : i32
          %add3A_284 = arith.addi %add3A_229, %add3A_283 : i32
          %mul3A_285 = arith.constant 80 : i32
          %mul3A_286 = arith.muli %add3A_284, %mul3A_285 : i32
          %add3A_287 = arith.addi %mul3A_2, %mul3A_286 : i32
          %dma_wait3A_288 = tpu.memref_slice %arg3[%add3A_287] : memref<640000xi32, #tpu.memory_space<hbm>> -> memref<80xi32, #tpu.memory_space<hbm>>
          %dma_wait3A_289 = tpu.memref_slice %arg3[%add3A_287] : memref<640000xi32, #tpu.memory_space<hbm>> -> memref<80xi32, #tpu.memory_space<hbm>>
          tpu.wait_dma2 semaphore(%arg34 : memref<!tpu.dma_semaphore, #tpu.memory_space<semaphore_mem>>) src(%dma_wait3A_289 : memref<80xi32, #tpu.memory_space<hbm>>) dst(%arg13 : memref<80xi32, #tpu.memory_space<vmem>>)
          %mul3A_290 = arith.constant 80 : i32
          %mul3A_291 = arith.muli %add3A_284, %mul3A_290 : i32
          %add3A_292 = arith.addi %add3A_6, %mul3A_291 : i32
          %dma_wait3A_293 = tpu.memref_slice %arg3[%add3A_292] : memref<640000xi32, #tpu.memory_space<hbm>> -> memref<80xi32, #tpu.memory_space<hbm>>
          %dma_wait3A_294 = tpu.memref_slice %arg3[%add3A_292] : memref<640000xi32, #tpu.memory_space<hbm>> -> memref<80xi32, #tpu.memory_space<hbm>>
          tpu.wait_dma2 semaphore(%arg34 : memref<!tpu.dma_semaphore, #tpu.memory_space<semaphore_mem>>) src(%dma_wait3A_294 : memref<80xi32, #tpu.memory_space<hbm>>) dst(%arg21 : memref<80xi32, #tpu.memory_space<vmem>>)
          %dma_start3A_295 = arith.constant 0 : i32
          %dma_start3A_296 = arith.constant 0 : i32
          %dma_start3A_297 = tpu.memref_slice %arg2[%dma_start3A_295, %dma_start3A_296] : memref<10000x128xf32, #tpu.memory_space<hbm>> -> memref<10000x128xf32, #tpu.memory_space<hbm>>
          tpu.enqueue_indirect_dma source(%dma_start3A_297 : memref<10000x128xf32, #tpu.memory_space<hbm>>) target(%arg25 : memref<80x128xf32, #tpu.memory_space<vmem>>) offsets(%arg13 : memref<80xi32, #tpu.memory_space<vmem>>) semaphore(%arg38 : memref<!tpu.dma_semaphore, #tpu.memory_space<semaphore_mem>>)
        } else {
        }
        %add3A_271 = arith.constant 5 : i32
        %add3A_272 = arith.addi %add3A_229, %add3A_271 : i32
        %lt3A_273 = arith.constant 125 : i32
        %lt3A_274 = arith.cmpi slt, %add3A_272, %lt3A_273 : i32
        %convert_element_type3A_275 = arith.extui %lt3A_274 : i1 to i32
        %cond3A_276 = arith.constant 0 : i32
        %cond3A_277 = arith.cmpi ne, %convert_element_type3A_275, %cond3A_276 : i32
        scf.if %cond3A_277 {
          %add3A_283 = arith.constant 5 : i32
          %add3A_284 = arith.addi %add3A_229, %add3A_283 : i32
          %mul3A_285 = arith.constant 80 : i32
          %mul3A_286 = arith.muli %add3A_284, %mul3A_285 : i32
          %add3A_287 = arith.addi %mul3A_2, %mul3A_286 : i32
          %dma_start3A_288 = tpu.memref_slice %arg3[%add3A_287] : memref<640000xi32, #tpu.memory_space<hbm>> -> memref<80xi32, #tpu.memory_space<hbm>>
          %dma_start3A_289 = tpu.memref_slice %arg3[%add3A_287] : memref<640000xi32, #tpu.memory_space<hbm>> -> memref<80xi32, #tpu.memory_space<hbm>>
          tpu.enqueue_dma source(%dma_start3A_289 : memref<80xi32, #tpu.memory_space<hbm>>) target(%arg7 : memref<80xi32, #tpu.memory_space<vmem>>) target_semaphore(%arg28 : memref<!tpu.dma_semaphore, #tpu.memory_space<semaphore_mem>>)
          %mul3A_290 = arith.constant 80 : i32
          %mul3A_291 = arith.muli %add3A_284, %mul3A_290 : i32
          %add3A_292 = arith.addi %add3A_6, %mul3A_291 : i32
          %dma_start3A_293 = tpu.memref_slice %arg3[%add3A_292] : memref<640000xi32, #tpu.memory_space<hbm>> -> memref<80xi32, #tpu.memory_space<hbm>>
          %dma_start3A_294 = tpu.memref_slice %arg3[%add3A_292] : memref<640000xi32, #tpu.memory_space<hbm>> -> memref<80xi32, #tpu.memory_space<hbm>>
          tpu.enqueue_dma source(%dma_start3A_294 : memref<80xi32, #tpu.memory_space<hbm>>) target(%arg15 : memref<80xi32, #tpu.memory_space<vmem>>) target_semaphore(%arg28 : memref<!tpu.dma_semaphore, #tpu.memory_space<semaphore_mem>>)
        } else {
        }
        %dma_start3A_278 = arith.constant 0 : i32
        %dma_start3A_279 = arith.constant 0 : i32
        %dma_start3A_280 = tpu.memref_slice %arg26[%dma_start3A_278, %dma_start3A_279] : memref<10000x128xf32, #tpu.memory_space<vmem_shared>> -> memref<10000x128xf32, #tpu.memory_space<vmem_shared>>
        tpu.enqueue_indirect_dma source(%arg22 : memref<80x128xf32, #tpu.memory_space<vmem>>) target(%dma_start3A_280 : memref<10000x128xf32, #tpu.memory_space<vmem_shared>>) offsets(%arg18 : memref<80xi32, #tpu.memory_space<vmem>>) semaphore(%arg39 : memref<!tpu.dma_semaphore, #tpu.memory_space<semaphore_mem>>) {add = true}
        %dma_start3A_281 = arith.constant 0 : i32
        %dma_start3A_282 = tpu.memref_slice %arg45[%dma_start3A_281] : memref<10240xf32, #tpu.memory_space<vmem_shared>> -> memref<10240xf32, #tpu.memory_space<vmem_shared>>
        tpu.enqueue_indirect_dma source(%arg43 : memref<80xf32, #tpu.memory_space<vmem>>) target(%dma_start3A_282 : memref<10240xf32, #tpu.memory_space<vmem_shared>>) offsets(%arg18 : memref<80xi32, #tpu.memory_space<vmem>>) semaphore(%arg39 : memref<!tpu.dma_semaphore, #tpu.memory_space<semaphore_mem>>) {add = true}
      } else {
      }
      %add3A_235 = arith.constant 5 : i32
      %add3A_236 = arith.addi %mul3A_200, %add3A_235 : i32
      %lt3A_237 = arith.constant 125 : i32
      %lt3A_238 = arith.cmpi slt, %add3A_236, %lt3A_237 : i32
      %convert_element_type3A_239 = arith.extui %lt3A_238 : i1 to i32
      %cond3A_240 = arith.constant 0 : i32
      %cond3A_241 = arith.cmpi ne, %convert_element_type3A_239, %cond3A_240 : i32
      scf.if %cond3A_241 {
        %dma_wait3A_256 = arith.constant 0 : i32
        %dma_wait3A_257 = arith.constant 0 : i32
        %dma_wait3A_258 = tpu.memref_slice %arg2[%dma_wait3A_256, %dma_wait3A_257] : memref<10000x128xf32, #tpu.memory_space<hbm>> -> memref<10000x128xf32, #tpu.memory_space<hbm>>
        tpu.wait_indirect_dma semaphore(%arg36 : memref<!tpu.dma_semaphore, #tpu.memory_space<semaphore_mem>>) src(%dma_wait3A_258 : memref<10000x128xf32, #tpu.memory_space<hbm>>) dst(%arg23 : memref<80x128xf32, #tpu.memory_space<vmem>>)
        %dma_wait3A_259 = arith.constant 0 : i32
        %dma_wait3A_260 = arith.constant 0 : i32
        %dma_wait3A_261 = tpu.memref_slice %arg26[%dma_wait3A_259, %dma_wait3A_260] : memref<10000x128xf32, #tpu.memory_space<vmem_shared>> -> memref<10000x128xf32, #tpu.memory_space<vmem_shared>>
        tpu.wait_indirect_dma semaphore(%arg39 : memref<!tpu.dma_semaphore, #tpu.memory_space<semaphore_mem>>) src(%arg22 : memref<80x128xf32, #tpu.memory_space<vmem>>) dst(%dma_wait3A_261 : memref<10000x128xf32, #tpu.memory_space<vmem_shared>>)
        %dma_wait3A_262 = arith.constant 0 : i32
        %dma_wait3A_263 = tpu.memref_slice %arg45[%dma_wait3A_262] : memref<10240xf32, #tpu.memory_space<vmem_shared>> -> memref<10240xf32, #tpu.memory_space<vmem_shared>>
        tpu.wait_indirect_dma semaphore(%arg39 : memref<!tpu.dma_semaphore, #tpu.memory_space<semaphore_mem>>) src(%arg43 : memref<80xf32, #tpu.memory_space<vmem>>) dst(%dma_wait3A_263 : memref<10240xf32, #tpu.memory_space<vmem_shared>>)
        %add3A_264 = arith.constant 3 : i32
        %add3A_265 = arith.addi %add3A_236, %add3A_264 : i32
        %lt3A_266 = arith.constant 125 : i32
        %lt3A_267 = arith.cmpi slt, %add3A_265, %lt3A_266 : i32
        %convert_element_type3A_268 = arith.extui %lt3A_267 : i1 to i32
        %cond3A_269 = arith.constant 0 : i32
        %cond3A_270 = arith.cmpi ne, %convert_element_type3A_268, %cond3A_269 : i32
        scf.if %cond3A_270 {
          %add3A_283 = arith.constant 3 : i32
          %add3A_284 = arith.addi %add3A_236, %add3A_283 : i32
          %mul3A_285 = arith.constant 80 : i32
          %mul3A_286 = arith.muli %add3A_284, %mul3A_285 : i32
          %add3A_287 = arith.addi %mul3A_2, %mul3A_286 : i32
          %dma_wait3A_288 = tpu.memref_slice %arg3[%add3A_287] : memref<640000xi32, #tpu.memory_space<hbm>> -> memref<80xi32, #tpu.memory_space<hbm>>
          %dma_wait3A_289 = tpu.memref_slice %arg3[%add3A_287] : memref<640000xi32, #tpu.memory_space<hbm>> -> memref<80xi32, #tpu.memory_space<hbm>>
          tpu.wait_dma2 semaphore(%arg27 : memref<!tpu.dma_semaphore, #tpu.memory_space<semaphore_mem>>) src(%dma_wait3A_289 : memref<80xi32, #tpu.memory_space<hbm>>) dst(%arg6 : memref<80xi32, #tpu.memory_space<vmem>>)
          %mul3A_290 = arith.constant 80 : i32
          %mul3A_291 = arith.muli %add3A_284, %mul3A_290 : i32
          %add3A_292 = arith.addi %add3A_6, %mul3A_291 : i32
          %dma_wait3A_293 = tpu.memref_slice %arg3[%add3A_292] : memref<640000xi32, #tpu.memory_space<hbm>> -> memref<80xi32, #tpu.memory_space<hbm>>
          %dma_wait3A_294 = tpu.memref_slice %arg3[%add3A_292] : memref<640000xi32, #tpu.memory_space<hbm>> -> memref<80xi32, #tpu.memory_space<hbm>>
          tpu.wait_dma2 semaphore(%arg27 : memref<!tpu.dma_semaphore, #tpu.memory_space<semaphore_mem>>) src(%dma_wait3A_294 : memref<80xi32, #tpu.memory_space<hbm>>) dst(%arg14 : memref<80xi32, #tpu.memory_space<vmem>>)
          %dma_start3A_295 = arith.constant 0 : i32
          %dma_start3A_296 = arith.constant 0 : i32
          %dma_start3A_297 = tpu.memref_slice %arg2[%dma_start3A_295, %dma_start3A_296] : memref<10000x128xf32, #tpu.memory_space<hbm>> -> memref<10000x128xf32, #tpu.memory_space<hbm>>
          tpu.enqueue_indirect_dma source(%dma_start3A_297 : memref<10000x128xf32, #tpu.memory_space<hbm>>) target(%arg22 : memref<80x128xf32, #tpu.memory_space<vmem>>) offsets(%arg6 : memref<80xi32, #tpu.memory_space<vmem>>) semaphore(%arg35 : memref<!tpu.dma_semaphore, #tpu.memory_space<semaphore_mem>>)
        } else {
        }
        %add3A_271 = arith.constant 5 : i32
        %add3A_272 = arith.addi %add3A_236, %add3A_271 : i32
        %lt3A_273 = arith.constant 125 : i32
        %lt3A_274 = arith.cmpi slt, %add3A_272, %lt3A_273 : i32
        %convert_element_type3A_275 = arith.extui %lt3A_274 : i1 to i32
        %cond3A_276 = arith.constant 0 : i32
        %cond3A_277 = arith.cmpi ne, %convert_element_type3A_275, %cond3A_276 : i32
        scf.if %cond3A_277 {
          %add3A_283 = arith.constant 5 : i32
          %add3A_284 = arith.addi %add3A_236, %add3A_283 : i32
          %mul3A_285 = arith.constant 80 : i32
          %mul3A_286 = arith.muli %add3A_284, %mul3A_285 : i32
          %add3A_287 = arith.addi %mul3A_2, %mul3A_286 : i32
          %dma_start3A_288 = tpu.memref_slice %arg3[%add3A_287] : memref<640000xi32, #tpu.memory_space<hbm>> -> memref<80xi32, #tpu.memory_space<hbm>>
          %dma_start3A_289 = tpu.memref_slice %arg3[%add3A_287] : memref<640000xi32, #tpu.memory_space<hbm>> -> memref<80xi32, #tpu.memory_space<hbm>>
          tpu.enqueue_dma source(%dma_start3A_289 : memref<80xi32, #tpu.memory_space<hbm>>) target(%arg8 : memref<80xi32, #tpu.memory_space<vmem>>) target_semaphore(%arg29 : memref<!tpu.dma_semaphore, #tpu.memory_space<semaphore_mem>>)
          %mul3A_290 = arith.constant 80 : i32
          %mul3A_291 = arith.muli %add3A_284, %mul3A_290 : i32
          %add3A_292 = arith.addi %add3A_6, %mul3A_291 : i32
          %dma_start3A_293 = tpu.memref_slice %arg3[%add3A_292] : memref<640000xi32, #tpu.memory_space<hbm>> -> memref<80xi32, #tpu.memory_space<hbm>>
          %dma_start3A_294 = tpu.memref_slice %arg3[%add3A_292] : memref<640000xi32, #tpu.memory_space<hbm>> -> memref<80xi32, #tpu.memory_space<hbm>>
          tpu.enqueue_dma source(%dma_start3A_294 : memref<80xi32, #tpu.memory_space<hbm>>) target(%arg16 : memref<80xi32, #tpu.memory_space<vmem>>) target_semaphore(%arg29 : memref<!tpu.dma_semaphore, #tpu.memory_space<semaphore_mem>>)
        } else {
        }
        %dma_start3A_278 = arith.constant 0 : i32
        %dma_start3A_279 = arith.constant 0 : i32
        %dma_start3A_280 = tpu.memref_slice %arg26[%dma_start3A_278, %dma_start3A_279] : memref<10000x128xf32, #tpu.memory_space<vmem_shared>> -> memref<10000x128xf32, #tpu.memory_space<vmem_shared>>
        tpu.enqueue_indirect_dma source(%arg23 : memref<80x128xf32, #tpu.memory_space<vmem>>) target(%dma_start3A_280 : memref<10000x128xf32, #tpu.memory_space<vmem_shared>>) offsets(%arg19 : memref<80xi32, #tpu.memory_space<vmem>>) semaphore(%arg40 : memref<!tpu.dma_semaphore, #tpu.memory_space<semaphore_mem>>) {add = true}
        %dma_start3A_281 = arith.constant 0 : i32
        %dma_start3A_282 = tpu.memref_slice %arg45[%dma_start3A_281] : memref<10240xf32, #tpu.memory_space<vmem_shared>> -> memref<10240xf32, #tpu.memory_space<vmem_shared>>
        tpu.enqueue_indirect_dma source(%arg43 : memref<80xf32, #tpu.memory_space<vmem>>) target(%dma_start3A_282 : memref<10240xf32, #tpu.memory_space<vmem_shared>>) offsets(%arg19 : memref<80xi32, #tpu.memory_space<vmem>>) semaphore(%arg40 : memref<!tpu.dma_semaphore, #tpu.memory_space<semaphore_mem>>) {add = true}
      } else {
      }
      %add3A_242 = arith.constant 6 : i32
      %add3A_243 = arith.addi %mul3A_200, %add3A_242 : i32
      %lt3A_244 = arith.constant 125 : i32
      %lt3A_245 = arith.cmpi slt, %add3A_243, %lt3A_244 : i32
      %convert_element_type3A_246 = arith.extui %lt3A_245 : i1 to i32
      %cond3A_247 = arith.constant 0 : i32
      %cond3A_248 = arith.cmpi ne, %convert_element_type3A_246, %cond3A_247 : i32
      scf.if %cond3A_248 {
        %dma_wait3A_256 = arith.constant 0 : i32
        %dma_wait3A_257 = arith.constant 0 : i32
        %dma_wait3A_258 = tpu.memref_slice %arg2[%dma_wait3A_256, %dma_wait3A_257] : memref<10000x128xf32, #tpu.memory_space<hbm>> -> memref<10000x128xf32, #tpu.memory_space<hbm>>
        tpu.wait_indirect_dma semaphore(%arg37 : memref<!tpu.dma_semaphore, #tpu.memory_space<semaphore_mem>>) src(%dma_wait3A_258 : memref<10000x128xf32, #tpu.memory_space<hbm>>) dst(%arg24 : memref<80x128xf32, #tpu.memory_space<vmem>>)
        %dma_wait3A_259 = arith.constant 0 : i32
        %dma_wait3A_260 = arith.constant 0 : i32
        %dma_wait3A_261 = tpu.memref_slice %arg26[%dma_wait3A_259, %dma_wait3A_260] : memref<10000x128xf32, #tpu.memory_space<vmem_shared>> -> memref<10000x128xf32, #tpu.memory_space<vmem_shared>>
        tpu.wait_indirect_dma semaphore(%arg40 : memref<!tpu.dma_semaphore, #tpu.memory_space<semaphore_mem>>) src(%arg23 : memref<80x128xf32, #tpu.memory_space<vmem>>) dst(%dma_wait3A_261 : memref<10000x128xf32, #tpu.memory_space<vmem_shared>>)
        %dma_wait3A_262 = arith.constant 0 : i32
        %dma_wait3A_263 = tpu.memref_slice %arg45[%dma_wait3A_262] : memref<10240xf32, #tpu.memory_space<vmem_shared>> -> memref<10240xf32, #tpu.memory_space<vmem_shared>>
        tpu.wait_indirect_dma semaphore(%arg40 : memref<!tpu.dma_semaphore, #tpu.memory_space<semaphore_mem>>) src(%arg43 : memref<80xf32, #tpu.memory_space<vmem>>) dst(%dma_wait3A_263 : memref<10240xf32, #tpu.memory_space<vmem_shared>>)
        %add3A_264 = arith.constant 3 : i32
        %add3A_265 = arith.addi %add3A_243, %add3A_264 : i32
        %lt3A_266 = arith.constant 125 : i32
        %lt3A_267 = arith.cmpi slt, %add3A_265, %lt3A_266 : i32
        %convert_element_type3A_268 = arith.extui %lt3A_267 : i1 to i32
        %cond3A_269 = arith.constant 0 : i32
        %cond3A_270 = arith.cmpi ne, %convert_element_type3A_268, %cond3A_269 : i32
        scf.if %cond3A_270 {
          %add3A_283 = arith.constant 3 : i32
          %add3A_284 = arith.addi %add3A_243, %add3A_283 : i32
          %mul3A_285 = arith.constant 80 : i32
          %mul3A_286 = arith.muli %add3A_284, %mul3A_285 : i32
          %add3A_287 = arith.addi %mul3A_2, %mul3A_286 : i32
          %dma_wait3A_288 = tpu.memref_slice %arg3[%add3A_287] : memref<640000xi32, #tpu.memory_space<hbm>> -> memref<80xi32, #tpu.memory_space<hbm>>
          %dma_wait3A_289 = tpu.memref_slice %arg3[%add3A_287] : memref<640000xi32, #tpu.memory_space<hbm>> -> memref<80xi32, #tpu.memory_space<hbm>>
          tpu.wait_dma2 semaphore(%arg28 : memref<!tpu.dma_semaphore, #tpu.memory_space<semaphore_mem>>) src(%dma_wait3A_289 : memref<80xi32, #tpu.memory_space<hbm>>) dst(%arg7 : memref<80xi32, #tpu.memory_space<vmem>>)
          %mul3A_290 = arith.constant 80 : i32
          %mul3A_291 = arith.muli %add3A_284, %mul3A_290 : i32
          %add3A_292 = arith.addi %add3A_6, %mul3A_291 : i32
          %dma_wait3A_293 = tpu.memref_slice %arg3[%add3A_292] : memref<640000xi32, #tpu.memory_space<hbm>> -> memref<80xi32, #tpu.memory_space<hbm>>
          %dma_wait3A_294 = tpu.memref_slice %arg3[%add3A_292] : memref<640000xi32, #tpu.memory_space<hbm>> -> memref<80xi32, #tpu.memory_space<hbm>>
          tpu.wait_dma2 semaphore(%arg28 : memref<!tpu.dma_semaphore, #tpu.memory_space<semaphore_mem>>) src(%dma_wait3A_294 : memref<80xi32, #tpu.memory_space<hbm>>) dst(%arg15 : memref<80xi32, #tpu.memory_space<vmem>>)
          %dma_start3A_295 = arith.constant 0 : i32
          %dma_start3A_296 = arith.constant 0 : i32
          %dma_start3A_297 = tpu.memref_slice %arg2[%dma_start3A_295, %dma_start3A_296] : memref<10000x128xf32, #tpu.memory_space<hbm>> -> memref<10000x128xf32, #tpu.memory_space<hbm>>
          tpu.enqueue_indirect_dma source(%dma_start3A_297 : memref<10000x128xf32, #tpu.memory_space<hbm>>) target(%arg23 : memref<80x128xf32, #tpu.memory_space<vmem>>) offsets(%arg7 : memref<80xi32, #tpu.memory_space<vmem>>) semaphore(%arg36 : memref<!tpu.dma_semaphore, #tpu.memory_space<semaphore_mem>>)
        } else {
        }
        %add3A_271 = arith.constant 5 : i32
        %add3A_272 = arith.addi %add3A_243, %add3A_271 : i32
        %lt3A_273 = arith.constant 125 : i32
        %lt3A_274 = arith.cmpi slt, %add3A_272, %lt3A_273 : i32
        %convert_element_type3A_275 = arith.extui %lt3A_274 : i1 to i32
        %cond3A_276 = arith.constant 0 : i32
        %cond3A_277 = arith.cmpi ne, %convert_element_type3A_275, %cond3A_276 : i32
        scf.if %cond3A_277 {
          %add3A_283 = arith.constant 5 : i32
          %add3A_284 = arith.addi %add3A_243, %add3A_283 : i32
          %mul3A_285 = arith.constant 80 : i32
          %mul3A_286 = arith.muli %add3A_284, %mul3A_285 : i32
          %add3A_287 = arith.addi %mul3A_2, %mul3A_286 : i32
          %dma_start3A_288 = tpu.memref_slice %arg3[%add3A_287] : memref<640000xi32, #tpu.memory_space<hbm>> -> memref<80xi32, #tpu.memory_space<hbm>>
          %dma_start3A_289 = tpu.memref_slice %arg3[%add3A_287] : memref<640000xi32, #tpu.memory_space<hbm>> -> memref<80xi32, #tpu.memory_space<hbm>>
          tpu.enqueue_dma source(%dma_start3A_289 : memref<80xi32, #tpu.memory_space<hbm>>) target(%arg9 : memref<80xi32, #tpu.memory_space<vmem>>) target_semaphore(%arg30 : memref<!tpu.dma_semaphore, #tpu.memory_space<semaphore_mem>>)
          %mul3A_290 = arith.constant 80 : i32
          %mul3A_291 = arith.muli %add3A_284, %mul3A_290 : i32
          %add3A_292 = arith.addi %add3A_6, %mul3A_291 : i32
          %dma_start3A_293 = tpu.memref_slice %arg3[%add3A_292] : memref<640000xi32, #tpu.memory_space<hbm>> -> memref<80xi32, #tpu.memory_space<hbm>>
          %dma_start3A_294 = tpu.memref_slice %arg3[%add3A_292] : memref<640000xi32, #tpu.memory_space<hbm>> -> memref<80xi32, #tpu.memory_space<hbm>>
          tpu.enqueue_dma source(%dma_start3A_294 : memref<80xi32, #tpu.memory_space<hbm>>) target(%arg17 : memref<80xi32, #tpu.memory_space<vmem>>) target_semaphore(%arg30 : memref<!tpu.dma_semaphore, #tpu.memory_space<semaphore_mem>>)
        } else {
        }
        %dma_start3A_278 = arith.constant 0 : i32
        %dma_start3A_279 = arith.constant 0 : i32
        %dma_start3A_280 = tpu.memref_slice %arg26[%dma_start3A_278, %dma_start3A_279] : memref<10000x128xf32, #tpu.memory_space<vmem_shared>> -> memref<10000x128xf32, #tpu.memory_space<vmem_shared>>
        tpu.enqueue_indirect_dma source(%arg24 : memref<80x128xf32, #tpu.memory_space<vmem>>) target(%dma_start3A_280 : memref<10000x128xf32, #tpu.memory_space<vmem_shared>>) offsets(%arg20 : memref<80xi32, #tpu.memory_space<vmem>>) semaphore(%arg41 : memref<!tpu.dma_semaphore, #tpu.memory_space<semaphore_mem>>) {add = true}
        %dma_start3A_281 = arith.constant 0 : i32
        %dma_start3A_282 = tpu.memref_slice %arg45[%dma_start3A_281] : memref<10240xf32, #tpu.memory_space<vmem_shared>> -> memref<10240xf32, #tpu.memory_space<vmem_shared>>
        tpu.enqueue_indirect_dma source(%arg43 : memref<80xf32, #tpu.memory_space<vmem>>) target(%dma_start3A_282 : memref<10240xf32, #tpu.memory_space<vmem_shared>>) offsets(%arg20 : memref<80xi32, #tpu.memory_space<vmem>>) semaphore(%arg41 : memref<!tpu.dma_semaphore, #tpu.memory_space<semaphore_mem>>) {add = true}
      } else {
      }
      %add3A_249 = arith.constant 7 : i32
      %add3A_250 = arith.addi %mul3A_200, %add3A_249 : i32
      %lt3A_251 = arith.constant 125 : i32
      %lt3A_252 = arith.cmpi slt, %add3A_250, %lt3A_251 : i32
      %convert_element_type3A_253 = arith.extui %lt3A_252 : i1 to i32
      %cond3A_254 = arith.constant 0 : i32
      %cond3A_255 = arith.cmpi ne, %convert_element_type3A_253, %cond3A_254 : i32
      scf.if %cond3A_255 {
        %dma_wait3A_256 = arith.constant 0 : i32
        %dma_wait3A_257 = arith.constant 0 : i32
        %dma_wait3A_258 = tpu.memref_slice %arg2[%dma_wait3A_256, %dma_wait3A_257] : memref<10000x128xf32, #tpu.memory_space<hbm>> -> memref<10000x128xf32, #tpu.memory_space<hbm>>
        tpu.wait_indirect_dma semaphore(%arg38 : memref<!tpu.dma_semaphore, #tpu.memory_space<semaphore_mem>>) src(%dma_wait3A_258 : memref<10000x128xf32, #tpu.memory_space<hbm>>) dst(%arg25 : memref<80x128xf32, #tpu.memory_space<vmem>>)
        %dma_wait3A_259 = arith.constant 0 : i32
        %dma_wait3A_260 = arith.constant 0 : i32
        %dma_wait3A_261 = tpu.memref_slice %arg26[%dma_wait3A_259, %dma_wait3A_260] : memref<10000x128xf32, #tpu.memory_space<vmem_shared>> -> memref<10000x128xf32, #tpu.memory_space<vmem_shared>>
        tpu.wait_indirect_dma semaphore(%arg41 : memref<!tpu.dma_semaphore, #tpu.memory_space<semaphore_mem>>) src(%arg24 : memref<80x128xf32, #tpu.memory_space<vmem>>) dst(%dma_wait3A_261 : memref<10000x128xf32, #tpu.memory_space<vmem_shared>>)
        %dma_wait3A_262 = arith.constant 0 : i32
        %dma_wait3A_263 = tpu.memref_slice %arg45[%dma_wait3A_262] : memref<10240xf32, #tpu.memory_space<vmem_shared>> -> memref<10240xf32, #tpu.memory_space<vmem_shared>>
        tpu.wait_indirect_dma semaphore(%arg41 : memref<!tpu.dma_semaphore, #tpu.memory_space<semaphore_mem>>) src(%arg43 : memref<80xf32, #tpu.memory_space<vmem>>) dst(%dma_wait3A_263 : memref<10240xf32, #tpu.memory_space<vmem_shared>>)
        %add3A_264 = arith.constant 3 : i32
        %add3A_265 = arith.addi %add3A_250, %add3A_264 : i32
        %lt3A_266 = arith.constant 125 : i32
        %lt3A_267 = arith.cmpi slt, %add3A_265, %lt3A_266 : i32
        %convert_element_type3A_268 = arith.extui %lt3A_267 : i1 to i32
        %cond3A_269 = arith.constant 0 : i32
        %cond3A_270 = arith.cmpi ne, %convert_element_type3A_268, %cond3A_269 : i32
        scf.if %cond3A_270 {
          %add3A_283 = arith.constant 3 : i32
          %add3A_284 = arith.addi %add3A_250, %add3A_283 : i32
          %mul3A_285 = arith.constant 80 : i32
          %mul3A_286 = arith.muli %add3A_284, %mul3A_285 : i32
          %add3A_287 = arith.addi %mul3A_2, %mul3A_286 : i32
          %dma_wait3A_288 = tpu.memref_slice %arg3[%add3A_287] : memref<640000xi32, #tpu.memory_space<hbm>> -> memref<80xi32, #tpu.memory_space<hbm>>
          %dma_wait3A_289 = tpu.memref_slice %arg3[%add3A_287] : memref<640000xi32, #tpu.memory_space<hbm>> -> memref<80xi32, #tpu.memory_space<hbm>>
          tpu.wait_dma2 semaphore(%arg29 : memref<!tpu.dma_semaphore, #tpu.memory_space<semaphore_mem>>) src(%dma_wait3A_289 : memref<80xi32, #tpu.memory_space<hbm>>) dst(%arg8 : memref<80xi32, #tpu.memory_space<vmem>>)
          %mul3A_290 = arith.constant 80 : i32
          %mul3A_291 = arith.muli %add3A_284, %mul3A_290 : i32
          %add3A_292 = arith.addi %add3A_6, %mul3A_291 : i32
          %dma_wait3A_293 = tpu.memref_slice %arg3[%add3A_292] : memref<640000xi32, #tpu.memory_space<hbm>> -> memref<80xi32, #tpu.memory_space<hbm>>
          %dma_wait3A_294 = tpu.memref_slice %arg3[%add3A_292] : memref<640000xi32, #tpu.memory_space<hbm>> -> memref<80xi32, #tpu.memory_space<hbm>>
          tpu.wait_dma2 semaphore(%arg29 : memref<!tpu.dma_semaphore, #tpu.memory_space<semaphore_mem>>) src(%dma_wait3A_294 : memref<80xi32, #tpu.memory_space<hbm>>) dst(%arg16 : memref<80xi32, #tpu.memory_space<vmem>>)
          %dma_start3A_295 = arith.constant 0 : i32
          %dma_start3A_296 = arith.constant 0 : i32
          %dma_start3A_297 = tpu.memref_slice %arg2[%dma_start3A_295, %dma_start3A_296] : memref<10000x128xf32, #tpu.memory_space<hbm>> -> memref<10000x128xf32, #tpu.memory_space<hbm>>
          tpu.enqueue_indirect_dma source(%dma_start3A_297 : memref<10000x128xf32, #tpu.memory_space<hbm>>) target(%arg24 : memref<80x128xf32, #tpu.memory_space<vmem>>) offsets(%arg8 : memref<80xi32, #tpu.memory_space<vmem>>) semaphore(%arg37 : memref<!tpu.dma_semaphore, #tpu.memory_space<semaphore_mem>>)
        } else {
        }
        %add3A_271 = arith.constant 5 : i32
        %add3A_272 = arith.addi %add3A_250, %add3A_271 : i32
        %lt3A_273 = arith.constant 125 : i32
        %lt3A_274 = arith.cmpi slt, %add3A_272, %lt3A_273 : i32
        %convert_element_type3A_275 = arith.extui %lt3A_274 : i1 to i32
        %cond3A_276 = arith.constant 0 : i32
        %cond3A_277 = arith.cmpi ne, %convert_element_type3A_275, %cond3A_276 : i32
        scf.if %cond3A_277 {
          %add3A_283 = arith.constant 5 : i32
          %add3A_284 = arith.addi %add3A_250, %add3A_283 : i32
          %mul3A_285 = arith.constant 80 : i32
          %mul3A_286 = arith.muli %add3A_284, %mul3A_285 : i32
          %add3A_287 = arith.addi %mul3A_2, %mul3A_286 : i32
          %dma_start3A_288 = tpu.memref_slice %arg3[%add3A_287] : memref<640000xi32, #tpu.memory_space<hbm>> -> memref<80xi32, #tpu.memory_space<hbm>>
          %dma_start3A_289 = tpu.memref_slice %arg3[%add3A_287] : memref<640000xi32, #tpu.memory_space<hbm>> -> memref<80xi32, #tpu.memory_space<hbm>>
          tpu.enqueue_dma source(%dma_start3A_289 : memref<80xi32, #tpu.memory_space<hbm>>) target(%arg10 : memref<80xi32, #tpu.memory_space<vmem>>) target_semaphore(%arg31 : memref<!tpu.dma_semaphore, #tpu.memory_space<semaphore_mem>>)
          %mul3A_290 = arith.constant 80 : i32
          %mul3A_291 = arith.muli %add3A_284, %mul3A_290 : i32
          %add3A_292 = arith.addi %add3A_6, %mul3A_291 : i32
          %dma_start3A_293 = tpu.memref_slice %arg3[%add3A_292] : memref<640000xi32, #tpu.memory_space<hbm>> -> memref<80xi32, #tpu.memory_space<hbm>>
          %dma_start3A_294 = tpu.memref_slice %arg3[%add3A_292] : memref<640000xi32, #tpu.memory_space<hbm>> -> memref<80xi32, #tpu.memory_space<hbm>>
          tpu.enqueue_dma source(%dma_start3A_294 : memref<80xi32, #tpu.memory_space<hbm>>) target(%arg18 : memref<80xi32, #tpu.memory_space<vmem>>) target_semaphore(%arg31 : memref<!tpu.dma_semaphore, #tpu.memory_space<semaphore_mem>>)
        } else {
        }
        %dma_start3A_278 = arith.constant 0 : i32
        %dma_start3A_279 = arith.constant 0 : i32
        %dma_start3A_280 = tpu.memref_slice %arg26[%dma_start3A_278, %dma_start3A_279] : memref<10000x128xf32, #tpu.memory_space<vmem_shared>> -> memref<10000x128xf32, #tpu.memory_space<vmem_shared>>
        tpu.enqueue_indirect_dma source(%arg25 : memref<80x128xf32, #tpu.memory_space<vmem>>) target(%dma_start3A_280 : memref<10000x128xf32, #tpu.memory_space<vmem_shared>>) offsets(%arg21 : memref<80xi32, #tpu.memory_space<vmem>>) semaphore(%arg42 : memref<!tpu.dma_semaphore, #tpu.memory_space<semaphore_mem>>) {add = true}
        %dma_start3A_281 = arith.constant 0 : i32
        %dma_start3A_282 = tpu.memref_slice %arg45[%dma_start3A_281] : memref<10240xf32, #tpu.memory_space<vmem_shared>> -> memref<10240xf32, #tpu.memory_space<vmem_shared>>
        tpu.enqueue_indirect_dma source(%arg43 : memref<80xf32, #tpu.memory_space<vmem>>) target(%dma_start3A_282 : memref<10240xf32, #tpu.memory_space<vmem_shared>>) offsets(%arg21 : memref<80xi32, #tpu.memory_space<vmem>>) semaphore(%arg42 : memref<!tpu.dma_semaphore, #tpu.memory_space<semaphore_mem>>) {add = true}
      } else {
      }
    }
    %scan3A_182 = arith.constant 16 : i32
    %dma_wait3A_183 = arith.constant 0 : i32
    %dma_wait3A_184 = arith.constant 0 : i32
    %dma_wait3A_185 = tpu.memref_slice %arg26[%dma_wait3A_183, %dma_wait3A_184] : memref<10000x128xf32, #tpu.memory_space<vmem_shared>> -> memref<10000x128xf32, #tpu.memory_space<vmem_shared>>
    tpu.wait_indirect_dma semaphore(%arg39 : memref<!tpu.dma_semaphore, #tpu.memory_space<semaphore_mem>>) src(%arg22 : memref<80x128xf32, #tpu.memory_space<vmem>>) dst(%dma_wait3A_185 : memref<10000x128xf32, #tpu.memory_space<vmem_shared>>)
    %dma_wait3A_186 = arith.constant 0 : i32
    %dma_wait3A_187 = tpu.memref_slice %arg45[%dma_wait3A_186] : memref<10240xf32, #tpu.memory_space<vmem_shared>> -> memref<10240xf32, #tpu.memory_space<vmem_shared>>
    tpu.wait_indirect_dma semaphore(%arg39 : memref<!tpu.dma_semaphore, #tpu.memory_space<semaphore_mem>>) src(%arg43 : memref<80xf32, #tpu.memory_space<vmem>>) dst(%dma_wait3A_187 : memref<10240xf32, #tpu.memory_space<vmem_shared>>)
    %barrier3A_188 = arith.constant 0 : index
    tpu.barrier barrier_id(%barrier3A_188)
    "tpu.region"() ({
      %run_scoped3A = tpu.sem_alloc : memref<!tpu.dma_semaphore, #tpu.memory_space<semaphore_mem>>
      %dma_start3A_198 = arith.constant 0 : i32
      %dma_start3A_199 = tpu.memref_slice %arg4[%arg0, %mul3A_79, %dma_start3A_198] : memref<2x10000x128xf32, #tpu.memory_space<hbm>> -> memref<1x624x128xf32, #tpu.memory_space<hbm>>
      %dma_start3A_200 = tpu.memref_squeeze %dma_start3A_199 : memref<1x624x128xf32, #tpu.memory_space<hbm>> -> memref<624x128xf32, #tpu.memory_space<hbm>>
      %dma_start3A_201 = arith.constant 0 : i32
      %dma_start3A_202 = tpu.memref_slice %arg26[%mul3A_79, %dma_start3A_201] : memref<10000x128xf32, #tpu.memory_space<vmem_shared>> -> memref<624x128xf32, #tpu.memory_space<vmem_shared>>
      tpu.enqueue_dma source(%dma_start3A_202 : memref<624x128xf32, #tpu.memory_space<vmem_shared>>) target(%dma_start3A_200 : memref<624x128xf32, #tpu.memory_space<hbm>>) target_semaphore(%run_scoped3A : memref<!tpu.dma_semaphore, #tpu.memory_space<semaphore_mem>>)
      %dma_wait3A_203 = arith.constant 0 : i32
      %dma_wait3A_204 = tpu.memref_slice %arg4[%arg0, %mul3A_79, %dma_wait3A_203] : memref<2x10000x128xf32, #tpu.memory_space<hbm>> -> memref<1x624x128xf32, #tpu.memory_space<hbm>>
      %dma_wait3A_205 = tpu.memref_squeeze %dma_wait3A_204 : memref<1x624x128xf32, #tpu.memory_space<hbm>> -> memref<624x128xf32, #tpu.memory_space<hbm>>
      %dma_wait3A_206 = arith.constant 0 : i32
      %dma_wait3A_207 = tpu.memref_slice %arg26[%mul3A_79, %dma_wait3A_206] : memref<10000x128xf32, #tpu.memory_space<vmem_shared>> -> memref<624x128xf32, #tpu.memory_space<vmem_shared>>
      tpu.wait_dma2 semaphore(%run_scoped3A : memref<!tpu.dma_semaphore, #tpu.memory_space<semaphore_mem>>) src(%dma_wait3A_207 : memref<624x128xf32, #tpu.memory_space<vmem_shared>>) dst(%dma_wait3A_205 : memref<624x128xf32, #tpu.memory_space<hbm>>)
      tpu.yield
    }) : () -> ()
    %eq3A_189 = arith.constant 0 : i32
    %eq3A_190 = arith.cmpi eq, %arg1, %eq3A_189 : i32
    %convert_element_type3A_191 = arith.extui %eq3A_190 : i1 to i32
    %cond3A_192 = arith.constant 0 : i32
    %cond3A_193 = arith.cmpi ne, %convert_element_type3A_191, %cond3A_192 : i32
    scf.if %cond3A_193 {
      "tpu.region"() ({
        %run_scoped3A = tpu.sem_alloc : memref<!tpu.dma_semaphore, #tpu.memory_space<semaphore_mem>>
        %dma_start3A_198 = arith.constant 9984 : i32
        %dma_start3A_199 = arith.constant 0 : i32
        %dma_start3A_200 = tpu.memref_slice %arg4[%arg0, %dma_start3A_198, %dma_start3A_199] : memref<2x10000x128xf32, #tpu.memory_space<hbm>> -> memref<1x16x128xf32, #tpu.memory_space<hbm>>
        %dma_start3A_201 = tpu.memref_squeeze %dma_start3A_200 : memref<1x16x128xf32, #tpu.memory_space<hbm>> -> memref<16x128xf32, #tpu.memory_space<hbm>>
        %dma_start3A_202 = arith.constant 9984 : i32
        %dma_start3A_203 = arith.constant 0 : i32
        %dma_start3A_204 = tpu.memref_slice %arg26[%dma_start3A_202, %dma_start3A_203] : memref<10000x128xf32, #tpu.memory_space<vmem_shared>> -> memref<16x128xf32, #tpu.memory_space<vmem_shared>>
        tpu.enqueue_dma source(%dma_start3A_204 : memref<16x128xf32, #tpu.memory_space<vmem_shared>>) target(%dma_start3A_201 : memref<16x128xf32, #tpu.memory_space<hbm>>) target_semaphore(%run_scoped3A : memref<!tpu.dma_semaphore, #tpu.memory_space<semaphore_mem>>)
        %dma_wait3A_205 = arith.constant 9984 : i32
        %dma_wait3A_206 = arith.constant 0 : i32
        %dma_wait3A_207 = tpu.memref_slice %arg4[%arg0, %dma_wait3A_205, %dma_wait3A_206] : memref<2x10000x128xf32, #tpu.memory_space<hbm>> -> memref<1x16x128xf32, #tpu.memory_space<hbm>>
        %dma_wait3A_208 = tpu.memref_squeeze %dma_wait3A_207 : memref<1x16x128xf32, #tpu.memory_space<hbm>> -> memref<16x128xf32, #tpu.memory_space<hbm>>
        %dma_wait3A_209 = arith.constant 9984 : i32
        %dma_wait3A_210 = arith.constant 0 : i32
        %dma_wait3A_211 = tpu.memref_slice %arg26[%dma_wait3A_209, %dma_wait3A_210] : memref<10000x128xf32, #tpu.memory_space<vmem_shared>> -> memref<16x128xf32, #tpu.memory_space<vmem_shared>>
        tpu.wait_dma2 semaphore(%run_scoped3A : memref<!tpu.dma_semaphore, #tpu.memory_space<semaphore_mem>>) src(%dma_wait3A_211 : memref<16x128xf32, #tpu.memory_space<vmem_shared>>) dst(%dma_wait3A_208 : memref<16x128xf32, #tpu.memory_space<hbm>>)
        tpu.yield
      }) : () -> ()
    } else {
    }
    %mul3A_194 = arith.constant 640 : i32
    %mul3A_195 = arith.muli %arg1, %mul3A_194 : i32
    %mul3A_196 = arith.constant 640 : i32
    %mul3A_197 = arith.muli %arg1, %mul3A_196 : i32
    "tpu.region"() ({
      %run_scoped3A = tpu.sem_alloc : memref<!tpu.dma_semaphore, #tpu.memory_space<semaphore_mem>>
      %dma_start3A_198 = tpu.memref_slice %arg5[%arg0, %mul3A_197] : memref<2x10240xf32, #tpu.memory_space<hbm>> -> memref<1x640xf32, #tpu.memory_space<hbm>>
      %dma_start3A_199 = tpu.memref_squeeze %dma_start3A_198 : memref<1x640xf32, #tpu.memory_space<hbm>> -> memref<640xf32, #tpu.memory_space<hbm>>
      %dma_start3A_200 = tpu.memref_slice %arg45[%mul3A_195] : memref<10240xf32, #tpu.memory_space<vmem_shared>> -> memref<640xf32, #tpu.memory_space<vmem_shared>>
      tpu.enqueue_dma source(%dma_start3A_200 : memref<640xf32, #tpu.memory_space<vmem_shared>>) target(%dma_start3A_199 : memref<640xf32, #tpu.memory_space<hbm>>) target_semaphore(%run_scoped3A : memref<!tpu.dma_semaphore, #tpu.memory_space<semaphore_mem>>)
      %dma_wait3A_201 = tpu.memref_slice %arg5[%arg0, %mul3A_197] : memref<2x10240xf32, #tpu.memory_space<hbm>> -> memref<1x640xf32, #tpu.memory_space<hbm>>
      %dma_wait3A_202 = tpu.memref_squeeze %dma_wait3A_201 : memref<1x640xf32, #tpu.memory_space<hbm>> -> memref<640xf32, #tpu.memory_space<hbm>>
      %dma_wait3A_203 = tpu.memref_slice %arg45[%mul3A_195] : memref<10240xf32, #tpu.memory_space<vmem_shared>> -> memref<640xf32, #tpu.memory_space<vmem_shared>>
      tpu.wait_dma2 semaphore(%run_scoped3A : memref<!tpu.dma_semaphore, #tpu.memory_space<semaphore_mem>>) src(%dma_wait3A_203 : memref<640xf32, #tpu.memory_space<vmem_shared>>) dst(%dma_wait3A_202 : memref<640xf32, #tpu.memory_space<hbm>>)
      tpu.yield
    }) : () -> ()
    return
  }
}

#map = affine_map<(d0, d1) -> (0, 0)>
#map1 = affine_map<(d0, d1) -> (0)>
#map2 = affine_map<(d0, d1) -> (0, 0, 0)>
module attributes {stable_mosaic.version = 14 : i64} {
  func.func @agg(%arg0: i32, %arg1: i32, %arg2: memref<10000x128xf32, #tpu.memory_space<hbm>>, %arg3: memref<640000xi32, #tpu.memory_space<hbm>>, %arg4: memref<2x10000x128xf32, #tpu.memory_space<hbm>>, %arg5: memref<80xi32, #tpu.memory_space<vmem>>, %arg6: memref<80xi32, #tpu.memory_space<vmem>>, %arg7: memref<80xi32, #tpu.memory_space<vmem>>, %arg8: memref<80xi32, #tpu.memory_space<vmem>>, %arg9: memref<80xi32, #tpu.memory_space<vmem>>, %arg10: memref<80xi32, #tpu.memory_space<vmem>>, %arg11: memref<80xi32, #tpu.memory_space<vmem>>, %arg12: memref<80xi32, #tpu.memory_space<vmem>>, %arg13: memref<80xi32, #tpu.memory_space<vmem>>, %arg14: memref<80xi32, #tpu.memory_space<vmem>>, %arg15: memref<80xi32, #tpu.memory_space<vmem>>, %arg16: memref<80xi32, #tpu.memory_space<vmem>>, %arg17: memref<80xi32, #tpu.memory_space<vmem>>, %arg18: memref<80xi32, #tpu.memory_space<vmem>>, %arg19: memref<80xi32, #tpu.memory_space<vmem>>, %arg20: memref<80xi32, #tpu.memory_space<vmem>>, %arg21: memref<80x128xf32, #tpu.memory_space<vmem>>, %arg22: memref<80x128xf32, #tpu.memory_space<vmem>>, %arg23: memref<80x128xf32, #tpu.memory_space<vmem>>, %arg24: memref<80x128xf32, #tpu.memory_space<vmem>>, %arg25: memref<10000x128xf32, #tpu.memory_space<vmem_shared>>, %arg26: memref<!tpu.dma_semaphore, #tpu.memory_space<semaphore_mem>>, %arg27: memref<!tpu.dma_semaphore, #tpu.memory_space<semaphore_mem>>, %arg28: memref<!tpu.dma_semaphore, #tpu.memory_space<semaphore_mem>>, %arg29: memref<!tpu.dma_semaphore, #tpu.memory_space<semaphore_mem>>, %arg30: memref<!tpu.dma_semaphore, #tpu.memory_space<semaphore_mem>>, %arg31: memref<!tpu.dma_semaphore, #tpu.memory_space<semaphore_mem>>, %arg32: memref<!tpu.dma_semaphore, #tpu.memory_space<semaphore_mem>>, %arg33: memref<!tpu.dma_semaphore, #tpu.memory_space<semaphore_mem>>, %arg34: memref<!tpu.dma_semaphore, #tpu.memory_space<semaphore_mem>>, %arg35: memref<!tpu.dma_semaphore, #tpu.memory_space<semaphore_mem>>, %arg36: memref<!tpu.dma_semaphore, #tpu.memory_space<semaphore_mem>>, %arg37: memref<!tpu.dma_semaphore, #tpu.memory_space<semaphore_mem>>, %arg38: memref<!tpu.dma_semaphore, #tpu.memory_space<semaphore_mem>>, %arg39: memref<!tpu.dma_semaphore, #tpu.memory_space<semaphore_mem>>, %arg40: memref<!tpu.dma_semaphore, #tpu.memory_space<semaphore_mem>>, %arg41: memref<!tpu.dma_semaphore, #tpu.memory_space<semaphore_mem>>) attributes {dimension_semantics = [#tpu.dimension_semantics<core_parallel>, #tpu.dimension_semantics<subcore_parallel>], iteration_bounds = array<i64: 2, 16>, scalar_prefetch = 0 : i64, scratch_operands = 37 : i64, tpu.core_type = #tpu.core_type<sc_vector_subcore>, window_params = [{transform_indices = #map}, {transform_indices = #map1}, {transform_indices = #map2}]} {
    %mul3A = arith.constant 16 : i32
    %mul3A_0 = arith.muli %arg0, %mul3A : i32
    %add3A = arith.addi %mul3A_0, %arg1 : i32
    %mul3A_1 = arith.constant 10000 : i32
    %mul3A_2 = arith.muli %add3A, %mul3A_1 : i32
    %mul3A_3 = arith.constant 10000 : i32
    %mul3A_4 = arith.muli %add3A, %mul3A_3 : i32
    %add3A_5 = arith.constant 320000 : i32
    %add3A_6 = arith.addi %add3A_5, %mul3A_4 : i32
    %add3A_7 = arith.constant 0 : i32
    %add3A_8 = arith.addi %mul3A_2, %add3A_7 : i32
    %dma_start3A = tpu.memref_slice %arg3[%add3A_8] : memref<640000xi32, #tpu.memory_space<hbm>> -> memref<80xi32, #tpu.memory_space<hbm>>
    %dma_start3A_9 = tpu.memref_slice %arg3[%add3A_8] : memref<640000xi32, #tpu.memory_space<hbm>> -> memref<80xi32, #tpu.memory_space<hbm>>
    tpu.enqueue_dma source(%dma_start3A_9 : memref<80xi32, #tpu.memory_space<hbm>>) target(%arg5 : memref<80xi32, #tpu.memory_space<vmem>>) target_semaphore(%arg26 : memref<!tpu.dma_semaphore, #tpu.memory_space<semaphore_mem>>)
    %add3A_10 = arith.constant 0 : i32
    %add3A_11 = arith.addi %add3A_6, %add3A_10 : i32
    %dma_start3A_12 = tpu.memref_slice %arg3[%add3A_11] : memref<640000xi32, #tpu.memory_space<hbm>> -> memref<80xi32, #tpu.memory_space<hbm>>
    %dma_start3A_13 = tpu.memref_slice %arg3[%add3A_11] : memref<640000xi32, #tpu.memory_space<hbm>> -> memref<80xi32, #tpu.memory_space<hbm>>
    tpu.enqueue_dma source(%dma_start3A_13 : memref<80xi32, #tpu.memory_space<hbm>>) target(%arg13 : memref<80xi32, #tpu.memory_space<vmem>>) target_semaphore(%arg26 : memref<!tpu.dma_semaphore, #tpu.memory_space<semaphore_mem>>)
    %add3A_14 = arith.constant 80 : i32
    %add3A_15 = arith.addi %mul3A_2, %add3A_14 : i32
    %dma_start3A_16 = tpu.memref_slice %arg3[%add3A_15] : memref<640000xi32, #tpu.memory_space<hbm>> -> memref<80xi32, #tpu.memory_space<hbm>>
    %dma_start3A_17 = tpu.memref_slice %arg3[%add3A_15] : memref<640000xi32, #tpu.memory_space<hbm>> -> memref<80xi32, #tpu.memory_space<hbm>>
    tpu.enqueue_dma source(%dma_start3A_17 : memref<80xi32, #tpu.memory_space<hbm>>) target(%arg6 : memref<80xi32, #tpu.memory_space<vmem>>) target_semaphore(%arg27 : memref<!tpu.dma_semaphore, #tpu.memory_space<semaphore_mem>>)
    %add3A_18 = arith.constant 80 : i32
    %add3A_19 = arith.addi %add3A_6, %add3A_18 : i32
    %dma_start3A_20 = tpu.memref_slice %arg3[%add3A_19] : memref<640000xi32, #tpu.memory_space<hbm>> -> memref<80xi32, #tpu.memory_space<hbm>>
    %dma_start3A_21 = tpu.memref_slice %arg3[%add3A_19] : memref<640000xi32, #tpu.memory_space<hbm>> -> memref<80xi32, #tpu.memory_space<hbm>>
    tpu.enqueue_dma source(%dma_start3A_21 : memref<80xi32, #tpu.memory_space<hbm>>) target(%arg14 : memref<80xi32, #tpu.memory_space<vmem>>) target_semaphore(%arg27 : memref<!tpu.dma_semaphore, #tpu.memory_space<semaphore_mem>>)
    %add3A_22 = arith.constant 160 : i32
    %add3A_23 = arith.addi %mul3A_2, %add3A_22 : i32
    %dma_start3A_24 = tpu.memref_slice %arg3[%add3A_23] : memref<640000xi32, #tpu.memory_space<hbm>> -> memref<80xi32, #tpu.memory_space<hbm>>
    %dma_start3A_25 = tpu.memref_slice %arg3[%add3A_23] : memref<640000xi32, #tpu.memory_space<hbm>> -> memref<80xi32, #tpu.memory_space<hbm>>
    tpu.enqueue_dma source(%dma_start3A_25 : memref<80xi32, #tpu.memory_space<hbm>>) target(%arg7 : memref<80xi32, #tpu.memory_space<vmem>>) target_semaphore(%arg28 : memref<!tpu.dma_semaphore, #tpu.memory_space<semaphore_mem>>)
    %add3A_26 = arith.constant 160 : i32
    %add3A_27 = arith.addi %add3A_6, %add3A_26 : i32
    %dma_start3A_28 = tpu.memref_slice %arg3[%add3A_27] : memref<640000xi32, #tpu.memory_space<hbm>> -> memref<80xi32, #tpu.memory_space<hbm>>
    %dma_start3A_29 = tpu.memref_slice %arg3[%add3A_27] : memref<640000xi32, #tpu.memory_space<hbm>> -> memref<80xi32, #tpu.memory_space<hbm>>
    tpu.enqueue_dma source(%dma_start3A_29 : memref<80xi32, #tpu.memory_space<hbm>>) target(%arg15 : memref<80xi32, #tpu.memory_space<vmem>>) target_semaphore(%arg28 : memref<!tpu.dma_semaphore, #tpu.memory_space<semaphore_mem>>)
    %add3A_30 = arith.constant 240 : i32
    %add3A_31 = arith.addi %mul3A_2, %add3A_30 : i32
    %dma_start3A_32 = tpu.memref_slice %arg3[%add3A_31] : memref<640000xi32, #tpu.memory_space<hbm>> -> memref<80xi32, #tpu.memory_space<hbm>>
    %dma_start3A_33 = tpu.memref_slice %arg3[%add3A_31] : memref<640000xi32, #tpu.memory_space<hbm>> -> memref<80xi32, #tpu.memory_space<hbm>>
    tpu.enqueue_dma source(%dma_start3A_33 : memref<80xi32, #tpu.memory_space<hbm>>) target(%arg8 : memref<80xi32, #tpu.memory_space<vmem>>) target_semaphore(%arg29 : memref<!tpu.dma_semaphore, #tpu.memory_space<semaphore_mem>>)
    %add3A_34 = arith.constant 240 : i32
    %add3A_35 = arith.addi %add3A_6, %add3A_34 : i32
    %dma_start3A_36 = tpu.memref_slice %arg3[%add3A_35] : memref<640000xi32, #tpu.memory_space<hbm>> -> memref<80xi32, #tpu.memory_space<hbm>>
    %dma_start3A_37 = tpu.memref_slice %arg3[%add3A_35] : memref<640000xi32, #tpu.memory_space<hbm>> -> memref<80xi32, #tpu.memory_space<hbm>>
    tpu.enqueue_dma source(%dma_start3A_37 : memref<80xi32, #tpu.memory_space<hbm>>) target(%arg16 : memref<80xi32, #tpu.memory_space<vmem>>) target_semaphore(%arg29 : memref<!tpu.dma_semaphore, #tpu.memory_space<semaphore_mem>>)
    %add3A_38 = arith.constant 320 : i32
    %add3A_39 = arith.addi %mul3A_2, %add3A_38 : i32
    %dma_start3A_40 = tpu.memref_slice %arg3[%add3A_39] : memref<640000xi32, #tpu.memory_space<hbm>> -> memref<80xi32, #tpu.memory_space<hbm>>
    %dma_start3A_41 = tpu.memref_slice %arg3[%add3A_39] : memref<640000xi32, #tpu.memory_space<hbm>> -> memref<80xi32, #tpu.memory_space<hbm>>
    tpu.enqueue_dma source(%dma_start3A_41 : memref<80xi32, #tpu.memory_space<hbm>>) target(%arg9 : memref<80xi32, #tpu.memory_space<vmem>>) target_semaphore(%arg30 : memref<!tpu.dma_semaphore, #tpu.memory_space<semaphore_mem>>)
    %add3A_42 = arith.constant 320 : i32
    %add3A_43 = arith.addi %add3A_6, %add3A_42 : i32
    %dma_start3A_44 = tpu.memref_slice %arg3[%add3A_43] : memref<640000xi32, #tpu.memory_space<hbm>> -> memref<80xi32, #tpu.memory_space<hbm>>
    %dma_start3A_45 = tpu.memref_slice %arg3[%add3A_43] : memref<640000xi32, #tpu.memory_space<hbm>> -> memref<80xi32, #tpu.memory_space<hbm>>
    tpu.enqueue_dma source(%dma_start3A_45 : memref<80xi32, #tpu.memory_space<hbm>>) target(%arg17 : memref<80xi32, #tpu.memory_space<vmem>>) target_semaphore(%arg30 : memref<!tpu.dma_semaphore, #tpu.memory_space<semaphore_mem>>)
    %add3A_46 = arith.constant 0 : i32
    %add3A_47 = arith.addi %mul3A_2, %add3A_46 : i32
    %dma_wait3A = tpu.memref_slice %arg3[%add3A_47] : memref<640000xi32, #tpu.memory_space<hbm>> -> memref<80xi32, #tpu.memory_space<hbm>>
    %dma_wait3A_48 = tpu.memref_slice %arg3[%add3A_47] : memref<640000xi32, #tpu.memory_space<hbm>> -> memref<80xi32, #tpu.memory_space<hbm>>
    tpu.wait_dma2 semaphore(%arg26 : memref<!tpu.dma_semaphore, #tpu.memory_space<semaphore_mem>>) src(%dma_wait3A_48 : memref<80xi32, #tpu.memory_space<hbm>>) dst(%arg5 : memref<80xi32, #tpu.memory_space<vmem>>)
    %add3A_49 = arith.constant 0 : i32
    %add3A_50 = arith.addi %add3A_6, %add3A_49 : i32
    %dma_wait3A_51 = tpu.memref_slice %arg3[%add3A_50] : memref<640000xi32, #tpu.memory_space<hbm>> -> memref<80xi32, #tpu.memory_space<hbm>>
    %dma_wait3A_52 = tpu.memref_slice %arg3[%add3A_50] : memref<640000xi32, #tpu.memory_space<hbm>> -> memref<80xi32, #tpu.memory_space<hbm>>
    tpu.wait_dma2 semaphore(%arg26 : memref<!tpu.dma_semaphore, #tpu.memory_space<semaphore_mem>>) src(%dma_wait3A_52 : memref<80xi32, #tpu.memory_space<hbm>>) dst(%arg13 : memref<80xi32, #tpu.memory_space<vmem>>)
    %dma_start3A_53 = arith.constant 0 : i32
    %dma_start3A_54 = arith.constant 0 : i32
    %dma_start3A_55 = tpu.memref_slice %arg2[%dma_start3A_53, %dma_start3A_54] : memref<10000x128xf32, #tpu.memory_space<hbm>> -> memref<10000x128xf32, #tpu.memory_space<hbm>>
    tpu.enqueue_indirect_dma source(%dma_start3A_55 : memref<10000x128xf32, #tpu.memory_space<hbm>>) target(%arg21 : memref<80x128xf32, #tpu.memory_space<vmem>>) offsets(%arg5 : memref<80xi32, #tpu.memory_space<vmem>>) semaphore(%arg34 : memref<!tpu.dma_semaphore, #tpu.memory_space<semaphore_mem>>)
    %add3A_56 = arith.constant 80 : i32
    %add3A_57 = arith.addi %mul3A_2, %add3A_56 : i32
    %dma_wait3A_58 = tpu.memref_slice %arg3[%add3A_57] : memref<640000xi32, #tpu.memory_space<hbm>> -> memref<80xi32, #tpu.memory_space<hbm>>
    %dma_wait3A_59 = tpu.memref_slice %arg3[%add3A_57] : memref<640000xi32, #tpu.memory_space<hbm>> -> memref<80xi32, #tpu.memory_space<hbm>>
    tpu.wait_dma2 semaphore(%arg27 : memref<!tpu.dma_semaphore, #tpu.memory_space<semaphore_mem>>) src(%dma_wait3A_59 : memref<80xi32, #tpu.memory_space<hbm>>) dst(%arg6 : memref<80xi32, #tpu.memory_space<vmem>>)
    %add3A_60 = arith.constant 80 : i32
    %add3A_61 = arith.addi %add3A_6, %add3A_60 : i32
    %dma_wait3A_62 = tpu.memref_slice %arg3[%add3A_61] : memref<640000xi32, #tpu.memory_space<hbm>> -> memref<80xi32, #tpu.memory_space<hbm>>
    %dma_wait3A_63 = tpu.memref_slice %arg3[%add3A_61] : memref<640000xi32, #tpu.memory_space<hbm>> -> memref<80xi32, #tpu.memory_space<hbm>>
    tpu.wait_dma2 semaphore(%arg27 : memref<!tpu.dma_semaphore, #tpu.memory_space<semaphore_mem>>) src(%dma_wait3A_63 : memref<80xi32, #tpu.memory_space<hbm>>) dst(%arg14 : memref<80xi32, #tpu.memory_space<vmem>>)
    %dma_start3A_64 = arith.constant 0 : i32
    %dma_start3A_65 = arith.constant 0 : i32
    %dma_start3A_66 = tpu.memref_slice %arg2[%dma_start3A_64, %dma_start3A_65] : memref<10000x128xf32, #tpu.memory_space<hbm>> -> memref<10000x128xf32, #tpu.memory_space<hbm>>
    tpu.enqueue_indirect_dma source(%dma_start3A_66 : memref<10000x128xf32, #tpu.memory_space<hbm>>) target(%arg22 : memref<80x128xf32, #tpu.memory_space<vmem>>) offsets(%arg6 : memref<80xi32, #tpu.memory_space<vmem>>) semaphore(%arg35 : memref<!tpu.dma_semaphore, #tpu.memory_space<semaphore_mem>>)
    %add3A_67 = arith.constant 160 : i32
    %add3A_68 = arith.addi %mul3A_2, %add3A_67 : i32
    %dma_wait3A_69 = tpu.memref_slice %arg3[%add3A_68] : memref<640000xi32, #tpu.memory_space<hbm>> -> memref<80xi32, #tpu.memory_space<hbm>>
    %dma_wait3A_70 = tpu.memref_slice %arg3[%add3A_68] : memref<640000xi32, #tpu.memory_space<hbm>> -> memref<80xi32, #tpu.memory_space<hbm>>
    tpu.wait_dma2 semaphore(%arg28 : memref<!tpu.dma_semaphore, #tpu.memory_space<semaphore_mem>>) src(%dma_wait3A_70 : memref<80xi32, #tpu.memory_space<hbm>>) dst(%arg7 : memref<80xi32, #tpu.memory_space<vmem>>)
    %add3A_71 = arith.constant 160 : i32
    %add3A_72 = arith.addi %add3A_6, %add3A_71 : i32
    %dma_wait3A_73 = tpu.memref_slice %arg3[%add3A_72] : memref<640000xi32, #tpu.memory_space<hbm>> -> memref<80xi32, #tpu.memory_space<hbm>>
    %dma_wait3A_74 = tpu.memref_slice %arg3[%add3A_72] : memref<640000xi32, #tpu.memory_space<hbm>> -> memref<80xi32, #tpu.memory_space<hbm>>
    tpu.wait_dma2 semaphore(%arg28 : memref<!tpu.dma_semaphore, #tpu.memory_space<semaphore_mem>>) src(%dma_wait3A_74 : memref<80xi32, #tpu.memory_space<hbm>>) dst(%arg15 : memref<80xi32, #tpu.memory_space<vmem>>)
    %dma_start3A_75 = arith.constant 0 : i32
    %dma_start3A_76 = arith.constant 0 : i32
    %dma_start3A_77 = tpu.memref_slice %arg2[%dma_start3A_75, %dma_start3A_76] : memref<10000x128xf32, #tpu.memory_space<hbm>> -> memref<10000x128xf32, #tpu.memory_space<hbm>>
    tpu.enqueue_indirect_dma source(%dma_start3A_77 : memref<10000x128xf32, #tpu.memory_space<hbm>>) target(%arg23 : memref<80x128xf32, #tpu.memory_space<vmem>>) offsets(%arg7 : memref<80xi32, #tpu.memory_space<vmem>>) semaphore(%arg36 : memref<!tpu.dma_semaphore, #tpu.memory_space<semaphore_mem>>)
    %mul3A_78 = arith.constant 624 : i32
    %mul3A_79 = arith.muli %arg1, %mul3A_78 : i32
    "tpu.region"() ({
      %run_scoped3A = tpu.sem_alloc : memref<!tpu.dma_semaphore, #tpu.memory_space<semaphore_mem>>
      %dma_start3A_96 = arith.constant 0 : i32
      %dma_start3A_97 = tpu.memref_slice %arg25[%mul3A_79, %dma_start3A_96] : memref<10000x128xf32, #tpu.memory_space<vmem_shared>> -> memref<624x128xf32, #tpu.memory_space<vmem_shared>>
      %dma_start3A_98 = arith.constant 0 : i32
      %dma_start3A_99 = tpu.memref_slice %arg2[%mul3A_79, %dma_start3A_98] : memref<10000x128xf32, #tpu.memory_space<hbm>> -> memref<624x128xf32, #tpu.memory_space<hbm>>
      tpu.enqueue_dma source(%dma_start3A_99 : memref<624x128xf32, #tpu.memory_space<hbm>>) target(%dma_start3A_97 : memref<624x128xf32, #tpu.memory_space<vmem_shared>>) target_semaphore(%run_scoped3A : memref<!tpu.dma_semaphore, #tpu.memory_space<semaphore_mem>>)
      %dma_wait3A_100 = arith.constant 0 : i32
      %dma_wait3A_101 = tpu.memref_slice %arg25[%mul3A_79, %dma_wait3A_100] : memref<10000x128xf32, #tpu.memory_space<vmem_shared>> -> memref<624x128xf32, #tpu.memory_space<vmem_shared>>
      %dma_wait3A_102 = arith.constant 0 : i32
      %dma_wait3A_103 = tpu.memref_slice %arg2[%mul3A_79, %dma_wait3A_102] : memref<10000x128xf32, #tpu.memory_space<hbm>> -> memref<624x128xf32, #tpu.memory_space<hbm>>
      tpu.wait_dma2 semaphore(%run_scoped3A : memref<!tpu.dma_semaphore, #tpu.memory_space<semaphore_mem>>) src(%dma_wait3A_103 : memref<624x128xf32, #tpu.memory_space<hbm>>) dst(%dma_wait3A_101 : memref<624x128xf32, #tpu.memory_space<vmem_shared>>)
      tpu.yield
    }) : () -> ()
    %eq3A = arith.constant 0 : i32
    %eq3A_80 = arith.cmpi eq, %arg1, %eq3A : i32
    %convert_element_type3A = arith.extui %eq3A_80 : i1 to i32
    %cond3A = arith.constant 0 : i32
    %cond3A_81 = arith.cmpi ne, %convert_element_type3A, %cond3A : i32
    scf.if %cond3A_81 {
      "tpu.region"() ({
        %run_scoped3A = tpu.sem_alloc : memref<!tpu.dma_semaphore, #tpu.memory_space<semaphore_mem>>
        %dma_start3A_96 = arith.constant 9984 : i32
        %dma_start3A_97 = arith.constant 0 : i32
        %dma_start3A_98 = tpu.memref_slice %arg25[%dma_start3A_96, %dma_start3A_97] : memref<10000x128xf32, #tpu.memory_space<vmem_shared>> -> memref<16x128xf32, #tpu.memory_space<vmem_shared>>
        %dma_start3A_99 = arith.constant 9984 : i32
        %dma_start3A_100 = arith.constant 0 : i32
        %dma_start3A_101 = tpu.memref_slice %arg2[%dma_start3A_99, %dma_start3A_100] : memref<10000x128xf32, #tpu.memory_space<hbm>> -> memref<16x128xf32, #tpu.memory_space<hbm>>
        tpu.enqueue_dma source(%dma_start3A_101 : memref<16x128xf32, #tpu.memory_space<hbm>>) target(%dma_start3A_98 : memref<16x128xf32, #tpu.memory_space<vmem_shared>>) target_semaphore(%run_scoped3A : memref<!tpu.dma_semaphore, #tpu.memory_space<semaphore_mem>>)
        %dma_wait3A_102 = arith.constant 9984 : i32
        %dma_wait3A_103 = arith.constant 0 : i32
        %dma_wait3A_104 = tpu.memref_slice %arg25[%dma_wait3A_102, %dma_wait3A_103] : memref<10000x128xf32, #tpu.memory_space<vmem_shared>> -> memref<16x128xf32, #tpu.memory_space<vmem_shared>>
        %dma_wait3A_105 = arith.constant 9984 : i32
        %dma_wait3A_106 = arith.constant 0 : i32
        %dma_wait3A_107 = tpu.memref_slice %arg2[%dma_wait3A_105, %dma_wait3A_106] : memref<10000x128xf32, #tpu.memory_space<hbm>> -> memref<16x128xf32, #tpu.memory_space<hbm>>
        tpu.wait_dma2 semaphore(%run_scoped3A : memref<!tpu.dma_semaphore, #tpu.memory_space<semaphore_mem>>) src(%dma_wait3A_107 : memref<16x128xf32, #tpu.memory_space<hbm>>) dst(%dma_wait3A_104 : memref<16x128xf32, #tpu.memory_space<vmem_shared>>)
        tpu.yield
      }) : () -> ()
    } else {
    }
    %barrier3A = arith.constant 0 : index
    tpu.barrier barrier_id(%barrier3A)
    %scan3A = arith.constant 0 : i32
    %scan3A_82 = arith.constant 0 : i32
    %scan3A_83 = arith.constant 16 : i32
    %scan3A_84 = arith.addi %scan3A_82, %scan3A_83 : i32
    %scan3A_85 = arith.constant 1 : i32
    scf.for %scan3A_96 = %scan3A_82 to %scan3A_84 step %scan3A_85  : i32 {
      %mul3A_97 = arith.constant 8 : i32
      %mul3A_98 = arith.muli %mul3A_97, %scan3A_96 : i32
      %add3A_99 = arith.constant 0 : i32
      %add3A_100 = arith.addi %mul3A_98, %add3A_99 : i32
      %lt3A = arith.constant 125 : i32
      %lt3A_101 = arith.cmpi slt, %add3A_100, %lt3A : i32
      %convert_element_type3A_102 = arith.extui %lt3A_101 : i1 to i32
      %cond3A_103 = arith.constant 0 : i32
      %cond3A_104 = arith.cmpi ne, %convert_element_type3A_102, %cond3A_103 : i32
      scf.if %cond3A_104 {
        %dma_wait3A_154 = arith.constant 0 : i32
        %dma_wait3A_155 = arith.constant 0 : i32
        %dma_wait3A_156 = tpu.memref_slice %arg2[%dma_wait3A_154, %dma_wait3A_155] : memref<10000x128xf32, #tpu.memory_space<hbm>> -> memref<10000x128xf32, #tpu.memory_space<hbm>>
        tpu.wait_indirect_dma semaphore(%arg34 : memref<!tpu.dma_semaphore, #tpu.memory_space<semaphore_mem>>) src(%dma_wait3A_156 : memref<10000x128xf32, #tpu.memory_space<hbm>>) dst(%arg21 : memref<80x128xf32, #tpu.memory_space<vmem>>)
        %ge3A = arith.constant 1 : i32
        %ge3A_157 = arith.cmpi sge, %add3A_100, %ge3A : i32
        %convert_element_type3A_158 = arith.extui %ge3A_157 : i1 to i32
        %cond3A_159 = arith.constant 0 : i32
        %cond3A_160 = arith.cmpi ne, %convert_element_type3A_158, %cond3A_159 : i32
        scf.if %cond3A_160 {
          %dma_wait3A_178 = arith.constant 0 : i32
          %dma_wait3A_179 = arith.constant 0 : i32
          %dma_wait3A_180 = tpu.memref_slice %arg25[%dma_wait3A_178, %dma_wait3A_179] : memref<10000x128xf32, #tpu.memory_space<vmem_shared>> -> memref<10000x128xf32, #tpu.memory_space<vmem_shared>>
          tpu.wait_indirect_dma semaphore(%arg41 : memref<!tpu.dma_semaphore, #tpu.memory_space<semaphore_mem>>) src(%arg24 : memref<80x128xf32, #tpu.memory_space<vmem>>) dst(%dma_wait3A_180 : memref<10000x128xf32, #tpu.memory_space<vmem_shared>>)
        } else {
        }
        %add3A_161 = arith.constant 3 : i32
        %add3A_162 = arith.addi %add3A_100, %add3A_161 : i32
        %lt3A_163 = arith.constant 125 : i32
        %lt3A_164 = arith.cmpi slt, %add3A_162, %lt3A_163 : i32
        %convert_element_type3A_165 = arith.extui %lt3A_164 : i1 to i32
        %cond3A_166 = arith.constant 0 : i32
        %cond3A_167 = arith.cmpi ne, %convert_element_type3A_165, %cond3A_166 : i32
        scf.if %cond3A_167 {
          %add3A_178 = arith.constant 3 : i32
          %add3A_179 = arith.addi %add3A_100, %add3A_178 : i32
          %mul3A_180 = arith.constant 80 : i32
          %mul3A_181 = arith.muli %add3A_179, %mul3A_180 : i32
          %add3A_182 = arith.addi %mul3A_2, %mul3A_181 : i32
          %dma_wait3A_183 = tpu.memref_slice %arg3[%add3A_182] : memref<640000xi32, #tpu.memory_space<hbm>> -> memref<80xi32, #tpu.memory_space<hbm>>
          %dma_wait3A_184 = tpu.memref_slice %arg3[%add3A_182] : memref<640000xi32, #tpu.memory_space<hbm>> -> memref<80xi32, #tpu.memory_space<hbm>>
          tpu.wait_dma2 semaphore(%arg29 : memref<!tpu.dma_semaphore, #tpu.memory_space<semaphore_mem>>) src(%dma_wait3A_184 : memref<80xi32, #tpu.memory_space<hbm>>) dst(%arg8 : memref<80xi32, #tpu.memory_space<vmem>>)
          %mul3A_185 = arith.constant 80 : i32
          %mul3A_186 = arith.muli %add3A_179, %mul3A_185 : i32
          %add3A_187 = arith.addi %add3A_6, %mul3A_186 : i32
          %dma_wait3A_188 = tpu.memref_slice %arg3[%add3A_187] : memref<640000xi32, #tpu.memory_space<hbm>> -> memref<80xi32, #tpu.memory_space<hbm>>
          %dma_wait3A_189 = tpu.memref_slice %arg3[%add3A_187] : memref<640000xi32, #tpu.memory_space<hbm>> -> memref<80xi32, #tpu.memory_space<hbm>>
          tpu.wait_dma2 semaphore(%arg29 : memref<!tpu.dma_semaphore, #tpu.memory_space<semaphore_mem>>) src(%dma_wait3A_189 : memref<80xi32, #tpu.memory_space<hbm>>) dst(%arg16 : memref<80xi32, #tpu.memory_space<vmem>>)
          %dma_start3A_190 = arith.constant 0 : i32
          %dma_start3A_191 = arith.constant 0 : i32
          %dma_start3A_192 = tpu.memref_slice %arg2[%dma_start3A_190, %dma_start3A_191] : memref<10000x128xf32, #tpu.memory_space<hbm>> -> memref<10000x128xf32, #tpu.memory_space<hbm>>
          tpu.enqueue_indirect_dma source(%dma_start3A_192 : memref<10000x128xf32, #tpu.memory_space<hbm>>) target(%arg24 : memref<80x128xf32, #tpu.memory_space<vmem>>) offsets(%arg8 : memref<80xi32, #tpu.memory_space<vmem>>) semaphore(%arg37 : memref<!tpu.dma_semaphore, #tpu.memory_space<semaphore_mem>>)
        } else {
        }
        %add3A_168 = arith.constant 5 : i32
        %add3A_169 = arith.addi %add3A_100, %add3A_168 : i32
        %lt3A_170 = arith.constant 125 : i32
        %lt3A_171 = arith.cmpi slt, %add3A_169, %lt3A_170 : i32
        %convert_element_type3A_172 = arith.extui %lt3A_171 : i1 to i32
        %cond3A_173 = arith.constant 0 : i32
        %cond3A_174 = arith.cmpi ne, %convert_element_type3A_172, %cond3A_173 : i32
        scf.if %cond3A_174 {
          %add3A_178 = arith.constant 5 : i32
          %add3A_179 = arith.addi %add3A_100, %add3A_178 : i32
          %mul3A_180 = arith.constant 80 : i32
          %mul3A_181 = arith.muli %add3A_179, %mul3A_180 : i32
          %add3A_182 = arith.addi %mul3A_2, %mul3A_181 : i32
          %dma_start3A_183 = tpu.memref_slice %arg3[%add3A_182] : memref<640000xi32, #tpu.memory_space<hbm>> -> memref<80xi32, #tpu.memory_space<hbm>>
          %dma_start3A_184 = tpu.memref_slice %arg3[%add3A_182] : memref<640000xi32, #tpu.memory_space<hbm>> -> memref<80xi32, #tpu.memory_space<hbm>>
          tpu.enqueue_dma source(%dma_start3A_184 : memref<80xi32, #tpu.memory_space<hbm>>) target(%arg10 : memref<80xi32, #tpu.memory_space<vmem>>) target_semaphore(%arg31 : memref<!tpu.dma_semaphore, #tpu.memory_space<semaphore_mem>>)
          %mul3A_185 = arith.constant 80 : i32
          %mul3A_186 = arith.muli %add3A_179, %mul3A_185 : i32
          %add3A_187 = arith.addi %add3A_6, %mul3A_186 : i32
          %dma_start3A_188 = tpu.memref_slice %arg3[%add3A_187] : memref<640000xi32, #tpu.memory_space<hbm>> -> memref<80xi32, #tpu.memory_space<hbm>>
          %dma_start3A_189 = tpu.memref_slice %arg3[%add3A_187] : memref<640000xi32, #tpu.memory_space<hbm>> -> memref<80xi32, #tpu.memory_space<hbm>>
          tpu.enqueue_dma source(%dma_start3A_189 : memref<80xi32, #tpu.memory_space<hbm>>) target(%arg18 : memref<80xi32, #tpu.memory_space<vmem>>) target_semaphore(%arg31 : memref<!tpu.dma_semaphore, #tpu.memory_space<semaphore_mem>>)
        } else {
        }
        %dma_start3A_175 = arith.constant 0 : i32
        %dma_start3A_176 = arith.constant 0 : i32
        %dma_start3A_177 = tpu.memref_slice %arg25[%dma_start3A_175, %dma_start3A_176] : memref<10000x128xf32, #tpu.memory_space<vmem_shared>> -> memref<10000x128xf32, #tpu.memory_space<vmem_shared>>
        tpu.enqueue_indirect_dma source(%arg21 : memref<80x128xf32, #tpu.memory_space<vmem>>) target(%dma_start3A_177 : memref<10000x128xf32, #tpu.memory_space<vmem_shared>>) offsets(%arg13 : memref<80xi32, #tpu.memory_space<vmem>>) semaphore(%arg38 : memref<!tpu.dma_semaphore, #tpu.memory_space<semaphore_mem>>) {add = true}
      } else {
      }
      %add3A_105 = arith.constant 1 : i32
      %add3A_106 = arith.addi %mul3A_98, %add3A_105 : i32
      %lt3A_107 = arith.constant 125 : i32
      %lt3A_108 = arith.cmpi slt, %add3A_106, %lt3A_107 : i32
      %convert_element_type3A_109 = arith.extui %lt3A_108 : i1 to i32
      %cond3A_110 = arith.constant 0 : i32
      %cond3A_111 = arith.cmpi ne, %convert_element_type3A_109, %cond3A_110 : i32
      scf.if %cond3A_111 {
        %dma_wait3A_154 = arith.constant 0 : i32
        %dma_wait3A_155 = arith.constant 0 : i32
        %dma_wait3A_156 = tpu.memref_slice %arg2[%dma_wait3A_154, %dma_wait3A_155] : memref<10000x128xf32, #tpu.memory_space<hbm>> -> memref<10000x128xf32, #tpu.memory_space<hbm>>
        tpu.wait_indirect_dma semaphore(%arg35 : memref<!tpu.dma_semaphore, #tpu.memory_space<semaphore_mem>>) src(%dma_wait3A_156 : memref<10000x128xf32, #tpu.memory_space<hbm>>) dst(%arg22 : memref<80x128xf32, #tpu.memory_space<vmem>>)
        %dma_wait3A_157 = arith.constant 0 : i32
        %dma_wait3A_158 = arith.constant 0 : i32
        %dma_wait3A_159 = tpu.memref_slice %arg25[%dma_wait3A_157, %dma_wait3A_158] : memref<10000x128xf32, #tpu.memory_space<vmem_shared>> -> memref<10000x128xf32, #tpu.memory_space<vmem_shared>>
        tpu.wait_indirect_dma semaphore(%arg38 : memref<!tpu.dma_semaphore, #tpu.memory_space<semaphore_mem>>) src(%arg21 : memref<80x128xf32, #tpu.memory_space<vmem>>) dst(%dma_wait3A_159 : memref<10000x128xf32, #tpu.memory_space<vmem_shared>>)
        %add3A_160 = arith.constant 3 : i32
        %add3A_161 = arith.addi %add3A_106, %add3A_160 : i32
        %lt3A_162 = arith.constant 125 : i32
        %lt3A_163 = arith.cmpi slt, %add3A_161, %lt3A_162 : i32
        %convert_element_type3A_164 = arith.extui %lt3A_163 : i1 to i32
        %cond3A_165 = arith.constant 0 : i32
        %cond3A_166 = arith.cmpi ne, %convert_element_type3A_164, %cond3A_165 : i32
        scf.if %cond3A_166 {
          %add3A_177 = arith.constant 3 : i32
          %add3A_178 = arith.addi %add3A_106, %add3A_177 : i32
          %mul3A_179 = arith.constant 80 : i32
          %mul3A_180 = arith.muli %add3A_178, %mul3A_179 : i32
          %add3A_181 = arith.addi %mul3A_2, %mul3A_180 : i32
          %dma_wait3A_182 = tpu.memref_slice %arg3[%add3A_181] : memref<640000xi32, #tpu.memory_space<hbm>> -> memref<80xi32, #tpu.memory_space<hbm>>
          %dma_wait3A_183 = tpu.memref_slice %arg3[%add3A_181] : memref<640000xi32, #tpu.memory_space<hbm>> -> memref<80xi32, #tpu.memory_space<hbm>>
          tpu.wait_dma2 semaphore(%arg30 : memref<!tpu.dma_semaphore, #tpu.memory_space<semaphore_mem>>) src(%dma_wait3A_183 : memref<80xi32, #tpu.memory_space<hbm>>) dst(%arg9 : memref<80xi32, #tpu.memory_space<vmem>>)
          %mul3A_184 = arith.constant 80 : i32
          %mul3A_185 = arith.muli %add3A_178, %mul3A_184 : i32
          %add3A_186 = arith.addi %add3A_6, %mul3A_185 : i32
          %dma_wait3A_187 = tpu.memref_slice %arg3[%add3A_186] : memref<640000xi32, #tpu.memory_space<hbm>> -> memref<80xi32, #tpu.memory_space<hbm>>
          %dma_wait3A_188 = tpu.memref_slice %arg3[%add3A_186] : memref<640000xi32, #tpu.memory_space<hbm>> -> memref<80xi32, #tpu.memory_space<hbm>>
          tpu.wait_dma2 semaphore(%arg30 : memref<!tpu.dma_semaphore, #tpu.memory_space<semaphore_mem>>) src(%dma_wait3A_188 : memref<80xi32, #tpu.memory_space<hbm>>) dst(%arg17 : memref<80xi32, #tpu.memory_space<vmem>>)
          %dma_start3A_189 = arith.constant 0 : i32
          %dma_start3A_190 = arith.constant 0 : i32
          %dma_start3A_191 = tpu.memref_slice %arg2[%dma_start3A_189, %dma_start3A_190] : memref<10000x128xf32, #tpu.memory_space<hbm>> -> memref<10000x128xf32, #tpu.memory_space<hbm>>
          tpu.enqueue_indirect_dma source(%dma_start3A_191 : memref<10000x128xf32, #tpu.memory_space<hbm>>) target(%arg21 : memref<80x128xf32, #tpu.memory_space<vmem>>) offsets(%arg9 : memref<80xi32, #tpu.memory_space<vmem>>) semaphore(%arg34 : memref<!tpu.dma_semaphore, #tpu.memory_space<semaphore_mem>>)
        } else {
        }
        %add3A_167 = arith.constant 5 : i32
        %add3A_168 = arith.addi %add3A_106, %add3A_167 : i32
        %lt3A_169 = arith.constant 125 : i32
        %lt3A_170 = arith.cmpi slt, %add3A_168, %lt3A_169 : i32
        %convert_element_type3A_171 = arith.extui %lt3A_170 : i1 to i32
        %cond3A_172 = arith.constant 0 : i32
        %cond3A_173 = arith.cmpi ne, %convert_element_type3A_171, %cond3A_172 : i32
        scf.if %cond3A_173 {
          %add3A_177 = arith.constant 5 : i32
          %add3A_178 = arith.addi %add3A_106, %add3A_177 : i32
          %mul3A_179 = arith.constant 80 : i32
          %mul3A_180 = arith.muli %add3A_178, %mul3A_179 : i32
          %add3A_181 = arith.addi %mul3A_2, %mul3A_180 : i32
          %dma_start3A_182 = tpu.memref_slice %arg3[%add3A_181] : memref<640000xi32, #tpu.memory_space<hbm>> -> memref<80xi32, #tpu.memory_space<hbm>>
          %dma_start3A_183 = tpu.memref_slice %arg3[%add3A_181] : memref<640000xi32, #tpu.memory_space<hbm>> -> memref<80xi32, #tpu.memory_space<hbm>>
          tpu.enqueue_dma source(%dma_start3A_183 : memref<80xi32, #tpu.memory_space<hbm>>) target(%arg11 : memref<80xi32, #tpu.memory_space<vmem>>) target_semaphore(%arg32 : memref<!tpu.dma_semaphore, #tpu.memory_space<semaphore_mem>>)
          %mul3A_184 = arith.constant 80 : i32
          %mul3A_185 = arith.muli %add3A_178, %mul3A_184 : i32
          %add3A_186 = arith.addi %add3A_6, %mul3A_185 : i32
          %dma_start3A_187 = tpu.memref_slice %arg3[%add3A_186] : memref<640000xi32, #tpu.memory_space<hbm>> -> memref<80xi32, #tpu.memory_space<hbm>>
          %dma_start3A_188 = tpu.memref_slice %arg3[%add3A_186] : memref<640000xi32, #tpu.memory_space<hbm>> -> memref<80xi32, #tpu.memory_space<hbm>>
          tpu.enqueue_dma source(%dma_start3A_188 : memref<80xi32, #tpu.memory_space<hbm>>) target(%arg19 : memref<80xi32, #tpu.memory_space<vmem>>) target_semaphore(%arg32 : memref<!tpu.dma_semaphore, #tpu.memory_space<semaphore_mem>>)
        } else {
        }
        %dma_start3A_174 = arith.constant 0 : i32
        %dma_start3A_175 = arith.constant 0 : i32
        %dma_start3A_176 = tpu.memref_slice %arg25[%dma_start3A_174, %dma_start3A_175] : memref<10000x128xf32, #tpu.memory_space<vmem_shared>> -> memref<10000x128xf32, #tpu.memory_space<vmem_shared>>
        tpu.enqueue_indirect_dma source(%arg22 : memref<80x128xf32, #tpu.memory_space<vmem>>) target(%dma_start3A_176 : memref<10000x128xf32, #tpu.memory_space<vmem_shared>>) offsets(%arg14 : memref<80xi32, #tpu.memory_space<vmem>>) semaphore(%arg39 : memref<!tpu.dma_semaphore, #tpu.memory_space<semaphore_mem>>) {add = true}
      } else {
      }
      %add3A_112 = arith.constant 2 : i32
      %add3A_113 = arith.addi %mul3A_98, %add3A_112 : i32
      %lt3A_114 = arith.constant 125 : i32
      %lt3A_115 = arith.cmpi slt, %add3A_113, %lt3A_114 : i32
      %convert_element_type3A_116 = arith.extui %lt3A_115 : i1 to i32
      %cond3A_117 = arith.constant 0 : i32
      %cond3A_118 = arith.cmpi ne, %convert_element_type3A_116, %cond3A_117 : i32
      scf.if %cond3A_118 {
        %dma_wait3A_154 = arith.constant 0 : i32
        %dma_wait3A_155 = arith.constant 0 : i32
        %dma_wait3A_156 = tpu.memref_slice %arg2[%dma_wait3A_154, %dma_wait3A_155] : memref<10000x128xf32, #tpu.memory_space<hbm>> -> memref<10000x128xf32, #tpu.memory_space<hbm>>
        tpu.wait_indirect_dma semaphore(%arg36 : memref<!tpu.dma_semaphore, #tpu.memory_space<semaphore_mem>>) src(%dma_wait3A_156 : memref<10000x128xf32, #tpu.memory_space<hbm>>) dst(%arg23 : memref<80x128xf32, #tpu.memory_space<vmem>>)
        %dma_wait3A_157 = arith.constant 0 : i32
        %dma_wait3A_158 = arith.constant 0 : i32
        %dma_wait3A_159 = tpu.memref_slice %arg25[%dma_wait3A_157, %dma_wait3A_158] : memref<10000x128xf32, #tpu.memory_space<vmem_shared>> -> memref<10000x128xf32, #tpu.memory_space<vmem_shared>>
        tpu.wait_indirect_dma semaphore(%arg39 : memref<!tpu.dma_semaphore, #tpu.memory_space<semaphore_mem>>) src(%arg22 : memref<80x128xf32, #tpu.memory_space<vmem>>) dst(%dma_wait3A_159 : memref<10000x128xf32, #tpu.memory_space<vmem_shared>>)
        %add3A_160 = arith.constant 3 : i32
        %add3A_161 = arith.addi %add3A_113, %add3A_160 : i32
        %lt3A_162 = arith.constant 125 : i32
        %lt3A_163 = arith.cmpi slt, %add3A_161, %lt3A_162 : i32
        %convert_element_type3A_164 = arith.extui %lt3A_163 : i1 to i32
        %cond3A_165 = arith.constant 0 : i32
        %cond3A_166 = arith.cmpi ne, %convert_element_type3A_164, %cond3A_165 : i32
        scf.if %cond3A_166 {
          %add3A_177 = arith.constant 3 : i32
          %add3A_178 = arith.addi %add3A_113, %add3A_177 : i32
          %mul3A_179 = arith.constant 80 : i32
          %mul3A_180 = arith.muli %add3A_178, %mul3A_179 : i32
          %add3A_181 = arith.addi %mul3A_2, %mul3A_180 : i32
          %dma_wait3A_182 = tpu.memref_slice %arg3[%add3A_181] : memref<640000xi32, #tpu.memory_space<hbm>> -> memref<80xi32, #tpu.memory_space<hbm>>
          %dma_wait3A_183 = tpu.memref_slice %arg3[%add3A_181] : memref<640000xi32, #tpu.memory_space<hbm>> -> memref<80xi32, #tpu.memory_space<hbm>>
          tpu.wait_dma2 semaphore(%arg31 : memref<!tpu.dma_semaphore, #tpu.memory_space<semaphore_mem>>) src(%dma_wait3A_183 : memref<80xi32, #tpu.memory_space<hbm>>) dst(%arg10 : memref<80xi32, #tpu.memory_space<vmem>>)
          %mul3A_184 = arith.constant 80 : i32
          %mul3A_185 = arith.muli %add3A_178, %mul3A_184 : i32
          %add3A_186 = arith.addi %add3A_6, %mul3A_185 : i32
          %dma_wait3A_187 = tpu.memref_slice %arg3[%add3A_186] : memref<640000xi32, #tpu.memory_space<hbm>> -> memref<80xi32, #tpu.memory_space<hbm>>
          %dma_wait3A_188 = tpu.memref_slice %arg3[%add3A_186] : memref<640000xi32, #tpu.memory_space<hbm>> -> memref<80xi32, #tpu.memory_space<hbm>>
          tpu.wait_dma2 semaphore(%arg31 : memref<!tpu.dma_semaphore, #tpu.memory_space<semaphore_mem>>) src(%dma_wait3A_188 : memref<80xi32, #tpu.memory_space<hbm>>) dst(%arg18 : memref<80xi32, #tpu.memory_space<vmem>>)
          %dma_start3A_189 = arith.constant 0 : i32
          %dma_start3A_190 = arith.constant 0 : i32
          %dma_start3A_191 = tpu.memref_slice %arg2[%dma_start3A_189, %dma_start3A_190] : memref<10000x128xf32, #tpu.memory_space<hbm>> -> memref<10000x128xf32, #tpu.memory_space<hbm>>
          tpu.enqueue_indirect_dma source(%dma_start3A_191 : memref<10000x128xf32, #tpu.memory_space<hbm>>) target(%arg22 : memref<80x128xf32, #tpu.memory_space<vmem>>) offsets(%arg10 : memref<80xi32, #tpu.memory_space<vmem>>) semaphore(%arg35 : memref<!tpu.dma_semaphore, #tpu.memory_space<semaphore_mem>>)
        } else {
        }
        %add3A_167 = arith.constant 5 : i32
        %add3A_168 = arith.addi %add3A_113, %add3A_167 : i32
        %lt3A_169 = arith.constant 125 : i32
        %lt3A_170 = arith.cmpi slt, %add3A_168, %lt3A_169 : i32
        %convert_element_type3A_171 = arith.extui %lt3A_170 : i1 to i32
        %cond3A_172 = arith.constant 0 : i32
        %cond3A_173 = arith.cmpi ne, %convert_element_type3A_171, %cond3A_172 : i32
        scf.if %cond3A_173 {
          %add3A_177 = arith.constant 5 : i32
          %add3A_178 = arith.addi %add3A_113, %add3A_177 : i32
          %mul3A_179 = arith.constant 80 : i32
          %mul3A_180 = arith.muli %add3A_178, %mul3A_179 : i32
          %add3A_181 = arith.addi %mul3A_2, %mul3A_180 : i32
          %dma_start3A_182 = tpu.memref_slice %arg3[%add3A_181] : memref<640000xi32, #tpu.memory_space<hbm>> -> memref<80xi32, #tpu.memory_space<hbm>>
          %dma_start3A_183 = tpu.memref_slice %arg3[%add3A_181] : memref<640000xi32, #tpu.memory_space<hbm>> -> memref<80xi32, #tpu.memory_space<hbm>>
          tpu.enqueue_dma source(%dma_start3A_183 : memref<80xi32, #tpu.memory_space<hbm>>) target(%arg12 : memref<80xi32, #tpu.memory_space<vmem>>) target_semaphore(%arg33 : memref<!tpu.dma_semaphore, #tpu.memory_space<semaphore_mem>>)
          %mul3A_184 = arith.constant 80 : i32
          %mul3A_185 = arith.muli %add3A_178, %mul3A_184 : i32
          %add3A_186 = arith.addi %add3A_6, %mul3A_185 : i32
          %dma_start3A_187 = tpu.memref_slice %arg3[%add3A_186] : memref<640000xi32, #tpu.memory_space<hbm>> -> memref<80xi32, #tpu.memory_space<hbm>>
          %dma_start3A_188 = tpu.memref_slice %arg3[%add3A_186] : memref<640000xi32, #tpu.memory_space<hbm>> -> memref<80xi32, #tpu.memory_space<hbm>>
          tpu.enqueue_dma source(%dma_start3A_188 : memref<80xi32, #tpu.memory_space<hbm>>) target(%arg20 : memref<80xi32, #tpu.memory_space<vmem>>) target_semaphore(%arg33 : memref<!tpu.dma_semaphore, #tpu.memory_space<semaphore_mem>>)
        } else {
        }
        %dma_start3A_174 = arith.constant 0 : i32
        %dma_start3A_175 = arith.constant 0 : i32
        %dma_start3A_176 = tpu.memref_slice %arg25[%dma_start3A_174, %dma_start3A_175] : memref<10000x128xf32, #tpu.memory_space<vmem_shared>> -> memref<10000x128xf32, #tpu.memory_space<vmem_shared>>
        tpu.enqueue_indirect_dma source(%arg23 : memref<80x128xf32, #tpu.memory_space<vmem>>) target(%dma_start3A_176 : memref<10000x128xf32, #tpu.memory_space<vmem_shared>>) offsets(%arg15 : memref<80xi32, #tpu.memory_space<vmem>>) semaphore(%arg40 : memref<!tpu.dma_semaphore, #tpu.memory_space<semaphore_mem>>) {add = true}
      } else {
      }
      %add3A_119 = arith.constant 3 : i32
      %add3A_120 = arith.addi %mul3A_98, %add3A_119 : i32
      %lt3A_121 = arith.constant 125 : i32
      %lt3A_122 = arith.cmpi slt, %add3A_120, %lt3A_121 : i32
      %convert_element_type3A_123 = arith.extui %lt3A_122 : i1 to i32
      %cond3A_124 = arith.constant 0 : i32
      %cond3A_125 = arith.cmpi ne, %convert_element_type3A_123, %cond3A_124 : i32
      scf.if %cond3A_125 {
        %dma_wait3A_154 = arith.constant 0 : i32
        %dma_wait3A_155 = arith.constant 0 : i32
        %dma_wait3A_156 = tpu.memref_slice %arg2[%dma_wait3A_154, %dma_wait3A_155] : memref<10000x128xf32, #tpu.memory_space<hbm>> -> memref<10000x128xf32, #tpu.memory_space<hbm>>
        tpu.wait_indirect_dma semaphore(%arg37 : memref<!tpu.dma_semaphore, #tpu.memory_space<semaphore_mem>>) src(%dma_wait3A_156 : memref<10000x128xf32, #tpu.memory_space<hbm>>) dst(%arg24 : memref<80x128xf32, #tpu.memory_space<vmem>>)
        %dma_wait3A_157 = arith.constant 0 : i32
        %dma_wait3A_158 = arith.constant 0 : i32
        %dma_wait3A_159 = tpu.memref_slice %arg25[%dma_wait3A_157, %dma_wait3A_158] : memref<10000x128xf32, #tpu.memory_space<vmem_shared>> -> memref<10000x128xf32, #tpu.memory_space<vmem_shared>>
        tpu.wait_indirect_dma semaphore(%arg40 : memref<!tpu.dma_semaphore, #tpu.memory_space<semaphore_mem>>) src(%arg23 : memref<80x128xf32, #tpu.memory_space<vmem>>) dst(%dma_wait3A_159 : memref<10000x128xf32, #tpu.memory_space<vmem_shared>>)
        %add3A_160 = arith.constant 3 : i32
        %add3A_161 = arith.addi %add3A_120, %add3A_160 : i32
        %lt3A_162 = arith.constant 125 : i32
        %lt3A_163 = arith.cmpi slt, %add3A_161, %lt3A_162 : i32
        %convert_element_type3A_164 = arith.extui %lt3A_163 : i1 to i32
        %cond3A_165 = arith.constant 0 : i32
        %cond3A_166 = arith.cmpi ne, %convert_element_type3A_164, %cond3A_165 : i32
        scf.if %cond3A_166 {
          %add3A_177 = arith.constant 3 : i32
          %add3A_178 = arith.addi %add3A_120, %add3A_177 : i32
          %mul3A_179 = arith.constant 80 : i32
          %mul3A_180 = arith.muli %add3A_178, %mul3A_179 : i32
          %add3A_181 = arith.addi %mul3A_2, %mul3A_180 : i32
          %dma_wait3A_182 = tpu.memref_slice %arg3[%add3A_181] : memref<640000xi32, #tpu.memory_space<hbm>> -> memref<80xi32, #tpu.memory_space<hbm>>
          %dma_wait3A_183 = tpu.memref_slice %arg3[%add3A_181] : memref<640000xi32, #tpu.memory_space<hbm>> -> memref<80xi32, #tpu.memory_space<hbm>>
          tpu.wait_dma2 semaphore(%arg32 : memref<!tpu.dma_semaphore, #tpu.memory_space<semaphore_mem>>) src(%dma_wait3A_183 : memref<80xi32, #tpu.memory_space<hbm>>) dst(%arg11 : memref<80xi32, #tpu.memory_space<vmem>>)
          %mul3A_184 = arith.constant 80 : i32
          %mul3A_185 = arith.muli %add3A_178, %mul3A_184 : i32
          %add3A_186 = arith.addi %add3A_6, %mul3A_185 : i32
          %dma_wait3A_187 = tpu.memref_slice %arg3[%add3A_186] : memref<640000xi32, #tpu.memory_space<hbm>> -> memref<80xi32, #tpu.memory_space<hbm>>
          %dma_wait3A_188 = tpu.memref_slice %arg3[%add3A_186] : memref<640000xi32, #tpu.memory_space<hbm>> -> memref<80xi32, #tpu.memory_space<hbm>>
          tpu.wait_dma2 semaphore(%arg32 : memref<!tpu.dma_semaphore, #tpu.memory_space<semaphore_mem>>) src(%dma_wait3A_188 : memref<80xi32, #tpu.memory_space<hbm>>) dst(%arg19 : memref<80xi32, #tpu.memory_space<vmem>>)
          %dma_start3A_189 = arith.constant 0 : i32
          %dma_start3A_190 = arith.constant 0 : i32
          %dma_start3A_191 = tpu.memref_slice %arg2[%dma_start3A_189, %dma_start3A_190] : memref<10000x128xf32, #tpu.memory_space<hbm>> -> memref<10000x128xf32, #tpu.memory_space<hbm>>
          tpu.enqueue_indirect_dma source(%dma_start3A_191 : memref<10000x128xf32, #tpu.memory_space<hbm>>) target(%arg23 : memref<80x128xf32, #tpu.memory_space<vmem>>) offsets(%arg11 : memref<80xi32, #tpu.memory_space<vmem>>) semaphore(%arg36 : memref<!tpu.dma_semaphore, #tpu.memory_space<semaphore_mem>>)
        } else {
        }
        %add3A_167 = arith.constant 5 : i32
        %add3A_168 = arith.addi %add3A_120, %add3A_167 : i32
        %lt3A_169 = arith.constant 125 : i32
        %lt3A_170 = arith.cmpi slt, %add3A_168, %lt3A_169 : i32
        %convert_element_type3A_171 = arith.extui %lt3A_170 : i1 to i32
        %cond3A_172 = arith.constant 0 : i32
        %cond3A_173 = arith.cmpi ne, %convert_element_type3A_171, %cond3A_172 : i32
        scf.if %cond3A_173 {
          %add3A_177 = arith.constant 5 : i32
          %add3A_178 = arith.addi %add3A_120, %add3A_177 : i32
          %mul3A_179 = arith.constant 80 : i32
          %mul3A_180 = arith.muli %add3A_178, %mul3A_179 : i32
          %add3A_181 = arith.addi %mul3A_2, %mul3A_180 : i32
          %dma_start3A_182 = tpu.memref_slice %arg3[%add3A_181] : memref<640000xi32, #tpu.memory_space<hbm>> -> memref<80xi32, #tpu.memory_space<hbm>>
          %dma_start3A_183 = tpu.memref_slice %arg3[%add3A_181] : memref<640000xi32, #tpu.memory_space<hbm>> -> memref<80xi32, #tpu.memory_space<hbm>>
          tpu.enqueue_dma source(%dma_start3A_183 : memref<80xi32, #tpu.memory_space<hbm>>) target(%arg5 : memref<80xi32, #tpu.memory_space<vmem>>) target_semaphore(%arg26 : memref<!tpu.dma_semaphore, #tpu.memory_space<semaphore_mem>>)
          %mul3A_184 = arith.constant 80 : i32
          %mul3A_185 = arith.muli %add3A_178, %mul3A_184 : i32
          %add3A_186 = arith.addi %add3A_6, %mul3A_185 : i32
          %dma_start3A_187 = tpu.memref_slice %arg3[%add3A_186] : memref<640000xi32, #tpu.memory_space<hbm>> -> memref<80xi32, #tpu.memory_space<hbm>>
          %dma_start3A_188 = tpu.memref_slice %arg3[%add3A_186] : memref<640000xi32, #tpu.memory_space<hbm>> -> memref<80xi32, #tpu.memory_space<hbm>>
          tpu.enqueue_dma source(%dma_start3A_188 : memref<80xi32, #tpu.memory_space<hbm>>) target(%arg13 : memref<80xi32, #tpu.memory_space<vmem>>) target_semaphore(%arg26 : memref<!tpu.dma_semaphore, #tpu.memory_space<semaphore_mem>>)
        } else {
        }
        %dma_start3A_174 = arith.constant 0 : i32
        %dma_start3A_175 = arith.constant 0 : i32
        %dma_start3A_176 = tpu.memref_slice %arg25[%dma_start3A_174, %dma_start3A_175] : memref<10000x128xf32, #tpu.memory_space<vmem_shared>> -> memref<10000x128xf32, #tpu.memory_space<vmem_shared>>
        tpu.enqueue_indirect_dma source(%arg24 : memref<80x128xf32, #tpu.memory_space<vmem>>) target(%dma_start3A_176 : memref<10000x128xf32, #tpu.memory_space<vmem_shared>>) offsets(%arg16 : memref<80xi32, #tpu.memory_space<vmem>>) semaphore(%arg41 : memref<!tpu.dma_semaphore, #tpu.memory_space<semaphore_mem>>) {add = true}
      } else {
      }
      %add3A_126 = arith.constant 4 : i32
      %add3A_127 = arith.addi %mul3A_98, %add3A_126 : i32
      %lt3A_128 = arith.constant 125 : i32
      %lt3A_129 = arith.cmpi slt, %add3A_127, %lt3A_128 : i32
      %convert_element_type3A_130 = arith.extui %lt3A_129 : i1 to i32
      %cond3A_131 = arith.constant 0 : i32
      %cond3A_132 = arith.cmpi ne, %convert_element_type3A_130, %cond3A_131 : i32
      scf.if %cond3A_132 {
        %dma_wait3A_154 = arith.constant 0 : i32
        %dma_wait3A_155 = arith.constant 0 : i32
        %dma_wait3A_156 = tpu.memref_slice %arg2[%dma_wait3A_154, %dma_wait3A_155] : memref<10000x128xf32, #tpu.memory_space<hbm>> -> memref<10000x128xf32, #tpu.memory_space<hbm>>
        tpu.wait_indirect_dma semaphore(%arg34 : memref<!tpu.dma_semaphore, #tpu.memory_space<semaphore_mem>>) src(%dma_wait3A_156 : memref<10000x128xf32, #tpu.memory_space<hbm>>) dst(%arg21 : memref<80x128xf32, #tpu.memory_space<vmem>>)
        %dma_wait3A_157 = arith.constant 0 : i32
        %dma_wait3A_158 = arith.constant 0 : i32
        %dma_wait3A_159 = tpu.memref_slice %arg25[%dma_wait3A_157, %dma_wait3A_158] : memref<10000x128xf32, #tpu.memory_space<vmem_shared>> -> memref<10000x128xf32, #tpu.memory_space<vmem_shared>>
        tpu.wait_indirect_dma semaphore(%arg41 : memref<!tpu.dma_semaphore, #tpu.memory_space<semaphore_mem>>) src(%arg24 : memref<80x128xf32, #tpu.memory_space<vmem>>) dst(%dma_wait3A_159 : memref<10000x128xf32, #tpu.memory_space<vmem_shared>>)
        %add3A_160 = arith.constant 3 : i32
        %add3A_161 = arith.addi %add3A_127, %add3A_160 : i32
        %lt3A_162 = arith.constant 125 : i32
        %lt3A_163 = arith.cmpi slt, %add3A_161, %lt3A_162 : i32
        %convert_element_type3A_164 = arith.extui %lt3A_163 : i1 to i32
        %cond3A_165 = arith.constant 0 : i32
        %cond3A_166 = arith.cmpi ne, %convert_element_type3A_164, %cond3A_165 : i32
        scf.if %cond3A_166 {
          %add3A_177 = arith.constant 3 : i32
          %add3A_178 = arith.addi %add3A_127, %add3A_177 : i32
          %mul3A_179 = arith.constant 80 : i32
          %mul3A_180 = arith.muli %add3A_178, %mul3A_179 : i32
          %add3A_181 = arith.addi %mul3A_2, %mul3A_180 : i32
          %dma_wait3A_182 = tpu.memref_slice %arg3[%add3A_181] : memref<640000xi32, #tpu.memory_space<hbm>> -> memref<80xi32, #tpu.memory_space<hbm>>
          %dma_wait3A_183 = tpu.memref_slice %arg3[%add3A_181] : memref<640000xi32, #tpu.memory_space<hbm>> -> memref<80xi32, #tpu.memory_space<hbm>>
          tpu.wait_dma2 semaphore(%arg33 : memref<!tpu.dma_semaphore, #tpu.memory_space<semaphore_mem>>) src(%dma_wait3A_183 : memref<80xi32, #tpu.memory_space<hbm>>) dst(%arg12 : memref<80xi32, #tpu.memory_space<vmem>>)
          %mul3A_184 = arith.constant 80 : i32
          %mul3A_185 = arith.muli %add3A_178, %mul3A_184 : i32
          %add3A_186 = arith.addi %add3A_6, %mul3A_185 : i32
          %dma_wait3A_187 = tpu.memref_slice %arg3[%add3A_186] : memref<640000xi32, #tpu.memory_space<hbm>> -> memref<80xi32, #tpu.memory_space<hbm>>
          %dma_wait3A_188 = tpu.memref_slice %arg3[%add3A_186] : memref<640000xi32, #tpu.memory_space<hbm>> -> memref<80xi32, #tpu.memory_space<hbm>>
          tpu.wait_dma2 semaphore(%arg33 : memref<!tpu.dma_semaphore, #tpu.memory_space<semaphore_mem>>) src(%dma_wait3A_188 : memref<80xi32, #tpu.memory_space<hbm>>) dst(%arg20 : memref<80xi32, #tpu.memory_space<vmem>>)
          %dma_start3A_189 = arith.constant 0 : i32
          %dma_start3A_190 = arith.constant 0 : i32
          %dma_start3A_191 = tpu.memref_slice %arg2[%dma_start3A_189, %dma_start3A_190] : memref<10000x128xf32, #tpu.memory_space<hbm>> -> memref<10000x128xf32, #tpu.memory_space<hbm>>
          tpu.enqueue_indirect_dma source(%dma_start3A_191 : memref<10000x128xf32, #tpu.memory_space<hbm>>) target(%arg24 : memref<80x128xf32, #tpu.memory_space<vmem>>) offsets(%arg12 : memref<80xi32, #tpu.memory_space<vmem>>) semaphore(%arg37 : memref<!tpu.dma_semaphore, #tpu.memory_space<semaphore_mem>>)
        } else {
        }
        %add3A_167 = arith.constant 5 : i32
        %add3A_168 = arith.addi %add3A_127, %add3A_167 : i32
        %lt3A_169 = arith.constant 125 : i32
        %lt3A_170 = arith.cmpi slt, %add3A_168, %lt3A_169 : i32
        %convert_element_type3A_171 = arith.extui %lt3A_170 : i1 to i32
        %cond3A_172 = arith.constant 0 : i32
        %cond3A_173 = arith.cmpi ne, %convert_element_type3A_171, %cond3A_172 : i32
        scf.if %cond3A_173 {
          %add3A_177 = arith.constant 5 : i32
          %add3A_178 = arith.addi %add3A_127, %add3A_177 : i32
          %mul3A_179 = arith.constant 80 : i32
          %mul3A_180 = arith.muli %add3A_178, %mul3A_179 : i32
          %add3A_181 = arith.addi %mul3A_2, %mul3A_180 : i32
          %dma_start3A_182 = tpu.memref_slice %arg3[%add3A_181] : memref<640000xi32, #tpu.memory_space<hbm>> -> memref<80xi32, #tpu.memory_space<hbm>>
          %dma_start3A_183 = tpu.memref_slice %arg3[%add3A_181] : memref<640000xi32, #tpu.memory_space<hbm>> -> memref<80xi32, #tpu.memory_space<hbm>>
          tpu.enqueue_dma source(%dma_start3A_183 : memref<80xi32, #tpu.memory_space<hbm>>) target(%arg6 : memref<80xi32, #tpu.memory_space<vmem>>) target_semaphore(%arg27 : memref<!tpu.dma_semaphore, #tpu.memory_space<semaphore_mem>>)
          %mul3A_184 = arith.constant 80 : i32
          %mul3A_185 = arith.muli %add3A_178, %mul3A_184 : i32
          %add3A_186 = arith.addi %add3A_6, %mul3A_185 : i32
          %dma_start3A_187 = tpu.memref_slice %arg3[%add3A_186] : memref<640000xi32, #tpu.memory_space<hbm>> -> memref<80xi32, #tpu.memory_space<hbm>>
          %dma_start3A_188 = tpu.memref_slice %arg3[%add3A_186] : memref<640000xi32, #tpu.memory_space<hbm>> -> memref<80xi32, #tpu.memory_space<hbm>>
          tpu.enqueue_dma source(%dma_start3A_188 : memref<80xi32, #tpu.memory_space<hbm>>) target(%arg14 : memref<80xi32, #tpu.memory_space<vmem>>) target_semaphore(%arg27 : memref<!tpu.dma_semaphore, #tpu.memory_space<semaphore_mem>>)
        } else {
        }
        %dma_start3A_174 = arith.constant 0 : i32
        %dma_start3A_175 = arith.constant 0 : i32
        %dma_start3A_176 = tpu.memref_slice %arg25[%dma_start3A_174, %dma_start3A_175] : memref<10000x128xf32, #tpu.memory_space<vmem_shared>> -> memref<10000x128xf32, #tpu.memory_space<vmem_shared>>
        tpu.enqueue_indirect_dma source(%arg21 : memref<80x128xf32, #tpu.memory_space<vmem>>) target(%dma_start3A_176 : memref<10000x128xf32, #tpu.memory_space<vmem_shared>>) offsets(%arg17 : memref<80xi32, #tpu.memory_space<vmem>>) semaphore(%arg38 : memref<!tpu.dma_semaphore, #tpu.memory_space<semaphore_mem>>) {add = true}
      } else {
      }
      %add3A_133 = arith.constant 5 : i32
      %add3A_134 = arith.addi %mul3A_98, %add3A_133 : i32
      %lt3A_135 = arith.constant 125 : i32
      %lt3A_136 = arith.cmpi slt, %add3A_134, %lt3A_135 : i32
      %convert_element_type3A_137 = arith.extui %lt3A_136 : i1 to i32
      %cond3A_138 = arith.constant 0 : i32
      %cond3A_139 = arith.cmpi ne, %convert_element_type3A_137, %cond3A_138 : i32
      scf.if %cond3A_139 {
        %dma_wait3A_154 = arith.constant 0 : i32
        %dma_wait3A_155 = arith.constant 0 : i32
        %dma_wait3A_156 = tpu.memref_slice %arg2[%dma_wait3A_154, %dma_wait3A_155] : memref<10000x128xf32, #tpu.memory_space<hbm>> -> memref<10000x128xf32, #tpu.memory_space<hbm>>
        tpu.wait_indirect_dma semaphore(%arg35 : memref<!tpu.dma_semaphore, #tpu.memory_space<semaphore_mem>>) src(%dma_wait3A_156 : memref<10000x128xf32, #tpu.memory_space<hbm>>) dst(%arg22 : memref<80x128xf32, #tpu.memory_space<vmem>>)
        %dma_wait3A_157 = arith.constant 0 : i32
        %dma_wait3A_158 = arith.constant 0 : i32
        %dma_wait3A_159 = tpu.memref_slice %arg25[%dma_wait3A_157, %dma_wait3A_158] : memref<10000x128xf32, #tpu.memory_space<vmem_shared>> -> memref<10000x128xf32, #tpu.memory_space<vmem_shared>>
        tpu.wait_indirect_dma semaphore(%arg38 : memref<!tpu.dma_semaphore, #tpu.memory_space<semaphore_mem>>) src(%arg21 : memref<80x128xf32, #tpu.memory_space<vmem>>) dst(%dma_wait3A_159 : memref<10000x128xf32, #tpu.memory_space<vmem_shared>>)
        %add3A_160 = arith.constant 3 : i32
        %add3A_161 = arith.addi %add3A_134, %add3A_160 : i32
        %lt3A_162 = arith.constant 125 : i32
        %lt3A_163 = arith.cmpi slt, %add3A_161, %lt3A_162 : i32
        %convert_element_type3A_164 = arith.extui %lt3A_163 : i1 to i32
        %cond3A_165 = arith.constant 0 : i32
        %cond3A_166 = arith.cmpi ne, %convert_element_type3A_164, %cond3A_165 : i32
        scf.if %cond3A_166 {
          %add3A_177 = arith.constant 3 : i32
          %add3A_178 = arith.addi %add3A_134, %add3A_177 : i32
          %mul3A_179 = arith.constant 80 : i32
          %mul3A_180 = arith.muli %add3A_178, %mul3A_179 : i32
          %add3A_181 = arith.addi %mul3A_2, %mul3A_180 : i32
          %dma_wait3A_182 = tpu.memref_slice %arg3[%add3A_181] : memref<640000xi32, #tpu.memory_space<hbm>> -> memref<80xi32, #tpu.memory_space<hbm>>
          %dma_wait3A_183 = tpu.memref_slice %arg3[%add3A_181] : memref<640000xi32, #tpu.memory_space<hbm>> -> memref<80xi32, #tpu.memory_space<hbm>>
          tpu.wait_dma2 semaphore(%arg26 : memref<!tpu.dma_semaphore, #tpu.memory_space<semaphore_mem>>) src(%dma_wait3A_183 : memref<80xi32, #tpu.memory_space<hbm>>) dst(%arg5 : memref<80xi32, #tpu.memory_space<vmem>>)
          %mul3A_184 = arith.constant 80 : i32
          %mul3A_185 = arith.muli %add3A_178, %mul3A_184 : i32
          %add3A_186 = arith.addi %add3A_6, %mul3A_185 : i32
          %dma_wait3A_187 = tpu.memref_slice %arg3[%add3A_186] : memref<640000xi32, #tpu.memory_space<hbm>> -> memref<80xi32, #tpu.memory_space<hbm>>
          %dma_wait3A_188 = tpu.memref_slice %arg3[%add3A_186] : memref<640000xi32, #tpu.memory_space<hbm>> -> memref<80xi32, #tpu.memory_space<hbm>>
          tpu.wait_dma2 semaphore(%arg26 : memref<!tpu.dma_semaphore, #tpu.memory_space<semaphore_mem>>) src(%dma_wait3A_188 : memref<80xi32, #tpu.memory_space<hbm>>) dst(%arg13 : memref<80xi32, #tpu.memory_space<vmem>>)
          %dma_start3A_189 = arith.constant 0 : i32
          %dma_start3A_190 = arith.constant 0 : i32
          %dma_start3A_191 = tpu.memref_slice %arg2[%dma_start3A_189, %dma_start3A_190] : memref<10000x128xf32, #tpu.memory_space<hbm>> -> memref<10000x128xf32, #tpu.memory_space<hbm>>
          tpu.enqueue_indirect_dma source(%dma_start3A_191 : memref<10000x128xf32, #tpu.memory_space<hbm>>) target(%arg21 : memref<80x128xf32, #tpu.memory_space<vmem>>) offsets(%arg5 : memref<80xi32, #tpu.memory_space<vmem>>) semaphore(%arg34 : memref<!tpu.dma_semaphore, #tpu.memory_space<semaphore_mem>>)
        } else {
        }
        %add3A_167 = arith.constant 5 : i32
        %add3A_168 = arith.addi %add3A_134, %add3A_167 : i32
        %lt3A_169 = arith.constant 125 : i32
        %lt3A_170 = arith.cmpi slt, %add3A_168, %lt3A_169 : i32
        %convert_element_type3A_171 = arith.extui %lt3A_170 : i1 to i32
        %cond3A_172 = arith.constant 0 : i32
        %cond3A_173 = arith.cmpi ne, %convert_element_type3A_171, %cond3A_172 : i32
        scf.if %cond3A_173 {
          %add3A_177 = arith.constant 5 : i32
          %add3A_178 = arith.addi %add3A_134, %add3A_177 : i32
          %mul3A_179 = arith.constant 80 : i32
          %mul3A_180 = arith.muli %add3A_178, %mul3A_179 : i32
          %add3A_181 = arith.addi %mul3A_2, %mul3A_180 : i32
          %dma_start3A_182 = tpu.memref_slice %arg3[%add3A_181] : memref<640000xi32, #tpu.memory_space<hbm>> -> memref<80xi32, #tpu.memory_space<hbm>>
          %dma_start3A_183 = tpu.memref_slice %arg3[%add3A_181] : memref<640000xi32, #tpu.memory_space<hbm>> -> memref<80xi32, #tpu.memory_space<hbm>>
          tpu.enqueue_dma source(%dma_start3A_183 : memref<80xi32, #tpu.memory_space<hbm>>) target(%arg7 : memref<80xi32, #tpu.memory_space<vmem>>) target_semaphore(%arg28 : memref<!tpu.dma_semaphore, #tpu.memory_space<semaphore_mem>>)
          %mul3A_184 = arith.constant 80 : i32
          %mul3A_185 = arith.muli %add3A_178, %mul3A_184 : i32
          %add3A_186 = arith.addi %add3A_6, %mul3A_185 : i32
          %dma_start3A_187 = tpu.memref_slice %arg3[%add3A_186] : memref<640000xi32, #tpu.memory_space<hbm>> -> memref<80xi32, #tpu.memory_space<hbm>>
          %dma_start3A_188 = tpu.memref_slice %arg3[%add3A_186] : memref<640000xi32, #tpu.memory_space<hbm>> -> memref<80xi32, #tpu.memory_space<hbm>>
          tpu.enqueue_dma source(%dma_start3A_188 : memref<80xi32, #tpu.memory_space<hbm>>) target(%arg15 : memref<80xi32, #tpu.memory_space<vmem>>) target_semaphore(%arg28 : memref<!tpu.dma_semaphore, #tpu.memory_space<semaphore_mem>>)
        } else {
        }
        %dma_start3A_174 = arith.constant 0 : i32
        %dma_start3A_175 = arith.constant 0 : i32
        %dma_start3A_176 = tpu.memref_slice %arg25[%dma_start3A_174, %dma_start3A_175] : memref<10000x128xf32, #tpu.memory_space<vmem_shared>> -> memref<10000x128xf32, #tpu.memory_space<vmem_shared>>
        tpu.enqueue_indirect_dma source(%arg22 : memref<80x128xf32, #tpu.memory_space<vmem>>) target(%dma_start3A_176 : memref<10000x128xf32, #tpu.memory_space<vmem_shared>>) offsets(%arg18 : memref<80xi32, #tpu.memory_space<vmem>>) semaphore(%arg39 : memref<!tpu.dma_semaphore, #tpu.memory_space<semaphore_mem>>) {add = true}
      } else {
      }
      %add3A_140 = arith.constant 6 : i32
      %add3A_141 = arith.addi %mul3A_98, %add3A_140 : i32
      %lt3A_142 = arith.constant 125 : i32
      %lt3A_143 = arith.cmpi slt, %add3A_141, %lt3A_142 : i32
      %convert_element_type3A_144 = arith.extui %lt3A_143 : i1 to i32
      %cond3A_145 = arith.constant 0 : i32
      %cond3A_146 = arith.cmpi ne, %convert_element_type3A_144, %cond3A_145 : i32
      scf.if %cond3A_146 {
        %dma_wait3A_154 = arith.constant 0 : i32
        %dma_wait3A_155 = arith.constant 0 : i32
        %dma_wait3A_156 = tpu.memref_slice %arg2[%dma_wait3A_154, %dma_wait3A_155] : memref<10000x128xf32, #tpu.memory_space<hbm>> -> memref<10000x128xf32, #tpu.memory_space<hbm>>
        tpu.wait_indirect_dma semaphore(%arg36 : memref<!tpu.dma_semaphore, #tpu.memory_space<semaphore_mem>>) src(%dma_wait3A_156 : memref<10000x128xf32, #tpu.memory_space<hbm>>) dst(%arg23 : memref<80x128xf32, #tpu.memory_space<vmem>>)
        %dma_wait3A_157 = arith.constant 0 : i32
        %dma_wait3A_158 = arith.constant 0 : i32
        %dma_wait3A_159 = tpu.memref_slice %arg25[%dma_wait3A_157, %dma_wait3A_158] : memref<10000x128xf32, #tpu.memory_space<vmem_shared>> -> memref<10000x128xf32, #tpu.memory_space<vmem_shared>>
        tpu.wait_indirect_dma semaphore(%arg39 : memref<!tpu.dma_semaphore, #tpu.memory_space<semaphore_mem>>) src(%arg22 : memref<80x128xf32, #tpu.memory_space<vmem>>) dst(%dma_wait3A_159 : memref<10000x128xf32, #tpu.memory_space<vmem_shared>>)
        %add3A_160 = arith.constant 3 : i32
        %add3A_161 = arith.addi %add3A_141, %add3A_160 : i32
        %lt3A_162 = arith.constant 125 : i32
        %lt3A_163 = arith.cmpi slt, %add3A_161, %lt3A_162 : i32
        %convert_element_type3A_164 = arith.extui %lt3A_163 : i1 to i32
        %cond3A_165 = arith.constant 0 : i32
        %cond3A_166 = arith.cmpi ne, %convert_element_type3A_164, %cond3A_165 : i32
        scf.if %cond3A_166 {
          %add3A_177 = arith.constant 3 : i32
          %add3A_178 = arith.addi %add3A_141, %add3A_177 : i32
          %mul3A_179 = arith.constant 80 : i32
          %mul3A_180 = arith.muli %add3A_178, %mul3A_179 : i32
          %add3A_181 = arith.addi %mul3A_2, %mul3A_180 : i32
          %dma_wait3A_182 = tpu.memref_slice %arg3[%add3A_181] : memref<640000xi32, #tpu.memory_space<hbm>> -> memref<80xi32, #tpu.memory_space<hbm>>
          %dma_wait3A_183 = tpu.memref_slice %arg3[%add3A_181] : memref<640000xi32, #tpu.memory_space<hbm>> -> memref<80xi32, #tpu.memory_space<hbm>>
          tpu.wait_dma2 semaphore(%arg27 : memref<!tpu.dma_semaphore, #tpu.memory_space<semaphore_mem>>) src(%dma_wait3A_183 : memref<80xi32, #tpu.memory_space<hbm>>) dst(%arg6 : memref<80xi32, #tpu.memory_space<vmem>>)
          %mul3A_184 = arith.constant 80 : i32
          %mul3A_185 = arith.muli %add3A_178, %mul3A_184 : i32
          %add3A_186 = arith.addi %add3A_6, %mul3A_185 : i32
          %dma_wait3A_187 = tpu.memref_slice %arg3[%add3A_186] : memref<640000xi32, #tpu.memory_space<hbm>> -> memref<80xi32, #tpu.memory_space<hbm>>
          %dma_wait3A_188 = tpu.memref_slice %arg3[%add3A_186] : memref<640000xi32, #tpu.memory_space<hbm>> -> memref<80xi32, #tpu.memory_space<hbm>>
          tpu.wait_dma2 semaphore(%arg27 : memref<!tpu.dma_semaphore, #tpu.memory_space<semaphore_mem>>) src(%dma_wait3A_188 : memref<80xi32, #tpu.memory_space<hbm>>) dst(%arg14 : memref<80xi32, #tpu.memory_space<vmem>>)
          %dma_start3A_189 = arith.constant 0 : i32
          %dma_start3A_190 = arith.constant 0 : i32
          %dma_start3A_191 = tpu.memref_slice %arg2[%dma_start3A_189, %dma_start3A_190] : memref<10000x128xf32, #tpu.memory_space<hbm>> -> memref<10000x128xf32, #tpu.memory_space<hbm>>
          tpu.enqueue_indirect_dma source(%dma_start3A_191 : memref<10000x128xf32, #tpu.memory_space<hbm>>) target(%arg22 : memref<80x128xf32, #tpu.memory_space<vmem>>) offsets(%arg6 : memref<80xi32, #tpu.memory_space<vmem>>) semaphore(%arg35 : memref<!tpu.dma_semaphore, #tpu.memory_space<semaphore_mem>>)
        } else {
        }
        %add3A_167 = arith.constant 5 : i32
        %add3A_168 = arith.addi %add3A_141, %add3A_167 : i32
        %lt3A_169 = arith.constant 125 : i32
        %lt3A_170 = arith.cmpi slt, %add3A_168, %lt3A_169 : i32
        %convert_element_type3A_171 = arith.extui %lt3A_170 : i1 to i32
        %cond3A_172 = arith.constant 0 : i32
        %cond3A_173 = arith.cmpi ne, %convert_element_type3A_171, %cond3A_172 : i32
        scf.if %cond3A_173 {
          %add3A_177 = arith.constant 5 : i32
          %add3A_178 = arith.addi %add3A_141, %add3A_177 : i32
          %mul3A_179 = arith.constant 80 : i32
          %mul3A_180 = arith.muli %add3A_178, %mul3A_179 : i32
          %add3A_181 = arith.addi %mul3A_2, %mul3A_180 : i32
          %dma_start3A_182 = tpu.memref_slice %arg3[%add3A_181] : memref<640000xi32, #tpu.memory_space<hbm>> -> memref<80xi32, #tpu.memory_space<hbm>>
          %dma_start3A_183 = tpu.memref_slice %arg3[%add3A_181] : memref<640000xi32, #tpu.memory_space<hbm>> -> memref<80xi32, #tpu.memory_space<hbm>>
          tpu.enqueue_dma source(%dma_start3A_183 : memref<80xi32, #tpu.memory_space<hbm>>) target(%arg8 : memref<80xi32, #tpu.memory_space<vmem>>) target_semaphore(%arg29 : memref<!tpu.dma_semaphore, #tpu.memory_space<semaphore_mem>>)
          %mul3A_184 = arith.constant 80 : i32
          %mul3A_185 = arith.muli %add3A_178, %mul3A_184 : i32
          %add3A_186 = arith.addi %add3A_6, %mul3A_185 : i32
          %dma_start3A_187 = tpu.memref_slice %arg3[%add3A_186] : memref<640000xi32, #tpu.memory_space<hbm>> -> memref<80xi32, #tpu.memory_space<hbm>>
          %dma_start3A_188 = tpu.memref_slice %arg3[%add3A_186] : memref<640000xi32, #tpu.memory_space<hbm>> -> memref<80xi32, #tpu.memory_space<hbm>>
          tpu.enqueue_dma source(%dma_start3A_188 : memref<80xi32, #tpu.memory_space<hbm>>) target(%arg16 : memref<80xi32, #tpu.memory_space<vmem>>) target_semaphore(%arg29 : memref<!tpu.dma_semaphore, #tpu.memory_space<semaphore_mem>>)
        } else {
        }
        %dma_start3A_174 = arith.constant 0 : i32
        %dma_start3A_175 = arith.constant 0 : i32
        %dma_start3A_176 = tpu.memref_slice %arg25[%dma_start3A_174, %dma_start3A_175] : memref<10000x128xf32, #tpu.memory_space<vmem_shared>> -> memref<10000x128xf32, #tpu.memory_space<vmem_shared>>
        tpu.enqueue_indirect_dma source(%arg23 : memref<80x128xf32, #tpu.memory_space<vmem>>) target(%dma_start3A_176 : memref<10000x128xf32, #tpu.memory_space<vmem_shared>>) offsets(%arg19 : memref<80xi32, #tpu.memory_space<vmem>>) semaphore(%arg40 : memref<!tpu.dma_semaphore, #tpu.memory_space<semaphore_mem>>) {add = true}
      } else {
      }
      %add3A_147 = arith.constant 7 : i32
      %add3A_148 = arith.addi %mul3A_98, %add3A_147 : i32
      %lt3A_149 = arith.constant 125 : i32
      %lt3A_150 = arith.cmpi slt, %add3A_148, %lt3A_149 : i32
      %convert_element_type3A_151 = arith.extui %lt3A_150 : i1 to i32
      %cond3A_152 = arith.constant 0 : i32
      %cond3A_153 = arith.cmpi ne, %convert_element_type3A_151, %cond3A_152 : i32
      scf.if %cond3A_153 {
        %dma_wait3A_154 = arith.constant 0 : i32
        %dma_wait3A_155 = arith.constant 0 : i32
        %dma_wait3A_156 = tpu.memref_slice %arg2[%dma_wait3A_154, %dma_wait3A_155] : memref<10000x128xf32, #tpu.memory_space<hbm>> -> memref<10000x128xf32, #tpu.memory_space<hbm>>
        tpu.wait_indirect_dma semaphore(%arg37 : memref<!tpu.dma_semaphore, #tpu.memory_space<semaphore_mem>>) src(%dma_wait3A_156 : memref<10000x128xf32, #tpu.memory_space<hbm>>) dst(%arg24 : memref<80x128xf32, #tpu.memory_space<vmem>>)
        %dma_wait3A_157 = arith.constant 0 : i32
        %dma_wait3A_158 = arith.constant 0 : i32
        %dma_wait3A_159 = tpu.memref_slice %arg25[%dma_wait3A_157, %dma_wait3A_158] : memref<10000x128xf32, #tpu.memory_space<vmem_shared>> -> memref<10000x128xf32, #tpu.memory_space<vmem_shared>>
        tpu.wait_indirect_dma semaphore(%arg40 : memref<!tpu.dma_semaphore, #tpu.memory_space<semaphore_mem>>) src(%arg23 : memref<80x128xf32, #tpu.memory_space<vmem>>) dst(%dma_wait3A_159 : memref<10000x128xf32, #tpu.memory_space<vmem_shared>>)
        %add3A_160 = arith.constant 3 : i32
        %add3A_161 = arith.addi %add3A_148, %add3A_160 : i32
        %lt3A_162 = arith.constant 125 : i32
        %lt3A_163 = arith.cmpi slt, %add3A_161, %lt3A_162 : i32
        %convert_element_type3A_164 = arith.extui %lt3A_163 : i1 to i32
        %cond3A_165 = arith.constant 0 : i32
        %cond3A_166 = arith.cmpi ne, %convert_element_type3A_164, %cond3A_165 : i32
        scf.if %cond3A_166 {
          %add3A_177 = arith.constant 3 : i32
          %add3A_178 = arith.addi %add3A_148, %add3A_177 : i32
          %mul3A_179 = arith.constant 80 : i32
          %mul3A_180 = arith.muli %add3A_178, %mul3A_179 : i32
          %add3A_181 = arith.addi %mul3A_2, %mul3A_180 : i32
          %dma_wait3A_182 = tpu.memref_slice %arg3[%add3A_181] : memref<640000xi32, #tpu.memory_space<hbm>> -> memref<80xi32, #tpu.memory_space<hbm>>
          %dma_wait3A_183 = tpu.memref_slice %arg3[%add3A_181] : memref<640000xi32, #tpu.memory_space<hbm>> -> memref<80xi32, #tpu.memory_space<hbm>>
          tpu.wait_dma2 semaphore(%arg28 : memref<!tpu.dma_semaphore, #tpu.memory_space<semaphore_mem>>) src(%dma_wait3A_183 : memref<80xi32, #tpu.memory_space<hbm>>) dst(%arg7 : memref<80xi32, #tpu.memory_space<vmem>>)
          %mul3A_184 = arith.constant 80 : i32
          %mul3A_185 = arith.muli %add3A_178, %mul3A_184 : i32
          %add3A_186 = arith.addi %add3A_6, %mul3A_185 : i32
          %dma_wait3A_187 = tpu.memref_slice %arg3[%add3A_186] : memref<640000xi32, #tpu.memory_space<hbm>> -> memref<80xi32, #tpu.memory_space<hbm>>
          %dma_wait3A_188 = tpu.memref_slice %arg3[%add3A_186] : memref<640000xi32, #tpu.memory_space<hbm>> -> memref<80xi32, #tpu.memory_space<hbm>>
          tpu.wait_dma2 semaphore(%arg28 : memref<!tpu.dma_semaphore, #tpu.memory_space<semaphore_mem>>) src(%dma_wait3A_188 : memref<80xi32, #tpu.memory_space<hbm>>) dst(%arg15 : memref<80xi32, #tpu.memory_space<vmem>>)
          %dma_start3A_189 = arith.constant 0 : i32
          %dma_start3A_190 = arith.constant 0 : i32
          %dma_start3A_191 = tpu.memref_slice %arg2[%dma_start3A_189, %dma_start3A_190] : memref<10000x128xf32, #tpu.memory_space<hbm>> -> memref<10000x128xf32, #tpu.memory_space<hbm>>
          tpu.enqueue_indirect_dma source(%dma_start3A_191 : memref<10000x128xf32, #tpu.memory_space<hbm>>) target(%arg23 : memref<80x128xf32, #tpu.memory_space<vmem>>) offsets(%arg7 : memref<80xi32, #tpu.memory_space<vmem>>) semaphore(%arg36 : memref<!tpu.dma_semaphore, #tpu.memory_space<semaphore_mem>>)
        } else {
        }
        %add3A_167 = arith.constant 5 : i32
        %add3A_168 = arith.addi %add3A_148, %add3A_167 : i32
        %lt3A_169 = arith.constant 125 : i32
        %lt3A_170 = arith.cmpi slt, %add3A_168, %lt3A_169 : i32
        %convert_element_type3A_171 = arith.extui %lt3A_170 : i1 to i32
        %cond3A_172 = arith.constant 0 : i32
        %cond3A_173 = arith.cmpi ne, %convert_element_type3A_171, %cond3A_172 : i32
        scf.if %cond3A_173 {
          %add3A_177 = arith.constant 5 : i32
          %add3A_178 = arith.addi %add3A_148, %add3A_177 : i32
          %mul3A_179 = arith.constant 80 : i32
          %mul3A_180 = arith.muli %add3A_178, %mul3A_179 : i32
          %add3A_181 = arith.addi %mul3A_2, %mul3A_180 : i32
          %dma_start3A_182 = tpu.memref_slice %arg3[%add3A_181] : memref<640000xi32, #tpu.memory_space<hbm>> -> memref<80xi32, #tpu.memory_space<hbm>>
          %dma_start3A_183 = tpu.memref_slice %arg3[%add3A_181] : memref<640000xi32, #tpu.memory_space<hbm>> -> memref<80xi32, #tpu.memory_space<hbm>>
          tpu.enqueue_dma source(%dma_start3A_183 : memref<80xi32, #tpu.memory_space<hbm>>) target(%arg9 : memref<80xi32, #tpu.memory_space<vmem>>) target_semaphore(%arg30 : memref<!tpu.dma_semaphore, #tpu.memory_space<semaphore_mem>>)
          %mul3A_184 = arith.constant 80 : i32
          %mul3A_185 = arith.muli %add3A_178, %mul3A_184 : i32
          %add3A_186 = arith.addi %add3A_6, %mul3A_185 : i32
          %dma_start3A_187 = tpu.memref_slice %arg3[%add3A_186] : memref<640000xi32, #tpu.memory_space<hbm>> -> memref<80xi32, #tpu.memory_space<hbm>>
          %dma_start3A_188 = tpu.memref_slice %arg3[%add3A_186] : memref<640000xi32, #tpu.memory_space<hbm>> -> memref<80xi32, #tpu.memory_space<hbm>>
          tpu.enqueue_dma source(%dma_start3A_188 : memref<80xi32, #tpu.memory_space<hbm>>) target(%arg17 : memref<80xi32, #tpu.memory_space<vmem>>) target_semaphore(%arg30 : memref<!tpu.dma_semaphore, #tpu.memory_space<semaphore_mem>>)
        } else {
        }
        %dma_start3A_174 = arith.constant 0 : i32
        %dma_start3A_175 = arith.constant 0 : i32
        %dma_start3A_176 = tpu.memref_slice %arg25[%dma_start3A_174, %dma_start3A_175] : memref<10000x128xf32, #tpu.memory_space<vmem_shared>> -> memref<10000x128xf32, #tpu.memory_space<vmem_shared>>
        tpu.enqueue_indirect_dma source(%arg24 : memref<80x128xf32, #tpu.memory_space<vmem>>) target(%dma_start3A_176 : memref<10000x128xf32, #tpu.memory_space<vmem_shared>>) offsets(%arg20 : memref<80xi32, #tpu.memory_space<vmem>>) semaphore(%arg41 : memref<!tpu.dma_semaphore, #tpu.memory_space<semaphore_mem>>) {add = true}
      } else {
      }
    }
    %scan3A_86 = arith.constant 16 : i32
    %dma_wait3A_87 = arith.constant 0 : i32
    %dma_wait3A_88 = arith.constant 0 : i32
    %dma_wait3A_89 = tpu.memref_slice %arg25[%dma_wait3A_87, %dma_wait3A_88] : memref<10000x128xf32, #tpu.memory_space<vmem_shared>> -> memref<10000x128xf32, #tpu.memory_space<vmem_shared>>
    tpu.wait_indirect_dma semaphore(%arg38 : memref<!tpu.dma_semaphore, #tpu.memory_space<semaphore_mem>>) src(%arg21 : memref<80x128xf32, #tpu.memory_space<vmem>>) dst(%dma_wait3A_89 : memref<10000x128xf32, #tpu.memory_space<vmem_shared>>)
    %barrier3A_90 = arith.constant 0 : index
    tpu.barrier barrier_id(%barrier3A_90)
    "tpu.region"() ({
      %run_scoped3A = tpu.sem_alloc : memref<!tpu.dma_semaphore, #tpu.memory_space<semaphore_mem>>
      %dma_start3A_96 = arith.constant 0 : i32
      %dma_start3A_97 = tpu.memref_slice %arg4[%arg0, %mul3A_79, %dma_start3A_96] : memref<2x10000x128xf32, #tpu.memory_space<hbm>> -> memref<1x624x128xf32, #tpu.memory_space<hbm>>
      %dma_start3A_98 = tpu.memref_squeeze %dma_start3A_97 : memref<1x624x128xf32, #tpu.memory_space<hbm>> -> memref<624x128xf32, #tpu.memory_space<hbm>>
      %dma_start3A_99 = arith.constant 0 : i32
      %dma_start3A_100 = tpu.memref_slice %arg25[%mul3A_79, %dma_start3A_99] : memref<10000x128xf32, #tpu.memory_space<vmem_shared>> -> memref<624x128xf32, #tpu.memory_space<vmem_shared>>
      tpu.enqueue_dma source(%dma_start3A_100 : memref<624x128xf32, #tpu.memory_space<vmem_shared>>) target(%dma_start3A_98 : memref<624x128xf32, #tpu.memory_space<hbm>>) target_semaphore(%run_scoped3A : memref<!tpu.dma_semaphore, #tpu.memory_space<semaphore_mem>>)
      %dma_wait3A_101 = arith.constant 0 : i32
      %dma_wait3A_102 = tpu.memref_slice %arg4[%arg0, %mul3A_79, %dma_wait3A_101] : memref<2x10000x128xf32, #tpu.memory_space<hbm>> -> memref<1x624x128xf32, #tpu.memory_space<hbm>>
      %dma_wait3A_103 = tpu.memref_squeeze %dma_wait3A_102 : memref<1x624x128xf32, #tpu.memory_space<hbm>> -> memref<624x128xf32, #tpu.memory_space<hbm>>
      %dma_wait3A_104 = arith.constant 0 : i32
      %dma_wait3A_105 = tpu.memref_slice %arg25[%mul3A_79, %dma_wait3A_104] : memref<10000x128xf32, #tpu.memory_space<vmem_shared>> -> memref<624x128xf32, #tpu.memory_space<vmem_shared>>
      tpu.wait_dma2 semaphore(%run_scoped3A : memref<!tpu.dma_semaphore, #tpu.memory_space<semaphore_mem>>) src(%dma_wait3A_105 : memref<624x128xf32, #tpu.memory_space<vmem_shared>>) dst(%dma_wait3A_103 : memref<624x128xf32, #tpu.memory_space<hbm>>)
      tpu.yield
    }) : () -> ()
    %eq3A_91 = arith.constant 0 : i32
    %eq3A_92 = arith.cmpi eq, %arg1, %eq3A_91 : i32
    %convert_element_type3A_93 = arith.extui %eq3A_92 : i1 to i32
    %cond3A_94 = arith.constant 0 : i32
    %cond3A_95 = arith.cmpi ne, %convert_element_type3A_93, %cond3A_94 : i32
    scf.if %cond3A_95 {
      "tpu.region"() ({
        %run_scoped3A = tpu.sem_alloc : memref<!tpu.dma_semaphore, #tpu.memory_space<semaphore_mem>>
        %dma_start3A_96 = arith.constant 9984 : i32
        %dma_start3A_97 = arith.constant 0 : i32
        %dma_start3A_98 = tpu.memref_slice %arg4[%arg0, %dma_start3A_96, %dma_start3A_97] : memref<2x10000x128xf32, #tpu.memory_space<hbm>> -> memref<1x16x128xf32, #tpu.memory_space<hbm>>
        %dma_start3A_99 = tpu.memref_squeeze %dma_start3A_98 : memref<1x16x128xf32, #tpu.memory_space<hbm>> -> memref<16x128xf32, #tpu.memory_space<hbm>>
        %dma_start3A_100 = arith.constant 9984 : i32
        %dma_start3A_101 = arith.constant 0 : i32
        %dma_start3A_102 = tpu.memref_slice %arg25[%dma_start3A_100, %dma_start3A_101] : memref<10000x128xf32, #tpu.memory_space<vmem_shared>> -> memref<16x128xf32, #tpu.memory_space<vmem_shared>>
        tpu.enqueue_dma source(%dma_start3A_102 : memref<16x128xf32, #tpu.memory_space<vmem_shared>>) target(%dma_start3A_99 : memref<16x128xf32, #tpu.memory_space<hbm>>) target_semaphore(%run_scoped3A : memref<!tpu.dma_semaphore, #tpu.memory_space<semaphore_mem>>)
        %dma_wait3A_103 = arith.constant 9984 : i32
        %dma_wait3A_104 = arith.constant 0 : i32
        %dma_wait3A_105 = tpu.memref_slice %arg4[%arg0, %dma_wait3A_103, %dma_wait3A_104] : memref<2x10000x128xf32, #tpu.memory_space<hbm>> -> memref<1x16x128xf32, #tpu.memory_space<hbm>>
        %dma_wait3A_106 = tpu.memref_squeeze %dma_wait3A_105 : memref<1x16x128xf32, #tpu.memory_space<hbm>> -> memref<16x128xf32, #tpu.memory_space<hbm>>
        %dma_wait3A_107 = arith.constant 9984 : i32
        %dma_wait3A_108 = arith.constant 0 : i32
        %dma_wait3A_109 = tpu.memref_slice %arg25[%dma_wait3A_107, %dma_wait3A_108] : memref<10000x128xf32, #tpu.memory_space<vmem_shared>> -> memref<16x128xf32, #tpu.memory_space<vmem_shared>>
        tpu.wait_dma2 semaphore(%run_scoped3A : memref<!tpu.dma_semaphore, #tpu.memory_space<semaphore_mem>>) src(%dma_wait3A_109 : memref<16x128xf32, #tpu.memory_space<vmem_shared>>) dst(%dma_wait3A_106 : memref<16x128xf32, #tpu.memory_space<hbm>>)
        tpu.yield
      }) : () -> ()
    } else {
    }
    return
  }
}

module attributes {stable_mosaic.version = 14 : i64} {
  func.func @body(%arg0: i32, %arg1: memref<2x1024x128xf32, #tpu.memory_space<vmem>>, %arg2: memref<1024x128xf32, #tpu.memory_space<vmem>>, %arg3: memref<2x1024xf32, #tpu.memory_space<vmem>>, %arg4: memref<128x128xf32, #tpu.memory_space<vmem>>, %arg5: memref<1x128xf32, #tpu.memory_space<vmem>>, %arg6: memref<1024x128xf32, #tpu.memory_space<vmem>>) attributes {dimension_semantics = [#tpu.dimension_semantics<arbitrary>], iteration_bounds = array<i64: 10>, scalar_prefetch = 0 : i64, scratch_operands = 0 : i64, tpu.core_type = #tpu.core_type<tc>, window_params = [{transform_indices = @transform_0, window_bounds = array<i64: 2, 1024, 128>}, {transform_indices = @transform_1, window_bounds = array<i64: 1024, 128>}, {transform_indices = @transform_2, window_bounds = array<i64: 2, 1024>}, {pipeline_mode = #tpu.pipeline_mode<synchronous>, transform_indices = @transform_3, window_bounds = array<i64: 128, 128>}, {pipeline_mode = #tpu.pipeline_mode<synchronous>, transform_indices = @transform_4, window_bounds = array<i64: 1, 128>}, {transform_indices = @transform_5, window_bounds = array<i64: 1024, 128>}]} {
    %get3A = arith.constant 0 : index
    %get3A_0 = arith.constant 0 : index
    %get3A_1 = arith.constant 0 : index
    %get3A_2 = vector.load %arg1[%get3A, %get3A_0, %get3A_1] : memref<2x1024x128xf32, #tpu.memory_space<vmem>>, vector<1x1024x128xf32>
    %get3A_3 = vector.shape_cast %get3A_2 : vector<1x1024x128xf32> to vector<1024x128xf32>
    %get3A_4 = arith.constant 1 : index
    %get3A_5 = arith.constant 0 : index
    %get3A_6 = arith.constant 0 : index
    %get3A_7 = vector.load %arg1[%get3A_4, %get3A_5, %get3A_6] : memref<2x1024x128xf32, #tpu.memory_space<vmem>>, vector<1x1024x128xf32>
    %get3A_8 = vector.shape_cast %get3A_7 : vector<1x1024x128xf32> to vector<1024x128xf32>
    %add3A = arith.addf %get3A_3, %get3A_8 : vector<1024x128xf32>
    %get3A_9 = arith.constant 0 : index
    %get3A_10 = arith.constant 0 : index
    %get3A_11 = vector.load %arg2[%get3A_9, %get3A_10] : memref<1024x128xf32, #tpu.memory_space<vmem>>, vector<1024x128xf32>
    %sub3A = arith.subf %add3A, %get3A_11 : vector<1024x128xf32>
    %get3A_12 = arith.constant 0 : index
    %get3A_13 = arith.constant 0 : index
    %get3A_14 = vector.load %arg3[%get3A_12, %get3A_13] : memref<2x1024xf32, #tpu.memory_space<vmem>>, vector<1x1024xf32>
    %get3A_15 = vector.shape_cast %get3A_14 : vector<1x1024xf32> to vector<1024xf32>
    %add3A_16 = arith.constant 1.000000e+00 : f32
    %add3A_17 = vector.broadcast %add3A_16 : f32 to vector<1024xf32>
    %add3A_18 = arith.addf %add3A_17, %get3A_15 : vector<1024xf32>
    %get3A_19 = arith.constant 1 : index
    %get3A_20 = arith.constant 0 : index
    %get3A_21 = vector.load %arg3[%get3A_19, %get3A_20] : memref<2x1024xf32, #tpu.memory_space<vmem>>, vector<1x1024xf32>
    %get3A_22 = vector.shape_cast %get3A_21 : vector<1x1024xf32> to vector<1024xf32>
    %add3A_23 = arith.addf %add3A_18, %get3A_22 : vector<1024xf32>
    %broadcast_in_dim3A = vector.shape_cast %add3A_23 : vector<1024xf32> to vector<1024x1xf32>
    %get3A_24 = arith.constant 0 : index
    %get3A_25 = arith.constant 0 : index
    %get3A_26 = vector.load %arg4[%get3A_24, %get3A_25] : memref<128x128xf32, #tpu.memory_space<vmem>>, vector<128x128xf32>
    %mul3A = arith.constant 5.000000e-01 : f32
    %mul3A_27 = vector.broadcast %mul3A : f32 to vector<128x128xf32>
    %mul3A_28 = arith.mulf %get3A_26, %mul3A_27 : vector<128x128xf32>
    %dot_general3A = arith.constant dense<0.000000e+00> : vector<1024x128xf32>
    %dot_general3A_29 = tpu.matmul %sub3A, %mul3A_28, %dot_general3A {dimension_numbers = #tpu.dot_dimension_numbers<[1], [1], [0], [0], [0, 0, 1, 0], [], []>, transpose_lhs_hint = false} : vector<1024x128xf32>, vector<128x128xf32>, vector<1024x128xf32> -> vector<1024x128xf32>
    %get3A_30 = arith.constant 0 : index
    %get3A_31 = arith.constant 0 : index
    %get3A_32 = vector.load %arg5[%get3A_30, %get3A_31] : memref<1x128xf32, #tpu.memory_space<vmem>>, vector<1x128xf32>
    %mul3A_33 = arith.constant 5.000000e-01 : f32
    %mul3A_34 = vector.broadcast %mul3A_33 : f32 to vector<1x128xf32>
    %mul3A_35 = arith.mulf %get3A_32, %mul3A_34 : vector<1x128xf32>
    %mul3A_36 = vector.broadcast %broadcast_in_dim3A : vector<1024x1xf32> to vector<1024x128xf32>
    %mul3A_37 = vector.broadcast %mul3A_35 : vector<1x128xf32> to vector<1024x128xf32>
    %mul3A_38 = arith.mulf %mul3A_36, %mul3A_37 : vector<1024x128xf32>
    %add3A_39 = arith.addf %dot_general3A_29, %mul3A_38 : vector<1024x128xf32>
    %swap3A = arith.constant 0 : index
    %swap3A_40 = arith.constant 0 : index
    %swap3A_41 = vector.load %arg6[%swap3A, %swap3A_40] : memref<1024x128xf32, #tpu.memory_space<vmem>>, vector<1024x128xf32>
    tpu.vector_store %arg6[%swap3A, %swap3A_40], %add3A_39 {strides = array<i32>} : memref<1024x128xf32, #tpu.memory_space<vmem>>, vector<1024x128xf32>,
    return
  }
  func.func @transform_0(%arg0: i32) -> (i32, i32, i32) {
    %c0_i32 = arith.constant 0 : i32
    %c0_i32_0 = arith.constant 0 : i32
    %c0_i32_1 = arith.constant 0 : i32
    return %c0_i32, %arg0, %c0_i32_0 : i32, i32, i32
  }
  func.func @transform_1(%arg0: i32) -> (i32, i32) {
    %c0_i32 = arith.constant 0 : i32
    %c0_i32_0 = arith.constant 0 : i32
    return %arg0, %c0_i32 : i32, i32
  }
  func.func @transform_2(%arg0: i32) -> (i32, i32) {
    %c0_i32 = arith.constant 0 : i32
    %c0_i32_0 = arith.constant 0 : i32
    return %c0_i32, %arg0 : i32, i32
  }
  func.func @transform_3(%arg0: i32) -> (i32, i32) {
    %c0_i32 = arith.constant 0 : i32
    %c0_i32_0 = arith.constant 0 : i32
    %c0_i32_1 = arith.constant 0 : i32
    return %c0_i32, %c0_i32_0 : i32, i32
  }
  func.func @transform_4(%arg0: i32) -> (i32, i32) {
    %c0_i32 = arith.constant 0 : i32
    %c0_i32_0 = arith.constant 0 : i32
    %c0_i32_1 = arith.constant 0 : i32
    return %c0_i32, %c0_i32_0 : i32, i32
  }
  func.func @transform_5(%arg0: i32) -> (i32, i32) {
    %c0_i32 = arith.constant 0 : i32
    %c0_i32_0 = arith.constant 0 : i32
    return %arg0, %c0_i32 : i32, i32
  }
}

module attributes {stable_mosaic.version = 14 : i64} {
  func.func @body(%arg0: i32, %arg1: memref<2x1024x128xf32, #tpu.memory_space<vmem>>, %arg2: memref<1024x128xf32, #tpu.memory_space<vmem>>, %arg3: memref<2x1024xf32, #tpu.memory_space<vmem>>, %arg4: memref<128x128xf32, #tpu.memory_space<vmem>>, %arg5: memref<1x128xf32, #tpu.memory_space<vmem>>, %arg6: memref<1024x128xf32, #tpu.memory_space<vmem>>) attributes {dimension_semantics = [#tpu.dimension_semantics<arbitrary>], iteration_bounds = array<i64: 10>, scalar_prefetch = 0 : i64, scratch_operands = 0 : i64, tpu.core_type = #tpu.core_type<tc>, window_params = [{transform_indices = @transform_0, window_bounds = array<i64: 2, 1024, 128>}, {transform_indices = @transform_1, window_bounds = array<i64: 1024, 128>}, {transform_indices = @transform_2, window_bounds = array<i64: 2, 1024>}, {pipeline_mode = #tpu.pipeline_mode<synchronous>, transform_indices = @transform_3, window_bounds = array<i64: 128, 128>}, {pipeline_mode = #tpu.pipeline_mode<synchronous>, transform_indices = @transform_4, window_bounds = array<i64: 1, 128>}, {transform_indices = @transform_5, window_bounds = array<i64: 1024, 128>}]} {
    %get3A = arith.constant 0 : index
    %get3A_0 = arith.constant 0 : index
    %get3A_1 = arith.constant 0 : index
    %get3A_2 = vector.load %arg1[%get3A, %get3A_0, %get3A_1] : memref<2x1024x128xf32, #tpu.memory_space<vmem>>, vector<1x1024x128xf32>
    %get3A_3 = vector.shape_cast %get3A_2 : vector<1x1024x128xf32> to vector<1024x128xf32>
    %get3A_4 = arith.constant 1 : index
    %get3A_5 = arith.constant 0 : index
    %get3A_6 = arith.constant 0 : index
    %get3A_7 = vector.load %arg1[%get3A_4, %get3A_5, %get3A_6] : memref<2x1024x128xf32, #tpu.memory_space<vmem>>, vector<1x1024x128xf32>
    %get3A_8 = vector.shape_cast %get3A_7 : vector<1x1024x128xf32> to vector<1024x128xf32>
    %add3A = arith.addf %get3A_3, %get3A_8 : vector<1024x128xf32>
    %get3A_9 = arith.constant 0 : index
    %get3A_10 = arith.constant 0 : index
    %get3A_11 = vector.load %arg2[%get3A_9, %get3A_10] : memref<1024x128xf32, #tpu.memory_space<vmem>>, vector<1024x128xf32>
    %sub3A = arith.subf %add3A, %get3A_11 : vector<1024x128xf32>
    %get3A_12 = arith.constant 0 : index
    %get3A_13 = arith.constant 0 : index
    %get3A_14 = vector.load %arg3[%get3A_12, %get3A_13] : memref<2x1024xf32, #tpu.memory_space<vmem>>, vector<1x1024xf32>
    %get3A_15 = vector.shape_cast %get3A_14 : vector<1x1024xf32> to vector<1024xf32>
    %add3A_16 = arith.constant 1.000000e+00 : f32
    %add3A_17 = vector.broadcast %add3A_16 : f32 to vector<1024xf32>
    %add3A_18 = arith.addf %add3A_17, %get3A_15 : vector<1024xf32>
    %get3A_19 = arith.constant 1 : index
    %get3A_20 = arith.constant 0 : index
    %get3A_21 = vector.load %arg3[%get3A_19, %get3A_20] : memref<2x1024xf32, #tpu.memory_space<vmem>>, vector<1x1024xf32>
    %get3A_22 = vector.shape_cast %get3A_21 : vector<1x1024xf32> to vector<1024xf32>
    %add3A_23 = arith.addf %add3A_18, %get3A_22 : vector<1024xf32>
    %broadcast_in_dim3A = vector.shape_cast %add3A_23 : vector<1024xf32> to vector<1024x1xf32>
    %get3A_24 = arith.constant 0 : index
    %get3A_25 = arith.constant 0 : index
    %get3A_26 = vector.load %arg4[%get3A_24, %get3A_25] : memref<128x128xf32, #tpu.memory_space<vmem>>, vector<128x128xf32>
    %mul3A = arith.constant 5.000000e-01 : f32
    %mul3A_27 = vector.broadcast %mul3A : f32 to vector<128x128xf32>
    %mul3A_28 = arith.mulf %get3A_26, %mul3A_27 : vector<128x128xf32>
    %dot_general3A = arith.constant dense<0.000000e+00> : vector<1024x128xf32>
    %dot_general3A_29 = tpu.matmul %sub3A, %mul3A_28, %dot_general3A {dimension_numbers = #tpu.dot_dimension_numbers<[1], [1], [0], [0], [0, 0, 1, 0], [], []>, transpose_lhs_hint = false} : vector<1024x128xf32>, vector<128x128xf32>, vector<1024x128xf32> -> vector<1024x128xf32>
    %get3A_30 = arith.constant 0 : index
    %get3A_31 = arith.constant 0 : index
    %get3A_32 = vector.load %arg5[%get3A_30, %get3A_31] : memref<1x128xf32, #tpu.memory_space<vmem>>, vector<1x128xf32>
    %mul3A_33 = arith.constant 5.000000e-01 : f32
    %mul3A_34 = vector.broadcast %mul3A_33 : f32 to vector<1x128xf32>
    %mul3A_35 = arith.mulf %get3A_32, %mul3A_34 : vector<1x128xf32>
    %mul3A_36 = vector.broadcast %broadcast_in_dim3A : vector<1024x1xf32> to vector<1024x128xf32>
    %mul3A_37 = vector.broadcast %mul3A_35 : vector<1x128xf32> to vector<1024x128xf32>
    %mul3A_38 = arith.mulf %mul3A_36, %mul3A_37 : vector<1024x128xf32>
    %add3A_39 = arith.addf %dot_general3A_29, %mul3A_38 : vector<1024x128xf32>
    %max3A = arith.constant 0.000000e+00 : f32
    %max3A_40 = vector.broadcast %max3A : f32 to vector<1024x128xf32>
    %max3A_41 = arith.maximumf %add3A_39, %max3A_40 : vector<1024x128xf32>
    %swap3A = arith.constant 0 : index
    %swap3A_42 = arith.constant 0 : index
    %swap3A_43 = vector.load %arg6[%swap3A, %swap3A_42] : memref<1024x128xf32, #tpu.memory_space<vmem>>, vector<1024x128xf32>
    tpu.vector_store %arg6[%swap3A, %swap3A_42], %max3A_41 {strides = array<i32>} : memref<1024x128xf32, #tpu.memory_space<vmem>>, vector<1024x128xf32>,
    return
  }
  func.func @transform_0(%arg0: i32) -> (i32, i32, i32) {
    %c0_i32 = arith.constant 0 : i32
    %c0_i32_0 = arith.constant 0 : i32
    %c0_i32_1 = arith.constant 0 : i32
    return %c0_i32, %arg0, %c0_i32_0 : i32, i32, i32
  }
  func.func @transform_1(%arg0: i32) -> (i32, i32) {
    %c0_i32 = arith.constant 0 : i32
    %c0_i32_0 = arith.constant 0 : i32
    return %arg0, %c0_i32 : i32, i32
  }
  func.func @transform_2(%arg0: i32) -> (i32, i32) {
    %c0_i32 = arith.constant 0 : i32
    %c0_i32_0 = arith.constant 0 : i32
    return %c0_i32, %arg0 : i32, i32
  }
  func.func @transform_3(%arg0: i32) -> (i32, i32) {
    %c0_i32 = arith.constant 0 : i32
    %c0_i32_0 = arith.constant 0 : i32
    %c0_i32_1 = arith.constant 0 : i32
    return %c0_i32, %c0_i32_0 : i32, i32
  }
  func.func @transform_4(%arg0: i32) -> (i32, i32) {
    %c0_i32 = arith.constant 0 : i32
    %c0_i32_0 = arith.constant 0 : i32
    %c0_i32_1 = arith.constant 0 : i32
    return %c0_i32, %c0_i32_0 : i32, i32
  }
  func.func @transform_5(%arg0: i32) -> (i32, i32) {
    %c0_i32 = arith.constant 0 : i32
    %c0_i32_0 = arith.constant 0 : i32
    return %arg0, %c0_i32 : i32, i32
  }
}

</mosaic_0001>

<sc_bundles>
// kernel: kernel.6.cloned.1.call-start
scs
__scs_entry_jumppad:
0x0: {  	(pc) =	sbr.rel $0x88, $3  }
0x1: {  	(tag) =	ssettag $0x0;
	lr =	simm.s32 $0x1  }
0x2: {  	[smem:$0x3F9B] =	sst lr;
	_ =	strace $0xD0000000  }
0x3: {  	_ = 	snop  }
0x4: {  	_ = 	snop  }
0x5: {  	_ = 	snop  }
0x6: {  	_ = 	snop  }
0x7: {  	_ = 	snop  }
__scs_overlays_trampoline_lowered:
0x8: {  	[smem:$0x3FAA] =	sst s0  }
0x9: {  	[smem:$0x3FAB] =	sst s1  }
0xa: {  	[smem:$0x3FAC] =	sst s2  }
0xb: {  	[smem:$0x3FAD] =	sst s3  }
0xc: {  	[smem:$0x3FAE] =	sst s4  }
0xd: {  	[smem:$0x3FAF] =	sst s5  }
0xe: {  	[smem:$0x3FB0] =	sst s6  }
0xf: {  	[smem:$0x3FB1] =	sst s7  }
0x10: {  	[smem:$0x3FB2] =	sst s8  }
0x11: {  	[smem:$0x3FB3] =	sst s9;
	s0 =	simm.s32 @!p0 $0x0  }
0x12: {  	s1 =	sld [smem:$0x3F99];
	s0 =	simm.s32 @p0 $0x1  }
0x13: {  	[smem:$0x3FB4] =	sst s0;
	s0 =	simm.s32 @!p1 $0x0  }
0x14: {  	s2 =	sld [smem:$0x3F98];
	s0 =	simm.s32 @p1 $0x1  }
0x15: {  	[smem:$0x3FB5] =	sst s0;
	s0 =	simm.s32 @!p2 $0x0  }
0x16: {  	s3 =	sld [smem:$0x3FDB];
	s0 =	simm.s32 @p2 $0x1  }
0x17: {  	s4 =	simm.s32 $0x1BF5;
	[smem:$0x3FB7] =	sst s0  }
0x18: {  	s0 =	sld [smem:$0x3F9A];
	_ =	swait.ge [sflag:s4], $0x0  }
0x19: {  	s7 =	sld [smem:$0x3F9B]  }
0x1a: {  	s8 =	sadd.s32 $0xFFFFE003, lr  }
0x1b: {  	s9 =	sadd.s32 $0xFFFFFEF7, lr;
	s5 =	simm.s32 $0xFFFFFFFF;
	p2 =	slt.u32 s8, $0xFFFFF086  }
0x1c: {  	p1 =	slt.u32 s9, $0xF7A;
	s5 =	simm.s32 @!p2 $0x0  }
0x1d: {  	s5 =	simm.s32 @p1 $0x1;
	p0 =	seq.s32 s7, s2  }
0x1e: {  	s7 =	smul.u32 @!p0 $0xF7A, s2;
	p2 =	seq.s32 @!p0 s5, $0x0  }
0x1f: {  	s9 =	smul.u32 $0xF7A, s1;
	s8 =	simm.s32 @!p0 $0x1BF5;
	p2 =	por !p2, p0  }
0x20: {  	[sflag:s8] =	ssyncset.s32 @!p0 $0xFFFFF086;
	s6 =	sadd.s32 @!p0 s3, s7;
	s7 =	simm.s32 @!p0 $0x108  }
0x21: {  	s3 =	sadd.s32 s3, s9;
	s6 =	sadd.s32 @!p0 $0x88, s6;
	s7 =	simm.s32 @p2 $0x1082  }
0x22: {  	[simem:s7], [sflag:s8] =	dma.local @!p0 [hbm:s6], $0xF7A  }
0x23: {  	s9 =	sor.u32 $0xD0000000, s2;
	s6 =	simm.s32 $0x108;
	_ =	swait.ge @!p0 [sflag:s8], $0x0  }
0x24: {  	s3 =	sadd.s32 $0x88, s3;
	s6 =	simm.s32 @!p1 $0x1082;
	[sflag:s4] =	ssyncset.s32 $0xFFFFF086  }
0x25: {  	[simem:s6], [sflag:s4] =	dma.local [hbm:s3], $0xF7A  }
0x26: {  	[smem:$0x3F9B] =	sst s1;
	(tag) =	ssettag s2;
	_ =	strace s9  }
0x27: {  	s1 =	sld [smem:$0x3FAB]  }
0x28: {  	s2 =	sld [smem:$0x3FAC]  }
0x29: {  	s4 =	sld [smem:$0x3FAE]  }
0x2a: {  	p0 =	seq.s32 s5, $0x0;
	s5 =	sld [smem:$0x3FAF]  }
0x2b: {  	s6 =	sld [smem:$0x3FB0]  }
0x2c: {  	s7 =	sld [smem:$0x3FB1]  }
0x2d: {  	s3 =	simm.s32 $0x108;
	s8 =	sld [smem:$0x3FB2]  }
0x2e: {  	s3 =	simm.s32 @!p0 $0x1082;
	s9 =	sld [smem:$0x3FB3]  }
0x2f: {  	lr =	sadd.s32 s0, s3;
	s0 =	sld [smem:$0x3FAA]  }
0x30: {  	s3 =	sld [smem:$0x3FAD]  }
0x31: {  	[smem:$0x3FB6] =	sst s10  }
0x32: {  	s10 =	sld [smem:$0x3FB4];
	_ =	sdelay $0x3  }
0x33: {  	p0 =	seq.s32 s10, $0x1;
	s10 =	sld [smem:$0x3FB6];
	_ =	sdelay $0x3  }
0x34: {  	[smem:$0x3FB6] =	sst s10  }
0x35: {  	s10 =	sld [smem:$0x3FB5];
	_ =	sdelay $0x3  }
0x36: {  	p1 =	seq.s32 s10, $0x1;
	s10 =	sld [smem:$0x3FB6];
	_ =	sdelay $0x3  }
0x37: {  	[smem:$0x3FB6] =	sst s10  }
0x38: {  	s10 =	sld [smem:$0x3FB7]  }
0x39: {  	_ = 	snop;
	(pc) =	sbr.ind lr, $3  }
0x3a: {  	_ = 	snop  }
0x3b: {  	_ = 	snop  }
0x3c: {  	p2 =	seq.s32 s10, $0x1;
	s10 =	sld [smem:$0x3FB6]  }
0x3d: {  	_ =	shalt  }
0x3e: {  	_ =	shalt  }
0x3f: {  	_ =	shalt  }
0x40: {  	_ =	shalt  }
0x41: {  	_ =	shalt  }
0x42: {  	_ =	shalt  }
0x43: {  	_ =	shalt  }
0x44: {  	_ =	shalt  }
0x45: {  	_ =	shalt  }
0x46: {  	_ =	shalt  }
0x47: {  	_ =	shalt  }
0x48: {  	_ =	shalt  }
0x49: {  	_ =	shalt  }
0x4a: {  	_ =	shalt  }
0x4b: {  	_ =	shalt  }
0x4c: {  	_ =	shalt  }
0x4d: {  	_ =	shalt  }
0x4e: {  	_ =	shalt  }
0x4f: {  	_ =	shalt  }
0x50: {  	_ =	shalt  }
0x51: {  	_ =	shalt  }
0x52: {  	_ =	shalt  }
0x53: {  	_ =	shalt  }
0x54: {  	_ =	shalt  }
0x55: {  	_ =	shalt  }
0x56: {  	_ =	shalt  }
0x57: {  	_ =	shalt  }
0x58: {  	_ =	shalt  }
0x59: {  	_ =	shalt  }
0x5a: {  	_ =	shalt  }
0x5b: {  	_ =	shalt  }
0x5c: {  	_ =	shalt  }
0x5d: {  	_ =	shalt  }
0x5e: {  	_ =	shalt  }
0x5f: {  	_ =	shalt  }
0x60: {  	_ =	shalt  }
0x61: {  	_ =	shalt  }
0x62: {  	_ =	shalt  }
0x63: {  	_ =	shalt  }
0x64: {  	_ =	shalt  }
0x65: {  	_ =	shalt  }
0x66: {  	_ =	shalt  }
0x67: {  	_ =	shalt  }
0x68: {  	_ =	shalt  }
0x69: {  	_ =	shalt  }
0x6a: {  	_ =	shalt  }
0x6b: {  	_ =	shalt  }
0x6c: {  	_ =	shalt  }
0x6d: {  	_ =	shalt  }
0x6e: {  	_ =	shalt  }
0x6f: {  	_ =	shalt  }
0x70: {  	_ =	shalt  }
0x71: {  	_ =	shalt  }
0x72: {  	_ =	shalt  }
0x73: {  	_ =	shalt  }
0x74: {  	_ =	shalt  }
0x75: {  	_ =	shalt  }
0x76: {  	_ =	shalt  }
0x77: {  	_ =	shalt  }
0x78: {  	_ =	shalt  }
0x79: {  	_ =	shalt  }
0x7a: {  	_ =	shalt  }
0x7b: {  	_ =	shalt  }
0x7c: {  	_ =	shalt  }
0x7d: {  	_ =	shalt  }
0x7e: {  	_ =	shalt  }
0x7f: {  	_ =	shalt  }
0x80: {  	_ =	shalt  }
0x81: {  	_ =	shalt  }
0x82: {  	_ =	shalt  }
0x83: {  	_ =	shalt  }
0x84: {  	_ =	shalt  }
0x85: {  	_ =	shalt  }
0x86: {  	_ =	shalt  }
0x87: {  	_ =	shalt  }
.Lfunc_end0:
.L_simem_size_0:
called_computation_lowered:
.L_overlay_start_0:
0x88: {  	s2 =	sld [smem:$0x3FD9]  }
0x89: {  	s3 =	sld [smem:$0x3FFE];
	_ =	sdelay $0x1  }
0x8a: {  	s1 =	srdreg.scid  }
0x8b: {  	s0 =	sand.u32 $0x1, s1  }
0x8c: {  	s17 =	sshll.u32 s0, $0xA;
	s2 =	sadd.s32 s3, s2  }
0x8d: {  	s2 =	sadd.s32 s2, s17  }
0x8e: {  	[smem:$0x3FC2] =	sst s2  }
0x8f: {  	_ = 	snop  }
0x90: {  	s2 =	sld [smem:$0x3FC9];
	(tm) =	ssettm $0x1  }
0x91: {  	s18 =	sld [smem:$0x3FFB];
	_ =	sdelay $0x3  }
0x92: {  	_ =	strace s18  }
0x93: {  	s3 =	sld [smem:$0x3FFC];
	_ =	sdelay $0x3  }
0x94: {  	_ =	strace s3  }
0x95: {  	s3 =	sld [smem:$0x3FFD];
	_ =	sdelay $0x3  }
0x96: {  	_ =	strace s3  }
0x97: {  	_ =	strace $0x8FFFFFFF  }
0x98: {  	s19 =	sld [smem:$0x3FDB];
	_ =	sdelay $0x1  }
0x99: {  	s4 =	simm.s32 $_scs_section_size  }
0x9a: {  	s5 =	simm.s32 $_size__tile_overlayer_lowered;
	s6 =	simm.s32 $_tile_overlayer_lowered  }
0x9b: {  	s22 =	simm.s32 $0x1BFF;
	s21 =	sshll.u32 s6, $0x1;
	s3 =	sadd.s32 s4, s19  }
0x9c: {  	s7 =	simm.s32 $0x0;
	s20 =	sshll.u32 s5, $0x1;
	s5 =	sadd.s32 s21, s3  }
0x9d: {  	[timem:s7], [sflag:s22] =	dma.local [hbm:s5], s20  }
0x9e: {  	_ =	swait.ge [sflag:s22], s20  }
0x9f: {  	s4 =	ssub.s32 $0x0, s20;
	[sflag:s22] =	ssyncset.done $0x0  }
0xa0: {  	[sflag:s22] =	ssyncadd.s32 s4;
	_ =	sdelay $0x1  }
0xa1: {  	s23 =	simm.s32 $0x1B8B  }
0xa2: {  	_ =	swait.ge [sflag:s23], $0x1  }
0xa3: {  	[sflag:s23] =	ssyncset.done $0x0  }
0xa4: {  	s25 =	simm.s32 $0x1B8E;
	s24 =	sld [smem:$0x3FFE];
	[sflag:s23] =	ssyncadd.s32 $0xFFFFFFFF  }
0xa5: {  	s26 =	simm.s32 $execute0_lowered;
	[smem:$0x3FD2] =	sst s25  }
0xa6: {  	s5 =	sshll.u32 s26, $0x1;
	_ =	strace $0x80000046;
	[dreg:$0x1] =	wrdreg $0xFFFFFFFF  }
0xa7: {  	s28 =	simm.s32 $_size_execute0_lowered;
	s3 =	sadd.s32 s3, s5;
	[dreg:$0x0] =	wrdreg $0x0  }
0xa8: {  	s5 =	sshll.u32 s28, $0x1;
	[dreg:$0x2] =	wrdreg s3  }
0xa9: {  	[dreg:$0x3] =	wrdreg s5  }
0xaa: {  	[dreg:$0x4] =	wrdreg $0xC0  }
0xab: {  	_ =	task [dreg:s7], $0x5FFFF  }
0xac: {  	[dreg:$0x1] =	wrdreg $0xFFFFFFFF  }
0xad: {  	[dreg:$0x0] =	wrdreg $0x60  }
0xae: {  	[dreg:$0x2] =	wrdreg s2  }
0xaf: {  	[dreg:$0x3] =	wrdreg s24  }
0xb0: {  	[dreg:$0x4] =	wrdreg $0xA8000  }
0xb1: {  	[dreg:$0x5] =	wrdreg $0x1E1800  }
0xb2: {  	[dreg:$0x6] =	wrdreg $0x9  }
0xb3: {  	_ =	task.clear_ibuf [dreg:s7], $0x7FFFF;
	_ =	strace $0x90000046  }
0xb4: {  	s29 =	simm.s32 $0x9;
	_ =	strace $0x80000048  }
0xb5: {  	_ =	swait.ge [sflag:s29], $0x1  }
0xb6: {  	[sflag:s29] =	ssyncadd.s32 $0xFFFFFFFF  }
0xb7: {  	_ =	strace $0x90000048  }
0xb8: {  	_ =	sfence  }
0xb9: {  	s30 =	sld [smem:$0x0];
	_ =	sdelay $0x2  }
0xba: {  	s31 =	sshll.u32 s1, $0xD;
	s1 =	sshrl.u32 s1, $0x2  }
0xbb: {  	s3 =	sand.u32 $0x4000, s31;
	s1 =	sadd.s32 s1, s30  }
0xbc: {  	s0 =	sor.u32 s3, s0;
	s1 =	sshll.u32 s1, $0x11  }
0xbd: {  	s0 =	sor.u32 s1, s0  }
0xbe: {  	s0 =	sadd.s32 $0x8F2B, s0  }
0xbf: {  	[sflag:s0] =	ssyncadd.remote.s32 $0x1  }
0xc0: {  	_ =	sfence.sel $0xFFFF  }
0xc1: {  	[dreg:$0x0] =	wrdreg $0xFFFFFFFF;
	(pc) =	sbr.abs _section_cstart, $3  }
0xc2: {  	[dreg:$0x1] =	wrdreg $0xFFFFFFFF  }
0xc3: {  	_ =	task.clear_ibuf [dreg:s7], $0x2FFFF;
	_ =	strace $0x9FFFFFFF  }
0xc4: {  	(tm) =	ssettm $0x7FFFFFFF  }
0xc5: {  	_ =	shalt  }
tec
execute0_lowered:
.L_overlay_start_1:
0x0: {  	(tag) =	ssettag $0x1  }
0x1: {  	s1 =	rddreg [dreg:$0x0]  }
0x2: {  	s0 =	rddreg [dreg:$0x1]  }
0x3: {  	s2 =	rddreg [dreg:$0x2];
	s13 =	stileid.u32  }
0x4: {  	s3 =	rddreg [dreg:$0x3];
	s4 =	simm.s32 $0x0;
	s6 =	smul.u32 $0x500, s13  }
0x5: {  	s5 =	srdreg.scid;
	s30 =	simm.s32 $0x11;
	s9 =	smul.u32 $0x4E000, s13  }
0x6: {  	s29 =	simm.s32 $0x4;
	[smem:$0x7FF] =	sst s4;
	s11 =	smul.u32 $0x13800, s13  }
0x7: {  	s5 =	sand.u32 $0x1, s5;
	s14 =	sadd.s32 $0x2800, s0;
	s26 =	smul.u32 $0xA00, s13  }
0x8: {  	s24 =	sadd.s32 $0x16200, s0;
	s18 =	smul.u32 $0x2710, s13;
	p0 =	sne.s32 s13, $0x0  }
0x9: {  	_ =	strace $0x80000047;
	s7 =	sshll.u32 s5, $0x7;
	s12 =	smul.u32 $0x138800, s5  }
0xa: {  	s8 =	sshll.u32 s5, $0x4;
	s25 =	ssub.s32 $0x2, s5;
	s5 =	smul.u32 $0x27100, s5  }
0xb: {  	[dreg:$0x5] =	wrdreg s14;
	s6 =	sor.u32 s7, s6;
	s23 =	sor.u32 s13, s8  }
0xc: {  	s10 =	sshrl.u32 s25, $0x1;
	s9 =	sshrl.u32 s9, $0x2;
	s31 =	sshrl.u32 s11, $0x3  }
0xd: {  	s6 =	sshrl.u32 s6, $0x3;
	s7 =	smul.u32 $0x2710, s23;
	s9 =	sadd.s32 s9, s2  }
0xe: {  	s16 =	sadd.s32 s1, s31;
	s17 =	sadd.s32 s11, s12;
	s20 =	sshrl.u32 s12, $0x3  }
0xf: {  	s5 =	sadd.s32 s18, s5;
	s0 =	sadd.s32 s6, s0;
	[dreg:$0x7] =	wrdreg s9  }
0x10: {  	s6 =	ssub.s32 s25, s10;
	[dreg:$0x8] =	wrdreg s16;
	s19 =	sshrl.u32 s17, $0x3  }
0x11: {  	s21 =	sadd.s32 s24, s20;
	s22 =	sadd.s32 $0x2D0, s5;
	s23 =	sadd.s32 $0x4E4D0, s5  }
0x12: {  	s25 =	sadd.s32 $0x4E480, s5;
	s31 =	sadd.s32 $0x4E390, s5;
	s9 =	sadd.s32 $0x4E3E0, s5  }
0x13: {  	s11 =	sadd.s32 $0x1E0, s5;
	s16 =	sadd.s32 $0x3C0, s5;
	s18 =	sadd.s32 $0x4E5C0, s5  }
0x14: {  	s20 =	sadd.s32 $0x370, s5;
	s7 =	sshrl.u32 s7, $0x3;
	s0 =	sadd.s32 $0x64400, s0  }
0x15: {  	s6 =	smax.u32 s6, $0x1;
	s10 =	sshrl.u32 s9, $0x3;
	s12 =	sshrl.u32 s11, $0x3  }
0x16: {  	s17 =	sshrl.u32 s16, $0x3;
	s9 =	sadd.s32 $0x280, s5;
	[dreg:$0xc] =	wrdreg s0  }
0x17: {  	s15 =	sadd.s32 s14, s7;
	s7 =	sshrl.u32 s26, $0x2;
	[dreg:$0xd] =	wrdreg s6  }
0x18: {  	s0 =	sshrl.u32 s22, $0x3;
	s26 =	sshrl.u32 s25, $0x3;
	s6 =	sshrl.u32 s31, $0x3  }
0x19: {  	s22 =	sadd.s32 $0x4E570, s5;
	[dreg:$0x1a] =	wrdreg s9;
	s28 =	sadd.s32 s7, s3  }
0x1a: {  	s7 =	sadd.s32 s24, s19;
	s0 =	sadd.s32 s0, s14;
	[dreg:$0x6] =	wrdreg s15  }
0x1b: {  	s24 =	sshrl.u32 s23, $0x3;
	s19 =	sshrl.u32 s18, $0x3;
	[dreg:$0xa] =	wrdreg s7  }
0x1c: {  	s23 =	sshrl.u32 s22, $0x3;
	s13 =	sadd.s32 $0xA, s15;
	[dreg:$0xe] =	wrdreg s0  }
0x1d: {  	s16 =	sadd.s32 $0x14, s15;
	s18 =	sadd.s32 $0x1E, s15;
	[dreg:$0x1f] =	wrdreg s13  }
0x1e: {  	s22 =	sadd.s32 $0x138000, s2;
	s7 =	sadd.s32 $0x27000, s21;
	[smem:$0x7F2] =	sst s16  }
0x1f: {  	s0 =	sadd.s32 s24, s14;
	s21 =	sshrl.u32 s20, $0x3;
	[smem:$0x7F4] =	sst s18  }
0x20: {  	s24 =	sadd.s32 $0x320, s5;
	s20 =	sadd.s32 $0x28, s15;
	[smem:$0x7F8] =	sst s22  }
0x21: {  	s13 =	simm.s32 $0x580;
	s22 =	simm.s32 $0x3000;
	[dreg:$0x9] =	wrdreg s28  }
0x22: {  	s16 =	simm.s32 $0xE;
	s18 =	simm.s32 $0xC;
	[dreg:$0xb] =	wrdreg s7  }
0x23: {  	[dreg:$0xf] =	wrdreg s0;
	s0 =	sadd.s32 s26, s14;
	s7 =	sadd.s32 $0x190, s5  }
0x24: {  	s25 =	sshrl.u32 s24, $0x3;
	s26 =	sadd.s32 $0x4E520, s5;
	[smem:$0x7F6] =	sst s20  }
0x25: {  	s24 =	sadd.s32 $0x80, s28;
	s20 =	simm.s32 $0x400;
	[dreg:$0x10] =	wrdreg s0  }
0x26: {  	s0 =	sadd.s32 s6, s14;
	s8 =	sshrl.u32 s7, $0x3;
	[smem:$0x7FA] =	sst s24  }
0x27: {  	s31 =	sshrl.u32 s26, $0x3;
	s26 =	sadd.s32 $0x180, s28;
	[dreg:$0x11] =	wrdreg s0  }
0x28: {  	s24 =	simm.s32 $0x3;
	s0 =	sadd.s32 s8, s14;
	[smem:$0x7FC] =	sst s26  }
0x29: {  	s8 =	sadd.s32 $0x230, s5;
	[dreg:$0x12] =	wrdreg s0;
	s0 =	sadd.s32 s10, s14  }
0x2a: {  	s6 =	sshrl.u32 s8, $0x3;
	[dreg:$0x13] =	wrdreg s0;
	s0 =	sadd.s32 s12, s14  }
0x2b: {  	s7 =	simm.s32 $0x5800;
	s10 =	sadd.s32 s6, s14;
	[dreg:$0x14] =	wrdreg s0  }
0x2c: {  	s5 =	sadd.s32 $0x4E430, s5;
	s12 =	sadd.s32 $0x9C40, s15;
	[dreg:$0x1c] =	wrdreg s10  }
0x2d: {  	s26 =	simm.s32 $0x9;
	s0 =	sadd.s32 s17, s14;
	[dreg:$0x1e] =	wrdreg s12  }
0x2e: {  	s11 =	sshrl.u32 s5, $0x3;
	s17 =	sadd.s32 $0x9C54, s15;
	[dreg:$0x15] =	wrdreg s0  }
0x2f: {  	s8 =	simm.s32 $0xD;
	s0 =	sadd.s32 s19, s14;
	[smem:$0x7F3] =	sst s17  }
0x30: {  	s5 =	simm.s32 $0x0;
	s19 =	sadd.s32 $0x9C5E, s15;
	[dreg:$0x16] =	wrdreg s0  }
0x31: {  	s6 =	simm.s32 $0x1E080;
	s0 =	sadd.s32 s21, s14;
	[smem:$0x7F5] =	sst s19  }
0x32: {  	s12 =	simm.s32 $0x500;
	s21 =	sadd.s32 $0x9C68, s15;
	[dreg:$0x17] =	wrdreg s0  }
0x33: {  	s10 =	simm.s32 $0x50;
	s0 =	sadd.s32 s23, s14;
	[smem:$0x7F7] =	sst s21  }
0x34: {  	s17 =	simm.s32 $0xA;
	s23 =	sadd.s32 $0x27000, s1;
	[dreg:$0x18] =	wrdreg s0  }
0x35: {  	s19 =	simm.s32 $0xF;
	s0 =	sadd.s32 s25, s14;
	[smem:$0x7F9] =	sst s23  }
0x36: {  	s21 =	simm.s32 $0x10;
	s25 =	sadd.s32 $0x100, s28;
	[dreg:$0x19] =	wrdreg s0  }
.Ltmp0:
0x37: {  	s0 =	sadd.s32 s31, s14;
	[smem:$0x7FB] =	sst s25;
	(pc) =	sbr.rel .LBB2_1-.Ltmp0, $4  }
0x38: {  	s23 =	simm.s32 $0x1;
	s31 =	sadd.s32 $0x200, s28;
	[dreg:$0x1b] =	wrdreg s0  }
0x39: {  	s25 =	simm.s32 $0x600;
	s0 =	sadd.s32 s11, s14;
	[smem:$0x7FD] =	sst s31  }
0x3a: {  	s14 =	sadd.s32 $0x9C4A, s15;
	s11 =	simm.s32 $0x5;
	[dreg:$0x1d] =	wrdreg s0  }
0x3b: {  	v0 =	vimm.f32 $1.000000000e+00;
	v1 =	vimm.f32 $0.0e+00;
	s15 =	simm.s32 $0xB;
	[smem:$0x7F1] =	sst s14;
	s14 =	simm.s32 $0x800  }
.LBB2_9:
0x3c: {  	_ =	swait.ge [sflag:s8], $0x2800  }
0x3d: {  	[sflag:s8] =	ssyncset.done $0x0  }
0x3e: {  	[sflag:s8] =	ssyncadd.s32 $0xFFFFD800  }
0x3f: {  	_ =	swait.ge [sflag:s8], $0x50  }
0x40: {  	[sflag:s8] =	ssyncset.done $0x0  }
0x41: {  	[sflag:s8] =	ssyncadd.s32 $0xFFFFFFB0  }
0x42: {  	[bflag:$0x0] =	sbarrier.arrive $0xFFFF  }
0x43: {  	s31 =	sld [smem:$0x7EF]  }
0x44: {  	s5 =	sld [smem:$0x7EE];
	_ =	sdelay $0x1  }
0x45: {  	s30 =	simm.s32 $0x11;
	s0 =	rddreg [dreg:$0xa]  }
0x46: {  	[hbm:s0], [sflag:s31] =	dma.local [spmem:s5], $0x2700  }
0x47: {  	_ =	swait.ge [sflag:s30], $0x2700  }
0x48: {  	s5 =	sld [smem:$0x7F0]  }
0x49: {  	[sflag:s30] =	ssyncset.done $0x0  }
0x4a: {  	s0 =	rddreg [dreg:$0xb];
	[sflag:s30] =	ssyncadd.s32 $0xFFFFD900  }
0x4b: {  	[hbm:s0], [sflag:s31] =	dma.local @!p0 [spmem:s5], $0x100  }
0x4c: {  	s0 =	simm.s32 @!p0 $0x11  }
0x4d: {  	s23 =	simm.s32 $0x1;
	_ =	swait.ge @!p0 [sflag:s0], $0x100  }
0x4e: {  	s9 =	simm.s32 $0x20;
	[sflag:s0] =	ssyncset.done @!p0 $0x0;
	s28 =	rddreg [dreg:$0x9]  }
0x4f: {  	s5 =	rddreg [dreg:$0xc];
	[sflag:s0] =	ssyncadd.s32 @!p0 $0xFFFFFF00;
	s0 =	sshrl.u32 s28, $0x3  }
0x50: {  	[hbm:s5@s9], [sflag:s31] =	dma.strided [spmem:s0@s21], $0x50, s23, $0x10   }
0x51: {  	_ =	swait.ge [sflag:s30], $0x50  }
0x52: {  	s9 =	sld [smem:$0x7ED];
	_ =	sdelay $0x2  }
0x53: {  	s31 =	rddreg [dreg:$0xd];
	s5 =	sadd.s32 $0x1, s9  }
0x54: {  	p1 =	sne.s32 s5, s31  }
.Ltmp1:
0x55: {  	_ = 	snop;
	(pc) =	sbr.rel @!p1 .LBB2_10-.Ltmp1, $3  }
0x56: {  	_ =	sdelay $0x1  }
0x57: {  	[sflag:s30] =	ssyncset.done $0x0  }
0x58: {  	[sflag:s30] =	ssyncadd.s32 $0xFFFFFFB0  }
.LBB2_1:
0x59: {  	[smem:$0x7ED] =	sst s5  }
0x5a: {  	s0 =	rddreg [dreg:$0x6]  }
0x5b: {  	s5 =	rddreg [dreg:$0x1e]  }
0x5c: {  	[tilespmem:s4], [sflag:$0x1] =	stream.linear.gather [hbm4b:s0+s4], $0x50, $0x38;
	[tilespmem:$0x1E400] =	vst v63  }
0x5d: {  	s9 =	rddreg [dreg:$0x1f]  }
0x5e: {  	[tilespmem:s20], [sflag:$0x1] =	stream.linear.gather [hbm4b:s5+s4], $0x50, $0x38;
	[tilespmem:$0x1E400] =	vst v63  }
0x5f: {  	s5 =	simm.s32 $0x80;
	s20 =	sld [smem:$0x7F1]  }
0x60: {  	[tilespmem:s5], [sflag:$0x2] =	stream.linear.gather [hbm4b:s9+s4], $0x50, $0x38;
	[tilespmem:$0x1E400] =	vst v63  }
0x61: {  	s9 =	simm.s32 $0x480  }
0x62: {  	[tilespmem:s9], [sflag:$0x2] =	stream.linear.gather [hbm4b:s20+s4], $0x50, $0x38;
	[tilespmem:$0x1E400] =	vst v63  }
0x63: {  	s20 =	sld [smem:$0x7F2];
	_ =	sdelay $0x1  }
0x64: {  	s9 =	simm.s32 $0x100  }
0x65: {  	[tilespmem:s9], [sflag:$0x3] =	stream.linear.gather [hbm4b:s20+s4], $0x50, $0x38;
	[tilespmem:$0x1E400] =	vst v63  }
0x66: {  	s20 =	sld [smem:$0x7F3];
	_ =	sdelay $0x2  }
0x67: {  	[tilespmem:s12], [sflag:$0x3] =	stream.linear.gather [hbm4b:s20+s4], $0x50, $0x38;
	[tilespmem:$0x1E400] =	vst v63  }
0x68: {  	s12 =	sld [smem:$0x7F4];
	_ =	sdelay $0x1  }
0x69: {  	s20 =	simm.s32 $0x180  }
0x6a: {  	[tilespmem:s20], [sflag:$0x4] =	stream.linear.gather [hbm4b:s12+s4], $0x50, $0x38;
	[tilespmem:$0x1E400] =	vst v63  }
0x6b: {  	s20 =	sld [smem:$0x7F5];
	_ =	sdelay $0x1  }
0x6c: {  	s12 =	sld [smem:$0x7F6]  }
0x6d: {  	[tilespmem:s13], [sflag:$0x4] =	stream.linear.gather [hbm4b:s20+s4], $0x50, $0x38;
	[tilespmem:$0x1E400] =	vst v63  }
0x6e: {  	s13 =	simm.s32 $0x200;
	s20 =	sld [smem:$0x7F7]  }
0x6f: {  	[tilespmem:s13], [sflag:$0x5] =	stream.linear.gather [hbm4b:s12+s4], $0x50, $0x38;
	[tilespmem:$0x1E400] =	vst v63  }
0x70: {  	_ = 	snop  }
0x71: {  	[tilespmem:s25], [sflag:$0x5] =	stream.linear.gather [hbm4b:s20+s4], $0x50, $0x38;
	[tilespmem:$0x1E400] =	vst v63  }
0x72: {  	_ =	swait.ge [sflag:s23], $0x50  }
0x73: {  	[sflag:s23] =	ssyncset.done $0x0  }
0x74: {  	[sflag:s23] =	ssyncadd.s32 $0xFFFFFFB0  }
0x75: {  	_ =	swait.ge [sflag:s23], $0x50  }
0x76: {  	[sflag:s23] =	ssyncset.done $0x0  }
0x77: {  	s12 =	simm.s32 $0x2;
	[sflag:s23] =	ssyncadd.s32 $0xFFFFFFB0  }
0x78: {  	[tilespmem:s14], [sflag:$0x9] =	stream.indirect.gather [hbm4b:s1+s10], $0x80, s4, s10, $0xb8;
	[tilespmem:$0x1E400] =	vst v63  }
0x79: {  	_ =	swait.ge [sflag:s12], $0x50  }
0x7a: {  	[sflag:s12] =	ssyncset.done $0x0  }
0x7b: {  	[sflag:s12] =	ssyncadd.s32 $0xFFFFFFB0  }
0x7c: {  	_ =	swait.ge [sflag:s12], $0x50  }
0x7d: {  	[sflag:s12] =	ssyncset.done $0x0  }
0x7e: {  	[sflag:s12] =	ssyncadd.s32 $0xFFFFFFB0  }
0x7f: {  	[tilespmem:s22], [sflag:$0xA] =	stream.indirect.gather [hbm4b:s1+s10], $0x80, s5, s10, $0xb8;
	[tilespmem:$0x1E400] =	vst v63  }
0x80: {  	_ =	swait.ge [sflag:s24], $0x50  }
0x81: {  	[sflag:s24] =	ssyncset.done $0x0  }
0x82: {  	[sflag:s24] =	ssyncadd.s32 $0xFFFFFFB0  }
0x83: {  	_ =	swait.ge [sflag:s24], $0x50  }
0x84: {  	[sflag:s24] =	ssyncset.done $0x0  }
0x85: {  	s13 =	stileid.u32;
	s25 =	rddreg [dreg:$0x7];
	[sflag:s24] =	ssyncadd.s32 $0xFFFFFFB0  }
0x86: {  	[tilespmem:s7], [sflag:$0xB] =	stream.indirect.gather [hbm4b:s1+s10], $0x80, s9, s10, $0xb8;
	[tilespmem:$0x1E400] =	vst v63  }
0x87: {  	s20 =	sshll.u32 s13, $0x6;
	s0 =	sshrl.u32 s25, $0x3;
	s9 =	rddreg [dreg:$0x8]  }
0x88: {  	s5 =	sor.u32 $0x1C11, s20;
	[smem:$0x7EE] =	sst s0  }
0x89: {  	[spmem:s0], [sflag:s5] =	dma.local [hbm:s9], $0x2700  }
0x8a: {  	_ =	swait.ge [sflag:s30], $0x2700  }
0x8b: {  	s0 =	sld [smem:$0x7F8];
	_ =	sdelay $0x2  }
0x8c: {  	s7 =	sshrl.u32 @!p0 s0, $0x3;
	s0 =	sld [smem:$0x7F9]  }
0x8d: {  	[sflag:s30] =	ssyncset.done $0x0;
	[smem:$0x7EF] =	sst s5  }
0x8e: {  	s23 =	simm.s32 @!p0 $0x11;
	[sflag:s30] =	ssyncadd.s32 $0xFFFFD900;
	[smem:$0x7F0] =	sst s7  }
0x8f: {  	[spmem:s7], [sflag:s5] =	dma.local @!p0 [hbm:s0], $0x100  }
0x90: {  	_ =	swait.ge @!p0 [sflag:s23], $0x100  }
0x91: {  	[sflag:s23] =	ssyncset.done @!p0 $0x0  }
0x92: {  	[sflag:s23] =	ssyncadd.s32 @!p0 $0xFFFFFF00  }
0x93: {  	[tilespmem:$0x1E080] =	vst v0  }
0x94: {  	[tilespmem:$0x1E090] =	vst v0  }
0x95: {  	[tilespmem:$0x1E0A0] =	vst v0  }
0x96: {  	[tilespmem:$0x1E0B0] =	vst v0  }
0x97: {  	[tilespmem:$0x1E0C0] =	vst v0  }
0x98: {  	[tilespmem:$0x1E100] =	vst v1  }
0x99: {  	[tilespmem:$0x1E110] =	vst v1  }
0x9a: {  	[tilespmem:$0x1E120] =	vst v1  }
0x9b: {  	[tilespmem:$0x1E130] =	vst v1  }
0x9c: {  	[tilespmem:$0x1E140] =	vst v1  }
0x9d: {  	[tilespmem:$0x1E150] =	vst v1  }
0x9e: {  	[tilespmem:$0x1E160] =	vst v1  }
0x9f: {  	s12 =	simm.s32 $0x1E100;
	[tilespmem:$0x1E170] =	vst v1  }
0xa0: {  	[spmem:s28] =	stream.linear.scatter [tilespmem:s12], [sflag:$0x11], $0x80, $0x38;
	[tilespmem:$0x1E400] =	vst v63  }
0xa1: {  	_ =	swait.ge [sflag:s30], $0x80  }
0xa2: {  	s13 =	sld [smem:$0x7FA]  }
0xa3: {  	[sflag:s30] =	ssyncset.done $0x0  }
0xa4: {  	[sflag:s30] =	ssyncadd.s32 $0xFFFFFF80  }
0xa5: {  	[spmem:s13] =	stream.linear.scatter [tilespmem:s12], [sflag:$0x11], $0x80, $0x38;
	[tilespmem:$0x1E400] =	vst v63  }
0xa6: {  	_ =	swait.ge [sflag:s30], $0x80  }
0xa7: {  	s20 =	sld [smem:$0x7FB]  }
0xa8: {  	[sflag:s30] =	ssyncset.done $0x0  }
0xa9: {  	[sflag:s30] =	ssyncadd.s32 $0xFFFFFF80  }
0xaa: {  	[spmem:s20] =	stream.linear.scatter [tilespmem:s12], [sflag:$0x11], $0x80, $0x38;
	[tilespmem:$0x1E400] =	vst v63  }
0xab: {  	_ =	swait.ge [sflag:s30], $0x80  }
0xac: {  	s23 =	sld [smem:$0x7FC]  }
0xad: {  	[sflag:s30] =	ssyncset.done $0x0  }
0xae: {  	[sflag:s30] =	ssyncadd.s32 $0xFFFFFF80  }
0xaf: {  	[spmem:s23] =	stream.linear.scatter [tilespmem:s12], [sflag:$0x11], $0x80, $0x38;
	[tilespmem:$0x1E400] =	vst v63  }
0xb0: {  	_ =	swait.ge [sflag:s30], $0x80  }
0xb1: {  	s25 =	sld [smem:$0x7FD]  }
0xb2: {  	[sflag:s30] =	ssyncset.done $0x0  }
0xb3: {  	[sflag:s30] =	ssyncadd.s32 $0xFFFFFF80  }
0xb4: {  	[spmem:s25] =	stream.linear.scatter [tilespmem:s12], [sflag:$0x11], $0x80, $0x38;
	[tilespmem:$0x1E400] =	vst v63  }
.Ltmp2:
0xb5: {  	_ =	swait.ge [sflag:s30], $0x80;
	(pc) =	sbr.rel .LBB2_2-.Ltmp2, $4  }
0xb6: {  	[sflag:s30] =	ssyncset.done $0x0  }
0xb7: {  	[sflag:s30] =	ssyncadd.s32 $0xFFFFFF80  }
0xb8: {  	s28 =	simm.s32 $0x0;
	[bflag:$0x0] =	sbarrier.arrive $0xFFFF  }
0xb9: {  	s23 =	simm.s32 $0x0;
	s30 =	simm.s32 $0x6;
	s31 =	rddreg [dreg:$0x1a]  }
.LBB2_8:
0xba: {  	s28 =	sadd.s32 $0x50, s28  }
0xbb: {  	p1 =	sne.s32 s28, $0x500  }
.Ltmp3:
0xbc: {  	_ = 	snop;
	(pc) =	sbr.rel @!p1 .LBB2_9-.Ltmp3, $2  }
0xbd: {  	_ =	sdelay $0x2  }
0xbe: {  	s23 =	sadd.s32 $0x1, s23;
	s31 =	sadd.s32 $0x280, s31;
	s30 =	sadd.s32 $0x8, s30  }
.LBB2_2:
0xbf: {  	_ =	swait.ge [sflag:s26], $0x2800  }
0xc0: {  	p1 =	seq.s32 s28, $0x0;
	[sflag:s26] =	ssyncset.done $0x0  }
0xc1: {  	s5 =	simm.s32 @!p1 $0x10;
	[sflag:s26] =	ssyncadd.s32 $0xFFFFD800  }
0xc2: {  	_ =	swait.ge @!p1 [sflag:s5], $0x2800  }
0xc3: {  	[sflag:s5] =	ssyncset.done @!p1 $0x0  }
0xc4: {  	[sflag:s5] =	ssyncadd.s32 @!p1 $0xFFFFD800  }
0xc5: {  	_ =	swait.ge @!p1 [sflag:s5], $0x50  }
0xc6: {  	[sflag:s5] =	ssyncset.done @!p1 $0x0  }
0xc7: {  	[sflag:s5] =	ssyncadd.s32 @!p1 $0xFFFFFFB0  }
0xc8: {  	_ =	swait.ge [sflag:s29], $0x50  }
0xc9: {  	[sflag:s29] =	ssyncset.done $0x0  }
0xca: {  	[sflag:s29] =	ssyncadd.s32 $0xFFFFFFB0  }
0xcb: {  	_ =	swait.ge [sflag:s29], $0x50  }
0xcc: {  	[sflag:s29] =	ssyncset.done $0x0  }
0xcd: {  	s0 =	simm.s32 $0x180;
	s25 =	simm.s32 $0x8000;
	[sflag:s29] =	ssyncadd.s32 $0xFFFFFFB0  }
0xce: {  	[tilespmem:s25], [sflag:$0xC] =	stream.indirect.gather [hbm4b:s1+s10], $0x80, s0, s10, $0xb8;
	[tilespmem:$0x1E400] =	vst v63  }
0xcf: {  	s0 =	sadd.s32 $0xFFFFFFFF, s30  }
0xd0: {  	p1 =	sgt.u32 s0, $0x7C;
	s0 =	rddreg [dreg:$0x12]  }
0xd1: {  	s5 =	sadd.s32 @!p1 s28, s0  }
0xd2: {  	s9 =	simm.s32 @!p1 $0x0;
	s12 =	simm.s32 @!p1 $0x280;
	s0 =	rddreg [dreg:$0x11]  }
0xd3: {  	[tilespmem:s12], [sflag:$0x6] =	stream.linear.gather @!p1 [hbm4b:s5+s9], $0x50, $0x38;
	[tilespmem:$0x1E400] =	vst v63  }
0xd4: {  	s25 =	simm.s32 @!p1 $0x680;
	s5 =	sadd.s32 @!p1 s28, s0  }
0xd5: {  	[tilespmem:s25], [sflag:$0x6] =	stream.linear.gather @!p1 [hbm4b:s5+s9], $0x50, $0x38;
	[tilespmem:$0x1E400] =	vst v63  }
0xd6: {  	s5 =	simm.s32 $0x400  }
0xd7: {  	[spmem:s2] =	stream.indirect.scatter.add.f32 [tilespmem:s14], [sflag:$0xD], $0x80, s5, s10, $0xb8;
	[tilespmem:$0x1E400] =	vst v63  }
0xd8: {  	_ = 	snop  }
0xd9: {  	[spmem:s3] =	stream.indirect.scatter.add.f32 [tilespmem:s6], [sflag:$0xD], $0x1, s5, s10, $0xb8;
	[tilespmem:$0x1E400] =	vst v63  }
0xda: {  	_ =	swait.ge [sflag:s17], $0x2800  }
0xdb: {  	[sflag:s17] =	ssyncset.done $0x0  }
0xdc: {  	[sflag:s17] =	ssyncadd.s32 $0xFFFFD800  }
0xdd: {  	_ =	swait.ge [sflag:s8], $0x2800  }
0xde: {  	[sflag:s8] =	ssyncset.done $0x0  }
0xdf: {  	[sflag:s8] =	ssyncadd.s32 $0xFFFFD800  }
0xe0: {  	_ =	swait.ge [sflag:s8], $0x50  }
0xe1: {  	[sflag:s8] =	ssyncset.done $0x0  }
0xe2: {  	[sflag:s8] =	ssyncadd.s32 $0xFFFFFFB0  }
0xe3: {  	_ =	swait.ge [sflag:s11], $0x50  }
0xe4: {  	[sflag:s11] =	ssyncset.done $0x0  }
0xe5: {  	[sflag:s11] =	ssyncadd.s32 $0xFFFFFFB0  }
0xe6: {  	_ =	swait.ge [sflag:s11], $0x50  }
0xe7: {  	s7 =	simm.s32 $0x200;
	[sflag:s11] =	ssyncset.done $0x0  }
0xe8: {  	p2 =	sgt.u32 s30, $0x7C;
	s0 =	rddreg [dreg:$0x14];
	[sflag:s11] =	ssyncadd.s32 $0xFFFFFFB0  }
0xe9: {  	[tilespmem:s14], [sflag:$0x9] =	stream.indirect.gather [hbm4b:s1+s10], $0x80, s7, s10, $0xb8;
	[tilespmem:$0x1E400] =	vst v63  }
0xea: {  	s25 =	simm.s32 @!p2 $0x0;
	s5 =	sadd.s32 @!p2 s28, s0;
	s0 =	simm.s32 @!p2 $0x300  }
0xeb: {  	[tilespmem:s0], [sflag:$0x7] =	stream.linear.gather @!p2 [hbm4b:s5+s25], $0x50, $0x38;
	[tilespmem:$0x1E400] =	vst v63  }
0xec: {  	s0 =	rddreg [dreg:$0x13]  }
0xed: {  	s5 =	simm.s32 @!p2 $0x700;
	s0 =	sadd.s32 @!p2 s28, s0  }
0xee: {  	[tilespmem:s5], [sflag:$0x7] =	stream.linear.gather @!p2 [hbm4b:s0+s25], $0x50, $0x38;
	[tilespmem:$0x1E400] =	vst v63  }
0xef: {  	s13 =	simm.s32 $0x480  }
0xf0: {  	[spmem:s2] =	stream.indirect.scatter.add.f32 [tilespmem:s22], [sflag:$0xE], $0x80, s13, s10, $0xb8;
	[tilespmem:$0x1E400] =	vst v63  }
0xf1: {  	_ = 	snop  }
0xf2: {  	[spmem:s3] =	stream.indirect.scatter.add.f32 [tilespmem:s6], [sflag:$0xE], $0x1, s13, s10, $0xb8;
	[tilespmem:$0x1E400] =	vst v63  }
0xf3: {  	_ =	swait.ge [sflag:s15], $0x2800  }
0xf4: {  	[sflag:s15] =	ssyncset.done $0x0  }
0xf5: {  	[sflag:s15] =	ssyncadd.s32 $0xFFFFD800  }
0xf6: {  	_ =	swait.ge [sflag:s16], $0x2800  }
0xf7: {  	[sflag:s16] =	ssyncset.done $0x0  }
0xf8: {  	[sflag:s16] =	ssyncadd.s32 $0xFFFFD800  }
0xf9: {  	_ =	swait.ge [sflag:s16], $0x50  }
0xfa: {  	[sflag:s16] =	ssyncset.done $0x0  }
0xfb: {  	s0 =	simm.s32 @!p1 $0x6;
	[sflag:s16] =	ssyncadd.s32 $0xFFFFFFB0  }
0xfc: {  	_ =	swait.ge @!p1 [sflag:s0], $0x50  }
0xfd: {  	[sflag:s0] =	ssyncset.done @!p1 $0x0  }
0xfe: {  	[sflag:s0] =	ssyncadd.s32 @!p1 $0xFFFFFFB0  }
0xff: {  	_ =	swait.ge @!p1 [sflag:s0], $0x50  }
0x100: {  	[sflag:s0] =	ssyncset.done @!p1 $0x0  }
0x101: {  	s5 =	simm.s32 @!p1 $0x3000;
	[sflag:s0] =	ssyncadd.s32 @!p1 $0xFFFFFFB0;
	s0 =	simm.s32 @!p1 $0x50  }
0x102: {  	[tilespmem:s5], [sflag:$0xA] =	stream.indirect.gather @!p1 [hbm4b:s1+s0], $0x80, s12, s0, $0xb8;
	[tilespmem:$0x1E400] =	vst v63  }
0x103: {  	s0 =	rddreg [dreg:$0x1c]  }
0x104: {  	s5 =	simm.s32 @!p1 $0x380;
	s0 =	sadd.s32 @!p1 s28, s0  }
0x105: {  	[tilespmem:s5], [sflag:$0x8] =	stream.linear.gather @!p1 [hbm4b:s0+s9], $0x50, $0x38;
	[tilespmem:$0x1E400] =	vst v63  }
0x106: {  	s0 =	rddreg [dreg:$0x1d]  }
0x107: {  	s5 =	simm.s32 @!p1 $0x780;
	s0 =	sadd.s32 @!p1 s28, s0  }
0x108: {  	[tilespmem:s5], [sflag:$0x8] =	stream.linear.gather @!p1 [hbm4b:s0+s9], $0x50, $0x38;
	[tilespmem:$0x1E400] =	vst v63  }
0x109: {  	s25 =	simm.s32 $0x500;
	s5 =	simm.s32 $0x5800  }
0x10a: {  	[spmem:s2] =	stream.indirect.scatter.add.f32 [tilespmem:s5], [sflag:$0xF], $0x80, s25, s10, $0xb8;
	[tilespmem:$0x1E400] =	vst v63  }
0x10b: {  	_ = 	snop  }
0x10c: {  	[spmem:s3] =	stream.indirect.scatter.add.f32 [tilespmem:s6], [sflag:$0xF], $0x1, s25, s10, $0xb8;
	[tilespmem:$0x1E400] =	vst v63  }
0x10d: {  	_ =	swait.ge [sflag:s18], $0x2800  }
0x10e: {  	[sflag:s18] =	ssyncset.done $0x0  }
0x10f: {  	[sflag:s18] =	ssyncadd.s32 $0xFFFFD800  }
0x110: {  	p2 =	sgt.u32 s23, $0xE;
	_ =	swait.ge [sflag:s19], $0x2800  }
.Ltmp4:
0x111: {  	[sflag:s19] =	ssyncset.done $0x0;
	(pc) =	sbr.rel @p2 .LBB2_4-.Ltmp4, $4  }
0x112: {  	[sflag:s19] =	ssyncadd.s32 $0xFFFFD800  }
0x113: {  	_ =	swait.ge [sflag:s19], $0x50  }
0x114: {  	[sflag:s19] =	ssyncset.done $0x0  }
0x115: {  	s20 =	simm.s32 $0x400;
	s12 =	simm.s32 $0x500;
	[sflag:s19] =	ssyncadd.s32 $0xFFFFFFB0  }
0x116: {  	s0 =	simm.s32 $0x7  }
0x117: {  	_ =	swait.ge [sflag:s0], $0x50  }
0x118: {  	[sflag:s0] =	ssyncset.done $0x0  }
.Ltmp5:
0x119: {  	[sflag:s0] =	ssyncadd.s32 $0xFFFFFFB0;
	(pc) =	sbr.rel .LBB2_5-.Ltmp5, $4  }
0x11a: {  	_ =	swait.ge [sflag:s0], $0x50  }
0x11b: {  	[sflag:s0] =	ssyncset.done $0x0  }
0x11c: {  	s7 =	simm.s32 $0x5800;
	s25 =	simm.s32 $0x300;
	[sflag:s0] =	ssyncadd.s32 $0xFFFFFFB0  }
0x11d: {  	[tilespmem:s5], [sflag:$0xB] =	stream.indirect.gather [hbm4b:s1+s10], $0x80, s25, s10, $0xb8;
	[tilespmem:$0x1E400] =	vst v63  }
.LBB2_4:
0x11e: {  	p4 =	seq.s32 s28, $0x4B0  }
.Ltmp6:
0x11f: {  	_ = 	snop;
	(pc) =	sbr.rel @p4 .LBB2_6-.Ltmp6, $2  }
0x120: {  	_ =	sdelay $0x2  }
0x121: {  	s7 =	simm.s32 $0x5800;
	p3 =	por $0x1, $0x1  }
.LBB2_5:
0x122: {  	s0 =	sshrl.u32 s31, $0x3;
	s5 =	rddreg [dreg:$0x5]  }
0x123: {  	s25 =	rddreg [dreg:$0x10];
	s0 =	sadd.s32 s5, s0  }
0x124: {  	[tilespmem:s4], [sflag:$0x1] =	stream.linear.gather [hbm4b:s0+s4], $0x50, $0x38;
	[tilespmem:$0x1E400] =	vst v63  }
0x125: {  	p3 =	por $0x0, $0x0;
	s0 =	sadd.s32 s28, s25  }
0x126: {  	[tilespmem:s20], [sflag:$0x1] =	stream.linear.gather [hbm4b:s0+s4], $0x50, $0x38;
	[tilespmem:$0x1E400] =	vst v63  }
.LBB2_6:
0x127: {  	s0 =	simm.s32 $0x580;
	s5 =	simm.s32 $0x8000  }
0x128: {  	[spmem:s2] =	stream.indirect.scatter.add.f32 [tilespmem:s5], [sflag:$0x10], $0x80, s0, s10, $0xb8;
	[tilespmem:$0x1E400] =	vst v63  }
0x129: {  	_ = 	snop  }
0x12a: {  	[spmem:s3] =	stream.indirect.scatter.add.f32 [tilespmem:s6], [sflag:$0x10], $0x1, s0, s10, $0xb8;
	[tilespmem:$0x1E400] =	vst v63  }
0x12b: {  	_ =	swait.ge [sflag:s26], $0x2800  }
0x12c: {  	[sflag:s26] =	ssyncset.done $0x0  }
0x12d: {  	[sflag:s26] =	ssyncadd.s32 $0xFFFFD800  }
0x12e: {  	_ =	swait.ge [sflag:s21], $0x2800  }
0x12f: {  	[sflag:s21] =	ssyncset.done $0x0  }
0x130: {  	[sflag:s21] =	ssyncadd.s32 $0xFFFFD800  }
0x131: {  	_ =	swait.ge [sflag:s21], $0x50  }
0x132: {  	[sflag:s21] =	ssyncset.done $0x0  }
0x133: {  	s0 =	simm.s32 @!p2 $0x8;
	[sflag:s21] =	ssyncadd.s32 $0xFFFFFFB0  }
0x134: {  	_ =	swait.ge @!p2 [sflag:s0], $0x50  }
0x135: {  	[sflag:s0] =	ssyncset.done @!p2 $0x0  }
0x136: {  	[sflag:s0] =	ssyncadd.s32 @!p2 $0xFFFFFFB0  }
0x137: {  	_ =	swait.ge @!p2 [sflag:s0], $0x50  }
0x138: {  	s9 =	simm.s32 @!p2 $0x8000;
	[sflag:s0] =	ssyncset.done @!p2 $0x0  }
0x139: {  	s5 =	simm.s32 @!p2 $0x380;
	[sflag:s0] =	ssyncadd.s32 @!p2 $0xFFFFFFB0;
	s0 =	simm.s32 @!p2 $0x50  }
0x13a: {  	[tilespmem:s9], [sflag:$0xC] =	stream.indirect.gather @!p2 [hbm4b:s1+s0], $0x80, s5, s0, $0xb8;
	[tilespmem:$0x1E400] =	vst v63  }
0x13b: {  	s0 =	rddreg [dreg:$0xe]  }
0x13c: {  	s5 =	simm.s32 @!p3 $0x0;
	s9 =	simm.s32 @!p3 $0x80;
	s0 =	sadd.s32 @!p3 s28, s0  }
0x13d: {  	[tilespmem:s9], [sflag:$0x2] =	stream.linear.gather @!p3 [hbm4b:s0+s5], $0x50, $0x38;
	[tilespmem:$0x1E400] =	vst v63  }
0x13e: {  	s0 =	rddreg [dreg:$0xf]  }
0x13f: {  	s9 =	simm.s32 @!p3 $0x480;
	s0 =	sadd.s32 @!p3 s28, s0  }
0x140: {  	[tilespmem:s9], [sflag:$0x2] =	stream.linear.gather @!p3 [hbm4b:s0+s5], $0x50, $0x38;
	[tilespmem:$0x1E400] =	vst v63  }
.Ltmp7:
0x141: {  	_ = 	snop;
	(pc) =	sbr.rel @p1 .LBB2_8-.Ltmp7, $4  }
0x142: {  	s9 =	simm.s32 $0x600  }
0x143: {  	[spmem:s2] =	stream.indirect.scatter.add.f32 [tilespmem:s14], [sflag:$0xD], $0x80, s9, s10, $0xb8;
	[tilespmem:$0x1E400] =	vst v63  }
0x144: {  	s13 =	simm.s32 $0x580;
	s25 =	simm.s32 $0x600  }
0x145: {  	[spmem:s3] =	stream.indirect.scatter.add.f32 [tilespmem:s6], [sflag:$0xD], $0x1, s9, s10, $0xb8;
	[tilespmem:$0x1E400] =	vst v63  }
0x146: {  	_ =	swait.ge [sflag:s17], $0x2800  }
0x147: {  	[sflag:s17] =	ssyncset.done $0x0  }
0x148: {  	[sflag:s17] =	ssyncadd.s32 $0xFFFFD800  }
0x149: {  	_ =	swait.ge [sflag:s8], $0x2800  }
0x14a: {  	[sflag:s8] =	ssyncset.done $0x0  }
0x14b: {  	[sflag:s8] =	ssyncadd.s32 $0xFFFFD800  }
0x14c: {  	_ =	swait.ge [sflag:s8], $0x50  }
0x14d: {  	[sflag:s8] =	ssyncset.done $0x0  }
0x14e: {  	s0 =	simm.s32 $0x1;
	[sflag:s8] =	ssyncadd.s32 $0xFFFFFFB0  }
0x14f: {  	_ =	swait.ge [sflag:s0], $0x50  }
0x150: {  	[sflag:s0] =	ssyncset.done $0x0  }
0x151: {  	[sflag:s0] =	ssyncadd.s32 $0xFFFFFFB0  }
0x152: {  	_ =	swait.ge [sflag:s0], $0x50  }
0x153: {  	[sflag:s0] =	ssyncset.done $0x0  }
0x154: {  	s9 =	rddreg [dreg:$0x19];
	[sflag:s0] =	ssyncadd.s32 $0xFFFFFFB0  }
0x155: {  	[tilespmem:s14], [sflag:$0x9] =	stream.indirect.gather [hbm4b:s1+s10], $0x80, s4, s10, $0xb8;
	[tilespmem:$0x1E400] =	vst v63  }
0x156: {  	s5 =	simm.s32 $0x100;
	s22 =	rddreg [dreg:$0x1b];
	s0 =	sadd.s32 s28, s9  }
0x157: {  	[tilespmem:s5], [sflag:$0x3] =	stream.linear.gather [hbm4b:s0+s4], $0x50, $0x38;
	[tilespmem:$0x1E400] =	vst v63  }
0x158: {  	s0 =	sadd.s32 s28, s22  }
0x159: {  	[tilespmem:s12], [sflag:$0x3] =	stream.linear.gather [hbm4b:s0+s4], $0x50, $0x38;
	[tilespmem:$0x1E400] =	vst v63  }
0x15a: {  	s7 =	simm.s32 $0x680;
	s9 =	simm.s32 $0x3000  }
0x15b: {  	[spmem:s2] =	stream.indirect.scatter.add.f32 [tilespmem:s9], [sflag:$0xE], $0x80, s7, s10, $0xb8;
	[tilespmem:$0x1E400] =	vst v63  }
0x15c: {  	_ = 	snop  }
0x15d: {  	[spmem:s3] =	stream.indirect.scatter.add.f32 [tilespmem:s6], [sflag:$0xE], $0x1, s7, s10, $0xb8;
	[tilespmem:$0x1E400] =	vst v63  }
0x15e: {  	_ =	swait.ge [sflag:s15], $0x2800  }
0x15f: {  	[sflag:s15] =	ssyncset.done $0x0  }
0x160: {  	[sflag:s15] =	ssyncadd.s32 $0xFFFFD800  }
0x161: {  	_ =	swait.ge [sflag:s16], $0x2800  }
0x162: {  	[sflag:s16] =	ssyncset.done $0x0  }
0x163: {  	[sflag:s16] =	ssyncadd.s32 $0xFFFFD800  }
0x164: {  	_ =	swait.ge [sflag:s16], $0x50  }
0x165: {  	[sflag:s16] =	ssyncset.done $0x0  }
0x166: {  	s22 =	simm.s32 $0x2;
	[sflag:s16] =	ssyncadd.s32 $0xFFFFFFB0  }
0x167: {  	_ =	swait.ge [sflag:s22], $0x50  }
0x168: {  	[sflag:s22] =	ssyncset.done $0x0  }
0x169: {  	[sflag:s22] =	ssyncadd.s32 $0xFFFFFFB0  }
0x16a: {  	_ =	swait.ge [sflag:s22], $0x50  }
0x16b: {  	[sflag:s22] =	ssyncset.done $0x0  }
0x16c: {  	s7 =	simm.s32 $0x80;
	[sflag:s22] =	ssyncadd.s32 $0xFFFFFFB0  }
0x16d: {  	[tilespmem:s9], [sflag:$0xA] =	stream.indirect.gather [hbm4b:s1+s10], $0x80, s7, s10, $0xb8;
	[tilespmem:$0x1E400] =	vst v63  }
0x16e: {  	s9 =	rddreg [dreg:$0x17]  }
0x16f: {  	s7 =	simm.s32 $0x180;
	s0 =	sadd.s32 s28, s9  }
0x170: {  	[tilespmem:s7], [sflag:$0x4] =	stream.linear.gather [hbm4b:s0+s4], $0x50, $0x38;
	[tilespmem:$0x1E400] =	vst v63  }
0x171: {  	s7 =	rddreg [dreg:$0x18]  }
0x172: {  	s0 =	sadd.s32 s28, s7  }
0x173: {  	[tilespmem:s13], [sflag:$0x4] =	stream.linear.gather [hbm4b:s0+s4], $0x50, $0x38;
	[tilespmem:$0x1E400] =	vst v63  }
0x174: {  	s9 =	simm.s32 $0x5800;
	s7 =	simm.s32 $0x700  }
0x175: {  	[spmem:s2] =	stream.indirect.scatter.add.f32 [tilespmem:s9], [sflag:$0xF], $0x80, s7, s10, $0xb8;
	[tilespmem:$0x1E400] =	vst v63  }
0x176: {  	_ = 	snop  }
0x177: {  	[spmem:s3] =	stream.indirect.scatter.add.f32 [tilespmem:s6], [sflag:$0xF], $0x1, s7, s10, $0xb8;
	[tilespmem:$0x1E400] =	vst v63  }
0x178: {  	_ =	swait.ge [sflag:s18], $0x2800  }
0x179: {  	[sflag:s18] =	ssyncset.done $0x0  }
0x17a: {  	[sflag:s18] =	ssyncadd.s32 $0xFFFFD800  }
0x17b: {  	_ =	swait.ge [sflag:s19], $0x2800  }
0x17c: {  	[sflag:s19] =	ssyncset.done $0x0  }
0x17d: {  	[sflag:s19] =	ssyncadd.s32 $0xFFFFD800  }
0x17e: {  	_ =	swait.ge [sflag:s19], $0x50  }
0x17f: {  	[sflag:s19] =	ssyncset.done $0x0  }
0x180: {  	[sflag:s19] =	ssyncadd.s32 $0xFFFFFFB0  }
0x181: {  	_ =	swait.ge [sflag:s24], $0x50  }
0x182: {  	[sflag:s24] =	ssyncset.done $0x0  }
0x183: {  	[sflag:s24] =	ssyncadd.s32 $0xFFFFFFB0  }
0x184: {  	_ =	swait.ge [sflag:s24], $0x50  }
0x185: {  	[sflag:s24] =	ssyncset.done $0x0  }
0x186: {  	[sflag:s24] =	ssyncadd.s32 $0xFFFFFFB0  }
0x187: {  	[tilespmem:s9], [sflag:$0xB] =	stream.indirect.gather [hbm4b:s1+s10], $0x80, s5, s10, $0xb8;
	[tilespmem:$0x1E400] =	vst v63  }
0x188: {  	s5 =	rddreg [dreg:$0x15]  }
0x189: {  	s9 =	simm.s32 $0x200;
	s0 =	sadd.s32 s28, s5  }
0x18a: {  	[tilespmem:s9], [sflag:$0x5] =	stream.linear.gather [hbm4b:s0+s4], $0x50, $0x38;
	[tilespmem:$0x1E400] =	vst v63  }
0x18b: {  	s9 =	rddreg [dreg:$0x16]  }
0x18c: {  	s0 =	sadd.s32 s28, s9  }
0x18d: {  	[tilespmem:s25], [sflag:$0x5] =	stream.linear.gather [hbm4b:s0+s4], $0x50, $0x38;
	[tilespmem:$0x1E400] =	vst v63  }
.Ltmp8:
0x18e: {  	_ = 	snop;
	(pc) =	sbr.rel .LBB2_8-.Ltmp8, $4  }
0x18f: {  	s5 =	simm.s32 $0x8000;
	s9 =	simm.s32 $0x780  }
0x190: {  	[spmem:s2] =	stream.indirect.scatter.add.f32 [tilespmem:s5], [sflag:$0x10], $0x80, s9, s10, $0xb8;
	[tilespmem:$0x1E400] =	vst v63  }
0x191: {  	s22 =	simm.s32 $0x3000;
	s7 =	simm.s32 $0x5800  }
0x192: {  	[spmem:s3] =	stream.indirect.scatter.add.f32 [tilespmem:s6], [sflag:$0x10], $0x1, s9, s10, $0xb8;
	[tilespmem:$0x1E400] =	vst v63  }
.LBB2_10:
0x193: {  	_ =	sfence.sel $0x180000  }
0x194: {  	[bflag:$0x0] =	sbarrier.arrive $0xFFFF  }
0x195: {  	_ =	strace $0x90000047  }
0x196: {  	[bflag:$0x2] =	sbarrier.arrive $0xFFFF  }
0x197: {  	s0 =	rddreg [dreg:$0x4]  }
0x198: {  	s0 =	sadd.s32 @!p0 $0x100000, s0  }
0x199: {  	[sflag:s0] =	ssyncadd.tile.s32 @!p0 $0x1;
	_ =	shalt  }
.Lfunc_end2:
_tile_overlayer_lowered:
.L_overlay_start_2:
0x19a: {  	(tag) =	ssettag $0x2  }
0x19b: {  	s0 =	rddreg [dreg:$0x0];
	s2 =	stileid.u32  }
0x19c: {  	s1 =	rddreg [dreg:$0x1];
	p0 =	sne.s32 s2, $0x0  }
0x19d: {  	s3 =	rddreg [dreg:$0x2];
	[bflag:$0x3] =	sbarrier.arrive $0xFFFF;
	s2 =	simm.s32 @!p0 $0x1C11  }
0x19e: {  	[timem:s3], [sflag:s2] =	dma.local @!p0 [hbm:s0], s1  }
0x19f: {  	s0 =	simm.s32 @!p0 $0x11  }
0x1a0: {  	_ =	swait.ge @!p0 [sflag:s0], s1  }
0x1a1: {  	s1 =	ssub.s32 @!p0 $0x0, s1;
	[sflag:s0] =	ssyncset.done @!p0 $0x0  }
0x1a2: {  	[sflag:s0] =	ssyncadd.s32 @!p0 s1  }
0x1a3: {  	[bflag:$0x3] =	sbarrier.arrive $0xFFFF  }
0x1a4: {  	_ =	shalt  }

// kernel: kernel.9.cloned.1.call-start
scs
__scs_entry_jumppad:
0x0: {  	(pc) =	sbr.rel $0x88, $3  }
0x1: {  	(tag) =	ssettag $0x0;
	lr =	simm.s32 $0x1  }
0x2: {  	[smem:$0x3F9B] =	sst lr;
	_ =	strace $0xD0000000  }
0x3: {  	_ = 	snop  }
0x4: {  	_ = 	snop  }
0x5: {  	_ = 	snop  }
0x6: {  	_ = 	snop  }
0x7: {  	_ = 	snop  }
__scs_overlays_trampoline_lowered:
0x8: {  	[smem:$0x3FAA] =	sst s0  }
0x9: {  	[smem:$0x3FAB] =	sst s1  }
0xa: {  	[smem:$0x3FAC] =	sst s2  }
0xb: {  	[smem:$0x3FAD] =	sst s3  }
0xc: {  	[smem:$0x3FAE] =	sst s4  }
0xd: {  	[smem:$0x3FAF] =	sst s5  }
0xe: {  	[smem:$0x3FB0] =	sst s6  }
0xf: {  	[smem:$0x3FB1] =	sst s7  }
0x10: {  	[smem:$0x3FB2] =	sst s8  }
0x11: {  	[smem:$0x3FB3] =	sst s9;
	s0 =	simm.s32 @!p0 $0x0  }
0x12: {  	s1 =	sld [smem:$0x3F99];
	s0 =	simm.s32 @p0 $0x1  }
0x13: {  	[smem:$0x3FB4] =	sst s0;
	s0 =	simm.s32 @!p1 $0x0  }
0x14: {  	s2 =	sld [smem:$0x3F98];
	s0 =	simm.s32 @p1 $0x1  }
0x15: {  	[smem:$0x3FB5] =	sst s0;
	s0 =	simm.s32 @!p2 $0x0  }
0x16: {  	s3 =	sld [smem:$0x3FDB];
	s0 =	simm.s32 @p2 $0x1  }
0x17: {  	s4 =	simm.s32 $0x1BF5;
	[smem:$0x3FB7] =	sst s0  }
0x18: {  	s0 =	sld [smem:$0x3F9A];
	_ =	swait.ge [sflag:s4], $0x0  }
0x19: {  	s7 =	sld [smem:$0x3F9B]  }
0x1a: {  	s8 =	sadd.s32 $0xFFFFE003, lr  }
0x1b: {  	s9 =	sadd.s32 $0xFFFFFEF7, lr;
	s5 =	simm.s32 $0xFFFFFFFF;
	p2 =	slt.u32 s8, $0xFFFFF086  }
0x1c: {  	p1 =	slt.u32 s9, $0xF7A;
	s5 =	simm.s32 @!p2 $0x0  }
0x1d: {  	s5 =	simm.s32 @p1 $0x1;
	p0 =	seq.s32 s7, s2  }
0x1e: {  	s7 =	smul.u32 @!p0 $0xF7A, s2;
	p2 =	seq.s32 @!p0 s5, $0x0  }
0x1f: {  	s9 =	smul.u32 $0xF7A, s1;
	s8 =	simm.s32 @!p0 $0x1BF5;
	p2 =	por !p2, p0  }
0x20: {  	[sflag:s8] =	ssyncset.s32 @!p0 $0xFFFFF086;
	s6 =	sadd.s32 @!p0 s3, s7;
	s7 =	simm.s32 @!p0 $0x108  }
0x21: {  	s3 =	sadd.s32 s3, s9;
	s6 =	sadd.s32 @!p0 $0x88, s6;
	s7 =	simm.s32 @p2 $0x1082  }
0x22: {  	[simem:s7], [sflag:s8] =	dma.local @!p0 [hbm:s6], $0xF7A  }
0x23: {  	s9 =	sor.u32 $0xD0000000, s2;
	s6 =	simm.s32 $0x108;
	_ =	swait.ge @!p0 [sflag:s8], $0x0  }
0x24: {  	s3 =	sadd.s32 $0x88, s3;
	s6 =	simm.s32 @!p1 $0x1082;
	[sflag:s4] =	ssyncset.s32 $0xFFFFF086  }
0x25: {  	[simem:s6], [sflag:s4] =	dma.local [hbm:s3], $0xF7A  }
0x26: {  	[smem:$0x3F9B] =	sst s1;
	(tag) =	ssettag s2;
	_ =	strace s9  }
0x27: {  	s1 =	sld [smem:$0x3FAB]  }
0x28: {  	s2 =	sld [smem:$0x3FAC]  }
0x29: {  	s4 =	sld [smem:$0x3FAE]  }
0x2a: {  	p0 =	seq.s32 s5, $0x0;
	s5 =	sld [smem:$0x3FAF]  }
0x2b: {  	s6 =	sld [smem:$0x3FB0]  }
0x2c: {  	s7 =	sld [smem:$0x3FB1]  }
0x2d: {  	s3 =	simm.s32 $0x108;
	s8 =	sld [smem:$0x3FB2]  }
0x2e: {  	s3 =	simm.s32 @!p0 $0x1082;
	s9 =	sld [smem:$0x3FB3]  }
0x2f: {  	lr =	sadd.s32 s0, s3;
	s0 =	sld [smem:$0x3FAA]  }
0x30: {  	s3 =	sld [smem:$0x3FAD]  }
0x31: {  	[smem:$0x3FB6] =	sst s10  }
0x32: {  	s10 =	sld [smem:$0x3FB4];
	_ =	sdelay $0x3  }
0x33: {  	p0 =	seq.s32 s10, $0x1;
	s10 =	sld [smem:$0x3FB6];
	_ =	sdelay $0x3  }
0x34: {  	[smem:$0x3FB6] =	sst s10  }
0x35: {  	s10 =	sld [smem:$0x3FB5];
	_ =	sdelay $0x3  }
0x36: {  	p1 =	seq.s32 s10, $0x1;
	s10 =	sld [smem:$0x3FB6];
	_ =	sdelay $0x3  }
0x37: {  	[smem:$0x3FB6] =	sst s10  }
0x38: {  	s10 =	sld [smem:$0x3FB7]  }
0x39: {  	_ = 	snop;
	(pc) =	sbr.ind lr, $3  }
0x3a: {  	_ = 	snop  }
0x3b: {  	_ = 	snop  }
0x3c: {  	p2 =	seq.s32 s10, $0x1;
	s10 =	sld [smem:$0x3FB6]  }
0x3d: {  	_ =	shalt  }
0x3e: {  	_ =	shalt  }
0x3f: {  	_ =	shalt  }
0x40: {  	_ =	shalt  }
0x41: {  	_ =	shalt  }
0x42: {  	_ =	shalt  }
0x43: {  	_ =	shalt  }
0x44: {  	_ =	shalt  }
0x45: {  	_ =	shalt  }
0x46: {  	_ =	shalt  }
0x47: {  	_ =	shalt  }
0x48: {  	_ =	shalt  }
0x49: {  	_ =	shalt  }
0x4a: {  	_ =	shalt  }
0x4b: {  	_ =	shalt  }
0x4c: {  	_ =	shalt  }
0x4d: {  	_ =	shalt  }
0x4e: {  	_ =	shalt  }
0x4f: {  	_ =	shalt  }
0x50: {  	_ =	shalt  }
0x51: {  	_ =	shalt  }
0x52: {  	_ =	shalt  }
0x53: {  	_ =	shalt  }
0x54: {  	_ =	shalt  }
0x55: {  	_ =	shalt  }
0x56: {  	_ =	shalt  }
0x57: {  	_ =	shalt  }
0x58: {  	_ =	shalt  }
0x59: {  	_ =	shalt  }
0x5a: {  	_ =	shalt  }
0x5b: {  	_ =	shalt  }
0x5c: {  	_ =	shalt  }
0x5d: {  	_ =	shalt  }
0x5e: {  	_ =	shalt  }
0x5f: {  	_ =	shalt  }
0x60: {  	_ =	shalt  }
0x61: {  	_ =	shalt  }
0x62: {  	_ =	shalt  }
0x63: {  	_ =	shalt  }
0x64: {  	_ =	shalt  }
0x65: {  	_ =	shalt  }
0x66: {  	_ =	shalt  }
0x67: {  	_ =	shalt  }
0x68: {  	_ =	shalt  }
0x69: {  	_ =	shalt  }
0x6a: {  	_ =	shalt  }
0x6b: {  	_ =	shalt  }
0x6c: {  	_ =	shalt  }
0x6d: {  	_ =	shalt  }
0x6e: {  	_ =	shalt  }
0x6f: {  	_ =	shalt  }
0x70: {  	_ =	shalt  }
0x71: {  	_ =	shalt  }
0x72: {  	_ =	shalt  }
0x73: {  	_ =	shalt  }
0x74: {  	_ =	shalt  }
0x75: {  	_ =	shalt  }
0x76: {  	_ =	shalt  }
0x77: {  	_ =	shalt  }
0x78: {  	_ =	shalt  }
0x79: {  	_ =	shalt  }
0x7a: {  	_ =	shalt  }
0x7b: {  	_ =	shalt  }
0x7c: {  	_ =	shalt  }
0x7d: {  	_ =	shalt  }
0x7e: {  	_ =	shalt  }
0x7f: {  	_ =	shalt  }
0x80: {  	_ =	shalt  }
0x81: {  	_ =	shalt  }
0x82: {  	_ =	shalt  }
0x83: {  	_ =	shalt  }
0x84: {  	_ =	shalt  }
0x85: {  	_ =	shalt  }
0x86: {  	_ =	shalt  }
0x87: {  	_ =	shalt  }
.Lfunc_end0:
.L_simem_size_0:
called_computation.1_lowered:
.L_overlay_start_0:
0x88: {  	s2 =	sld [smem:$0x3FD9]  }
0x89: {  	s3 =	sld [smem:$0x3FFE];
	_ =	sdelay $0x1  }
0x8a: {  	s1 =	srdreg.scid  }
0x8b: {  	s0 =	sand.u32 $0x1, s1  }
0x8c: {  	s17 =	sshll.u32 s0, $0xA;
	s2 =	sadd.s32 s3, s2  }
0x8d: {  	s2 =	sadd.s32 s2, s17  }
0x8e: {  	[smem:$0x3FC2] =	sst s2  }
0x8f: {  	_ = 	snop  }
0x90: {  	s2 =	sld [smem:$0x3FD0];
	(tm) =	ssettm $0x1  }
0x91: {  	s18 =	sld [smem:$0x3FFB];
	_ =	sdelay $0x3  }
0x92: {  	_ =	strace s18  }
0x93: {  	s3 =	sld [smem:$0x3FFC];
	_ =	sdelay $0x3  }
0x94: {  	_ =	strace s3  }
0x95: {  	s3 =	sld [smem:$0x3FFD];
	_ =	sdelay $0x3  }
0x96: {  	_ =	strace s3  }
0x97: {  	_ =	strace $0x8FFFFFFF  }
0x98: {  	s19 =	sld [smem:$0x3FDB];
	_ =	sdelay $0x1  }
0x99: {  	s4 =	simm.s32 $_scs_section_size  }
0x9a: {  	s5 =	simm.s32 $_size__tile_overlayer_lowered;
	s6 =	simm.s32 $_tile_overlayer_lowered  }
0x9b: {  	s22 =	simm.s32 $0x1BFF;
	s21 =	sshll.u32 s6, $0x1;
	s3 =	sadd.s32 s4, s19  }
0x9c: {  	s7 =	simm.s32 $0x0;
	s20 =	sshll.u32 s5, $0x1;
	s5 =	sadd.s32 s21, s3  }
0x9d: {  	[timem:s7], [sflag:s22] =	dma.local [hbm:s5], s20  }
0x9e: {  	_ =	swait.ge [sflag:s22], s20  }
0x9f: {  	s4 =	ssub.s32 $0x0, s20;
	[sflag:s22] =	ssyncset.done $0x0  }
0xa0: {  	[sflag:s22] =	ssyncadd.s32 s4;
	_ =	sdelay $0x1  }
0xa1: {  	s23 =	simm.s32 $0x1B8B  }
0xa2: {  	_ =	swait.ge [sflag:s23], $0x1  }
0xa3: {  	[sflag:s23] =	ssyncset.done $0x0  }
0xa4: {  	s25 =	simm.s32 $0x1B8E;
	s24 =	sld [smem:$0x3FFE];
	[sflag:s23] =	ssyncadd.s32 $0xFFFFFFFF  }
0xa5: {  	s26 =	simm.s32 $execute0_lowered;
	[smem:$0x3FD2] =	sst s25  }
0xa6: {  	s5 =	sshll.u32 s26, $0x1;
	_ =	strace $0x80000049;
	[dreg:$0x1] =	wrdreg $0xFFFFFFFF  }
0xa7: {  	s28 =	simm.s32 $_size_execute0_lowered;
	s3 =	sadd.s32 s3, s5;
	[dreg:$0x0] =	wrdreg $0x0  }
0xa8: {  	s5 =	sshll.u32 s28, $0x1;
	[dreg:$0x2] =	wrdreg s3  }
0xa9: {  	[dreg:$0x3] =	wrdreg s5  }
0xaa: {  	[dreg:$0x4] =	wrdreg $0xC0  }
0xab: {  	_ =	task [dreg:s7], $0x5FFFF  }
0xac: {  	[dreg:$0x1] =	wrdreg $0xFFFFFFFF  }
0xad: {  	[dreg:$0x0] =	wrdreg $0x60  }
0xae: {  	[dreg:$0x2] =	wrdreg s2  }
0xaf: {  	[dreg:$0x3] =	wrdreg s24  }
0xb0: {  	[dreg:$0x4] =	wrdreg $0xA8000  }
0xb1: {  	[dreg:$0x5] =	wrdreg $0x9  }
0xb2: {  	_ =	task.clear_ibuf [dreg:s7], $0x6FFFF;
	_ =	strace $0x90000049  }
0xb3: {  	s29 =	simm.s32 $0x9;
	_ =	strace $0x8000004B  }
0xb4: {  	_ =	swait.ge [sflag:s29], $0x1  }
0xb5: {  	[sflag:s29] =	ssyncadd.s32 $0xFFFFFFFF  }
0xb6: {  	_ =	strace $0x9000004B  }
0xb7: {  	_ =	sfence  }
0xb8: {  	s30 =	sld [smem:$0x0];
	_ =	sdelay $0x2  }
0xb9: {  	s31 =	sshll.u32 s1, $0xD;
	s1 =	sshrl.u32 s1, $0x2  }
0xba: {  	s3 =	sand.u32 $0x4000, s31;
	s1 =	sadd.s32 s1, s30  }
0xbb: {  	s0 =	sor.u32 s3, s0;
	s1 =	sshll.u32 s1, $0x11  }
0xbc: {  	s0 =	sor.u32 s1, s0  }
0xbd: {  	s0 =	sadd.s32 $0x8F2B, s0  }
0xbe: {  	[sflag:s0] =	ssyncadd.remote.s32 $0x1  }
0xbf: {  	_ =	sfence.sel $0xFFFF  }
0xc0: {  	[dreg:$0x0] =	wrdreg $0xFFFFFFFF;
	(pc) =	sbr.abs _section_cstart, $3  }
0xc1: {  	[dreg:$0x1] =	wrdreg $0xFFFFFFFF  }
0xc2: {  	_ =	task.clear_ibuf [dreg:s7], $0x2FFFF;
	_ =	strace $0x9FFFFFFF  }
0xc3: {  	(tm) =	ssettm $0x7FFFFFFF  }
tec
execute0_lowered:
.L_overlay_start_1:
0x0: {  	(tag) =	ssettag $0x1  }
0x1: {  	s0 =	rddreg [dreg:$0x0]  }
0x2: {  	s1 =	srdreg.scid;
	s3 =	rddreg [dreg:$0x1]  }
0x3: {  	s2 =	rddreg [dreg:$0x2];
	s11 =	stileid.u32;
	s4 =	simm.s32 $0x0  }
0x4: {  	s30 =	simm.s32 $0x2;
	s31 =	simm.s32 $0xA;
	s6 =	smul.u32 $0x4E000, s11  }
0x5: {  	s1 =	sand.u32 $0x1, s1;
	[smem:$0x7FF] =	sst s4;
	s8 =	smul.u32 $0x13800, s11  }
0x6: {  	s12 =	sadd.s32 $0x2800, s3;
	s3 =	sadd.s32 $0x16200, s3;
	s28 =	smul.u32 $0x2710, s11  }
0x7: {  	p0 =	sne.s32 s11, $0x0;
	s5 =	sshll.u32 s1, $0x4;
	s10 =	smul.u32 $0x138800, s1  }
0x8: {  	_ =	strace $0x8000004A;
	s7 =	ssub.s32 $0x2, s1;
	s1 =	smul.u32 $0x27100, s1  }
0x9: {  	[dreg:$0x4] =	wrdreg s12;
	s5 =	sor.u32 s11, s5;
	s9 =	sshrl.u32 s7, $0x1  }
0xa: {  	s25 =	sshrl.u32 s6, $0x2;
	s26 =	sshrl.u32 s8, $0x3;
	s11 =	simm.s32 $0x1  }
0xb: {  	s5 =	smul.u32 $0x2710, s5;
	s7 =	ssub.s32 s7, s9;
	s29 =	sadd.s32 s0, s26  }
0xc: {  	s6 =	sadd.s32 s8, s10;
	s8 =	sshrl.u32 s10, $0x3;
	s1 =	sadd.s32 s28, s1  }
0xd: {  	[dreg:$0x7] =	wrdreg s29;
	s10 =	sadd.s32 $0x2D0, s1;
	s14 =	smax.u32 s7, $0x1  }
0xe: {  	s16 =	sadd.s32 $0x4E4D0, s1;
	s17 =	sadd.s32 $0x4E480, s1;
	s18 =	sadd.s32 $0x4E390, s1  }
0xf: {  	s21 =	sadd.s32 $0x190, s1;
	s22 =	sadd.s32 $0x4E3E0, s1;
	s23 =	sadd.s32 $0x1E0, s1  }
0x10: {  	s26 =	sadd.s32 $0x3C0, s1;
	s28 =	sadd.s32 $0x4E5C0, s1;
	s29 =	sadd.s32 $0x370, s1  }
0x11: {  	s7 =	sadd.s32 $0x4E570, s1;
	s9 =	sadd.s32 $0x4E520, s1;
	s5 =	sshrl.u32 s5, $0x3  }
0x12: {  	[dreg:$0xa] =	wrdreg s14;
	s15 =	sshrl.u32 s10, $0x3;
	s20 =	sshrl.u32 s18, $0x3  }
0x13: {  	s14 =	sshrl.u32 s9, $0x3;
	s13 =	sadd.s32 s12, s5;
	s5 =	sadd.s32 s25, s2  }
0x14: {  	s9 =	simm.s32 $0x7;
	s25 =	sshrl.u32 s23, $0x3;
	[dreg:$0x6] =	wrdreg s5  }
0x15: {  	s5 =	sshrl.u32 s6, $0x3;
	s18 =	sadd.s32 $0x9C40, s13;
	[dreg:$0x5] =	wrdreg s13  }
0x16: {  	s6 =	sshrl.u32 s29, $0x3;
	s23 =	sadd.s32 $0x1E, s13;
	[dreg:$0x1b] =	wrdreg s18  }
0x17: {  	s29 =	sadd.s32 $0x27000, s0;
	s5 =	sadd.s32 s3, s5;
	[smem:$0x7F8] =	sst s23  }
0x18: {  	s3 =	sadd.s32 s3, s8;
	s8 =	sadd.s32 $0x320, s1;
	[smem:$0x7FD] =	sst s29  }
0x19: {  	s23 =	simm.s32 $0x4;
	[dreg:$0x8] =	wrdreg s5;
	s3 =	sadd.s32 $0x27000, s3  }
0x1a: {  	s5 =	sshrl.u32 s17, $0x3;
	[dreg:$0x9] =	wrdreg s3;
	s3 =	sadd.s32 s15, s12  }
0x1b: {  	s19 =	sadd.s32 s5, s12;
	s5 =	sshrl.u32 s22, $0x3;
	s15 =	sadd.s32 $0x280, s1  }
0x1c: {  	s22 =	sadd.s32 $0x9C54, s13;
	[dreg:$0xb] =	wrdreg s3;
	s3 =	sshrl.u32 s16, $0x3  }
0x1d: {  	[dreg:$0xd] =	wrdreg s19;
	s24 =	sadd.s32 s5, s12;
	s5 =	sshrl.u32 s28, $0x3  }
0x1e: {  	[dreg:$0x17] =	wrdreg s15;
	s16 =	sadd.s32 $0x230, s1;
	s1 =	sadd.s32 $0x4E430, s1  }
0x1f: {  	s19 =	sadd.s32 $0xA, s13;
	[dreg:$0x1f] =	wrdreg s22;
	s28 =	sadd.s32 $0x138000, s2  }
0x20: {  	s22 =	simm.s32 $0x9;
	s15 =	simm.s32 $0x0;
	[dreg:$0x10] =	wrdreg s24  }
0x21: {  	s3 =	sadd.s32 s3, s12;
	s5 =	sadd.s32 s5, s12;
	[dreg:$0x1c] =	wrdreg s19  }
0x22: {  	s17 =	sshrl.u32 s16, $0x3;
	s1 =	sshrl.u32 s1, $0x3;
	[smem:$0x7FC] =	sst s28  }
0x23: {  	s24 =	sadd.s32 $0x9C5E, s13;
	s19 =	simm.s32 $0x3000;
	[dreg:$0xc] =	wrdreg s3  }
0x24: {  	s3 =	sadd.s32 s20, s12;
	[dreg:$0x13] =	wrdreg s5;
	s5 =	sshrl.u32 s8, $0x3  }
0x25: {  	s1 =	sadd.s32 s1, s12;
	s20 =	sadd.s32 $0x9C4A, s13;
	[smem:$0x7F9] =	sst s24  }
0x26: {  	s24 =	simm.s32 $0x50;
	s8 =	simm.s32 $0xF;
	[dreg:$0xe] =	wrdreg s3  }
0x27: {  	s3 =	sshrl.u32 s21, $0x3;
	s10 =	sadd.s32 s5, s12;
	[dreg:$0x1a] =	wrdreg s1  }
0x28: {  	[dreg:$0x1d] =	wrdreg s20;
	s21 =	sadd.s32 $0x14, s13;
	s20 =	simm.s32 $0x3  }
0x29: {  	s1 =	simm.s32 $0xD;
	s5 =	simm.s32 $0x5;
	[dreg:$0x16] =	wrdreg s10  }
0x2a: {  	s3 =	sadd.s32 s3, s12;
	[dreg:$0x1e] =	wrdreg s21;
	s21 =	simm.s32 $0x5800  }
0x2b: {  	s10 =	simm.s32 $0x10;
	[dreg:$0xf] =	wrdreg s3;
	s3 =	sadd.s32 s25, s12  }
0x2c: {  	s25 =	sadd.s32 $0x28, s13;
	[dreg:$0x11] =	wrdreg s3;
	s3 =	sshrl.u32 s26, $0x3  }
0x2d: {  	[smem:$0x7FA] =	sst s25;
	s26 =	sadd.s32 $0x9C68, s13;
	s3 =	sadd.s32 s3, s12  }
0x2e: {  	s25 =	simm.s32 $0x8000;
	[dreg:$0x12] =	wrdreg s3;
	s3 =	sadd.s32 s6, s12  }
.Ltmp0:
0x2f: {  	[dreg:$0x14] =	wrdreg s3;
	s3 =	sshrl.u32 s7, $0x3;
	(pc) =	sbr.rel .LBB2_1-.Ltmp0, $4  }
0x30: {  	[smem:$0x7FB] =	sst s26;
	s6 =	simm.s32 $0x800;
	s3 =	sadd.s32 s3, s12  }
0x31: {  	s7 =	simm.s32 $0xC;
	[dreg:$0x15] =	wrdreg s3;
	s3 =	sadd.s32 s14, s12  }
0x32: {  	s14 =	simm.s32 $0xB;
	[dreg:$0x18] =	wrdreg s3;
	s3 =	sadd.s32 s17, s12  }
0x33: {  	s17 =	simm.s32 $0x11;
	[dreg:$0x19] =	wrdreg s3;
	s3 =	simm.s32 $0xE  }
.LBB2_9:
0x34: {  	_ =	swait.ge [sflag:s1], $0x2800  }
0x35: {  	[sflag:s1] =	ssyncset.done $0x0  }
0x36: {  	[sflag:s1] =	ssyncadd.s32 $0xFFFFD800  }
0x37: {  	[bflag:$0x0] =	sbarrier.arrive $0xFFFF  }
0x38: {  	s13 =	sld [smem:$0x7F6]  }
0x39: {  	s15 =	sld [smem:$0x7F5];
	_ =	sdelay $0x1  }
0x3a: {  	s17 =	simm.s32 $0x11;
	s12 =	rddreg [dreg:$0x8]  }
0x3b: {  	[hbm:s12], [sflag:s13] =	dma.local [spmem:s15], $0x2700  }
0x3c: {  	_ =	swait.ge [sflag:s17], $0x2700  }
0x3d: {  	s15 =	sld [smem:$0x7F7]  }
0x3e: {  	[sflag:s17] =	ssyncset.done $0x0  }
0x3f: {  	s12 =	rddreg [dreg:$0x9];
	[sflag:s17] =	ssyncadd.s32 $0xFFFFD900  }
0x40: {  	[hbm:s12], [sflag:s13] =	dma.local @!p0 [spmem:s15], $0x100  }
0x41: {  	s12 =	simm.s32 @!p0 $0x11  }
0x42: {  	_ =	swait.ge @!p0 [sflag:s12], $0x100  }
0x43: {  	s28 =	sld [smem:$0x7F4];
	_ =	sdelay $0x2  }
0x44: {  	s29 =	rddreg [dreg:$0xa];
	s15 =	sadd.s32 $0x1, s28  }
0x45: {  	p1 =	sne.s32 s15, s29  }
.Ltmp1:
0x46: {  	_ = 	snop;
	(pc) =	sbr.rel @!p1 .LBB2_10-.Ltmp1, $3  }
0x47: {  	_ =	sdelay $0x1  }
0x48: {  	[sflag:s12] =	ssyncset.done @!p0 $0x0  }
0x49: {  	[sflag:s12] =	ssyncadd.s32 @!p0 $0xFFFFFF00  }
.LBB2_1:
0x4a: {  	[smem:$0x7F4] =	sst s15  }
0x4b: {  	s12 =	rddreg [dreg:$0x5]  }
0x4c: {  	s15 =	rddreg [dreg:$0x1b]  }
0x4d: {  	[tilespmem:s4], [sflag:$0x1] =	stream.linear.gather [hbm4b:s12+s4], $0x50, $0x38;
	[tilespmem:$0x1E080] =	vst v63  }
0x4e: {  	s13 =	simm.s32 $0x400;
	s16 =	rddreg [dreg:$0x1c]  }
0x4f: {  	[tilespmem:s13], [sflag:$0x1] =	stream.linear.gather [hbm4b:s15+s4], $0x50, $0x38;
	[tilespmem:$0x1E080] =	vst v63  }
0x50: {  	s18 =	rddreg [dreg:$0x1d];
	s13 =	simm.s32 $0x80  }
0x51: {  	[tilespmem:s13], [sflag:$0x2] =	stream.linear.gather [hbm4b:s16+s4], $0x50, $0x38;
	[tilespmem:$0x1E080] =	vst v63  }
0x52: {  	s26 =	simm.s32 $0x480;
	s28 =	rddreg [dreg:$0x1e]  }
0x53: {  	[tilespmem:s26], [sflag:$0x2] =	stream.linear.gather [hbm4b:s18+s4], $0x50, $0x38;
	[tilespmem:$0x1E080] =	vst v63  }
0x54: {  	s29 =	rddreg [dreg:$0x1f];
	s15 =	simm.s32 $0x100  }
0x55: {  	[tilespmem:s15], [sflag:$0x3] =	stream.linear.gather [hbm4b:s28+s4], $0x50, $0x38;
	[tilespmem:$0x1E080] =	vst v63  }
0x56: {  	s16 =	simm.s32 $0x500;
	s18 =	sld [smem:$0x7F8]  }
0x57: {  	[tilespmem:s16], [sflag:$0x3] =	stream.linear.gather [hbm4b:s29+s4], $0x50, $0x38;
	[tilespmem:$0x1E080] =	vst v63  }
0x58: {  	s26 =	simm.s32 $0x180;
	s28 =	sld [smem:$0x7F9]  }
0x59: {  	[tilespmem:s26], [sflag:$0x4] =	stream.linear.gather [hbm4b:s18+s4], $0x50, $0x38;
	[tilespmem:$0x1E080] =	vst v63  }
0x5a: {  	s29 =	simm.s32 $0x580;
	s18 =	sld [smem:$0x7FA]  }
0x5b: {  	[tilespmem:s29], [sflag:$0x4] =	stream.linear.gather [hbm4b:s28+s4], $0x50, $0x38;
	[tilespmem:$0x1E080] =	vst v63  }
0x5c: {  	s26 =	simm.s32 $0x200;
	s28 =	sld [smem:$0x7FB]  }
0x5d: {  	[tilespmem:s26], [sflag:$0x5] =	stream.linear.gather [hbm4b:s18+s4], $0x50, $0x38;
	[tilespmem:$0x1E080] =	vst v63  }
0x5e: {  	s29 =	simm.s32 $0x600  }
0x5f: {  	[tilespmem:s29], [sflag:$0x5] =	stream.linear.gather [hbm4b:s28+s4], $0x50, $0x38;
	[tilespmem:$0x1E080] =	vst v63  }
0x60: {  	_ =	swait.ge [sflag:s11], $0x50  }
0x61: {  	[sflag:s11] =	ssyncset.done $0x0  }
0x62: {  	[sflag:s11] =	ssyncadd.s32 $0xFFFFFFB0  }
0x63: {  	_ =	swait.ge [sflag:s11], $0x50  }
0x64: {  	[sflag:s11] =	ssyncset.done $0x0  }
0x65: {  	[sflag:s11] =	ssyncadd.s32 $0xFFFFFFB0  }
0x66: {  	[tilespmem:s6], [sflag:$0x9] =	stream.indirect.gather [hbm4b:s0+s24], $0x80, s4, s24, $0xb8;
	[tilespmem:$0x1E080] =	vst v63  }
0x67: {  	_ =	swait.ge [sflag:s30], $0x50  }
0x68: {  	[sflag:s30] =	ssyncset.done $0x0  }
0x69: {  	[sflag:s30] =	ssyncadd.s32 $0xFFFFFFB0  }
0x6a: {  	_ =	swait.ge [sflag:s30], $0x50  }
0x6b: {  	[sflag:s30] =	ssyncset.done $0x0  }
0x6c: {  	[sflag:s30] =	ssyncadd.s32 $0xFFFFFFB0  }
0x6d: {  	[tilespmem:s19], [sflag:$0xA] =	stream.indirect.gather [hbm4b:s0+s24], $0x80, s13, s24, $0xb8;
	[tilespmem:$0x1E080] =	vst v63  }
0x6e: {  	_ =	swait.ge [sflag:s20], $0x50  }
0x6f: {  	[sflag:s20] =	ssyncset.done $0x0  }
0x70: {  	[sflag:s20] =	ssyncadd.s32 $0xFFFFFFB0  }
0x71: {  	s18 =	stileid.u32;
	_ =	swait.ge [sflag:s20], $0x50  }
0x72: {  	s12 =	sshll.u32 s18, $0x6;
	[sflag:s20] =	ssyncset.done $0x0;
	s26 =	rddreg [dreg:$0x6]  }
0x73: {  	s29 =	rddreg [dreg:$0x7];
	[sflag:s20] =	ssyncadd.s32 $0xFFFFFFB0;
	s28 =	sshrl.u32 s26, $0x3  }
0x74: {  	[tilespmem:s21], [sflag:$0xB] =	stream.indirect.gather [hbm4b:s0+s24], $0x80, s15, s24, $0xb8;
	[tilespmem:$0x1E080] =	vst v63  }
0x75: {  	s13 =	sor.u32 $0x1C11, s12;
	[smem:$0x7F5] =	sst s28  }
0x76: {  	[spmem:s28], [sflag:s13] =	dma.local [hbm:s29], $0x2700  }
0x77: {  	_ =	swait.ge [sflag:s17], $0x2700  }
0x78: {  	s12 =	sld [smem:$0x7FC];
	_ =	sdelay $0x2  }
0x79: {  	s15 =	sshrl.u32 @!p0 s12, $0x3;
	s12 =	sld [smem:$0x7FD]  }
0x7a: {  	[sflag:s17] =	ssyncset.done $0x0;
	[smem:$0x7F6] =	sst s13  }
0x7b: {  	[sflag:s17] =	ssyncadd.s32 $0xFFFFD900;
	[smem:$0x7F7] =	sst s15  }
0x7c: {  	[spmem:s15], [sflag:s13] =	dma.local @!p0 [hbm:s12], $0x100  }
0x7d: {  	s12 =	simm.s32 @!p0 $0x11  }
.Ltmp2:
0x7e: {  	_ =	swait.ge @!p0 [sflag:s12], $0x100;
	(pc) =	sbr.rel .LBB2_2-.Ltmp2, $4  }
0x7f: {  	[sflag:s12] =	ssyncset.done @!p0 $0x0  }
0x80: {  	[sflag:s12] =	ssyncadd.s32 @!p0 $0xFFFFFF00  }
0x81: {  	s16 =	simm.s32 $0x0;
	[bflag:$0x0] =	sbarrier.arrive $0xFFFF  }
0x82: {  	s15 =	simm.s32 $0x0;
	s12 =	simm.s32 $0x6;
	s13 =	rddreg [dreg:$0x17]  }
.LBB2_8:
0x83: {  	s15 =	sadd.s32 $0x50, s15  }
0x84: {  	p1 =	sne.s32 s15, $0x500  }
.Ltmp3:
0x85: {  	_ = 	snop;
	(pc) =	sbr.rel @!p1 .LBB2_9-.Ltmp3, $2  }
0x86: {  	_ =	sdelay $0x2  }
0x87: {  	s16 =	sadd.s32 $0x1, s16;
	s13 =	sadd.s32 $0x280, s13;
	s12 =	sadd.s32 $0x8, s12  }
.LBB2_2:
0x88: {  	_ =	swait.ge [sflag:s22], $0x2800  }
0x89: {  	p1 =	seq.s32 s15, $0x0;
	[sflag:s22] =	ssyncset.done $0x0  }
0x8a: {  	s17 =	simm.s32 @!p1 $0x10;
	[sflag:s22] =	ssyncadd.s32 $0xFFFFD800  }
0x8b: {  	_ =	swait.ge @!p1 [sflag:s17], $0x2800  }
0x8c: {  	[sflag:s17] =	ssyncset.done @!p1 $0x0  }
0x8d: {  	[sflag:s17] =	ssyncadd.s32 @!p1 $0xFFFFD800  }
0x8e: {  	_ =	swait.ge [sflag:s23], $0x50  }
0x8f: {  	[sflag:s23] =	ssyncset.done $0x0  }
0x90: {  	[sflag:s23] =	ssyncadd.s32 $0xFFFFFFB0  }
0x91: {  	_ =	swait.ge [sflag:s23], $0x50  }
0x92: {  	s18 =	simm.s32 $0x180;
	s26 =	sadd.s32 $0xFFFFFFFF, s12;
	[sflag:s23] =	ssyncset.done $0x0  }
0x93: {  	p1 =	sgt.u32 s26, $0x7C;
	s17 =	rddreg [dreg:$0xf];
	[sflag:s23] =	ssyncadd.s32 $0xFFFFFFB0  }
0x94: {  	[tilespmem:s25], [sflag:$0xC] =	stream.indirect.gather [hbm4b:s0+s24], $0x80, s18, s24, $0xb8;
	[tilespmem:$0x1E080] =	vst v63  }
0x95: {  	s29 =	simm.s32 @!p1 $0x0;
	s17 =	sadd.s32 @!p1 s15, s17;
	s18 =	simm.s32 @!p1 $0x280  }
0x96: {  	[tilespmem:s18], [sflag:$0x6] =	stream.linear.gather @!p1 [hbm4b:s17+s29], $0x50, $0x38;
	[tilespmem:$0x1E080] =	vst v63  }
0x97: {  	s17 =	rddreg [dreg:$0xe]  }
0x98: {  	s26 =	simm.s32 @!p1 $0x680;
	s17 =	sadd.s32 @!p1 s15, s17  }
0x99: {  	[tilespmem:s26], [sflag:$0x6] =	stream.linear.gather @!p1 [hbm4b:s17+s29], $0x50, $0x38;
	[tilespmem:$0x1E080] =	vst v63  }
0x9a: {  	s28 =	simm.s32 $0x400  }
0x9b: {  	[spmem:s2] =	stream.indirect.scatter.add.f32 [tilespmem:s6], [sflag:$0xD], $0x80, s28, s24, $0xb8;
	[tilespmem:$0x1E080] =	vst v63  }
0x9c: {  	_ =	swait.ge [sflag:s31], $0x2800  }
0x9d: {  	[sflag:s31] =	ssyncset.done $0x0  }
0x9e: {  	[sflag:s31] =	ssyncadd.s32 $0xFFFFD800  }
0x9f: {  	_ =	swait.ge [sflag:s1], $0x2800  }
0xa0: {  	[sflag:s1] =	ssyncset.done $0x0  }
0xa1: {  	[sflag:s1] =	ssyncadd.s32 $0xFFFFD800  }
0xa2: {  	_ =	swait.ge [sflag:s5], $0x50  }
0xa3: {  	[sflag:s5] =	ssyncset.done $0x0  }
0xa4: {  	[sflag:s5] =	ssyncadd.s32 $0xFFFFFFB0  }
0xa5: {  	_ =	swait.ge [sflag:s5], $0x50  }
0xa6: {  	p2 =	sgt.u32 s12, $0x7C;
	[sflag:s5] =	ssyncset.done $0x0  }
0xa7: {  	s26 =	simm.s32 $0x200;
	s17 =	rddreg [dreg:$0x11];
	[sflag:s5] =	ssyncadd.s32 $0xFFFFFFB0  }
0xa8: {  	[tilespmem:s6], [sflag:$0x9] =	stream.indirect.gather [hbm4b:s0+s24], $0x80, s26, s24, $0xb8;
	[tilespmem:$0x1E080] =	vst v63  }
0xa9: {  	s28 =	simm.s32 @!p2 $0x300;
	s17 =	sadd.s32 @!p2 s15, s17;
	s26 =	simm.s32 @!p2 $0x0  }
0xaa: {  	[tilespmem:s28], [sflag:$0x7] =	stream.linear.gather @!p2 [hbm4b:s17+s26], $0x50, $0x38;
	[tilespmem:$0x1E080] =	vst v63  }
0xab: {  	s17 =	rddreg [dreg:$0x10]  }
0xac: {  	s28 =	simm.s32 @!p2 $0x700;
	s17 =	sadd.s32 @!p2 s15, s17  }
0xad: {  	[tilespmem:s28], [sflag:$0x7] =	stream.linear.gather @!p2 [hbm4b:s17+s26], $0x50, $0x38;
	[tilespmem:$0x1E080] =	vst v63  }
0xae: {  	s28 =	simm.s32 $0x480  }
0xaf: {  	[spmem:s2] =	stream.indirect.scatter.add.f32 [tilespmem:s19], [sflag:$0xE], $0x80, s28, s24, $0xb8;
	[tilespmem:$0x1E080] =	vst v63  }
0xb0: {  	_ =	swait.ge [sflag:s14], $0x2800  }
0xb1: {  	[sflag:s14] =	ssyncset.done $0x0  }
0xb2: {  	[sflag:s14] =	ssyncadd.s32 $0xFFFFD800  }
0xb3: {  	_ =	swait.ge [sflag:s3], $0x2800  }
0xb4: {  	[sflag:s3] =	ssyncset.done $0x0  }
0xb5: {  	s17 =	simm.s32 @!p1 $0x6;
	[sflag:s3] =	ssyncadd.s32 $0xFFFFD800  }
0xb6: {  	_ =	swait.ge @!p1 [sflag:s17], $0x50  }
0xb7: {  	[sflag:s17] =	ssyncset.done @!p1 $0x0  }
0xb8: {  	[sflag:s17] =	ssyncadd.s32 @!p1 $0xFFFFFFB0  }
0xb9: {  	_ =	swait.ge @!p1 [sflag:s17], $0x50  }
0xba: {  	[sflag:s17] =	ssyncset.done @!p1 $0x0  }
0xbb: {  	s26 =	simm.s32 @!p1 $0x3000;
	[sflag:s17] =	ssyncadd.s32 @!p1 $0xFFFFFFB0;
	s17 =	simm.s32 @!p1 $0x50  }
0xbc: {  	[tilespmem:s26], [sflag:$0xA] =	stream.indirect.gather @!p1 [hbm4b:s0+s17], $0x80, s18, s17, $0xb8;
	[tilespmem:$0x1E080] =	vst v63  }
0xbd: {  	s17 =	rddreg [dreg:$0x19]  }
0xbe: {  	s18 =	simm.s32 @!p1 $0x380;
	s17 =	sadd.s32 @!p1 s15, s17  }
0xbf: {  	[tilespmem:s18], [sflag:$0x8] =	stream.linear.gather @!p1 [hbm4b:s17+s29], $0x50, $0x38;
	[tilespmem:$0x1E080] =	vst v63  }
0xc0: {  	s17 =	rddreg [dreg:$0x1a]  }
0xc1: {  	s18 =	simm.s32 @!p1 $0x780;
	s17 =	sadd.s32 @!p1 s15, s17  }
0xc2: {  	[tilespmem:s18], [sflag:$0x8] =	stream.linear.gather @!p1 [hbm4b:s17+s29], $0x50, $0x38;
	[tilespmem:$0x1E080] =	vst v63  }
0xc3: {  	s29 =	simm.s32 $0x500  }
0xc4: {  	[spmem:s2] =	stream.indirect.scatter.add.f32 [tilespmem:s21], [sflag:$0xF], $0x80, s29, s24, $0xb8;
	[tilespmem:$0x1E080] =	vst v63  }
0xc5: {  	p2 =	sgt.u32 s16, $0xE;
	_ =	swait.ge [sflag:s7], $0x2800  }
.Ltmp4:
0xc6: {  	[sflag:s7] =	ssyncset.done $0x0;
	(pc) =	sbr.rel @p2 .LBB2_4-.Ltmp4, $4  }
0xc7: {  	[sflag:s7] =	ssyncadd.s32 $0xFFFFD800  }
0xc8: {  	_ =	swait.ge [sflag:s8], $0x2800  }
0xc9: {  	[sflag:s8] =	ssyncset.done $0x0  }
0xca: {  	[sflag:s8] =	ssyncadd.s32 $0xFFFFD800  }
0xcb: {  	_ =	swait.ge [sflag:s9], $0x50  }
0xcc: {  	[sflag:s9] =	ssyncset.done $0x0  }
.Ltmp5:
0xcd: {  	[sflag:s9] =	ssyncadd.s32 $0xFFFFFFB0;
	(pc) =	sbr.rel .LBB2_5-.Ltmp5, $4  }
0xce: {  	_ =	swait.ge [sflag:s9], $0x50  }
0xcf: {  	[sflag:s9] =	ssyncset.done $0x0  }
0xd0: {  	s17 =	simm.s32 $0x300;
	[sflag:s9] =	ssyncadd.s32 $0xFFFFFFB0  }
0xd1: {  	[tilespmem:s21], [sflag:$0xB] =	stream.indirect.gather [hbm4b:s0+s24], $0x80, s17, s24, $0xb8;
	[tilespmem:$0x1E080] =	vst v63  }
.LBB2_4:
0xd2: {  	p4 =	seq.s32 s15, $0x4B0  }
.Ltmp6:
0xd3: {  	_ = 	snop;
	(pc) =	sbr.rel @p4 .LBB2_6-.Ltmp6, $2  }
0xd4: {  	_ =	sdelay $0x2  }
0xd5: {  	p3 =	por $0x1, $0x1  }
.LBB2_5:
0xd6: {  	s17 =	sshrl.u32 s13, $0x3;
	s18 =	rddreg [dreg:$0x4]  }
0xd7: {  	s28 =	rddreg [dreg:$0xd];
	s17 =	sadd.s32 s18, s17  }
0xd8: {  	[tilespmem:s4], [sflag:$0x1] =	stream.linear.gather [hbm4b:s17+s4], $0x50, $0x38;
	[tilespmem:$0x1E080] =	vst v63  }
0xd9: {  	s29 =	simm.s32 $0x400;
	p3 =	por $0x0, $0x0;
	s17 =	sadd.s32 s15, s28  }
0xda: {  	[tilespmem:s29], [sflag:$0x1] =	stream.linear.gather [hbm4b:s17+s4], $0x50, $0x38;
	[tilespmem:$0x1E080] =	vst v63  }
.LBB2_6:
0xdb: {  	s17 =	simm.s32 $0x580  }
0xdc: {  	[spmem:s2] =	stream.indirect.scatter.add.f32 [tilespmem:s25], [sflag:$0x10], $0x80, s17, s24, $0xb8;
	[tilespmem:$0x1E080] =	vst v63  }
0xdd: {  	_ =	swait.ge [sflag:s22], $0x2800  }
0xde: {  	[sflag:s22] =	ssyncset.done $0x0  }
0xdf: {  	[sflag:s22] =	ssyncadd.s32 $0xFFFFD800  }
0xe0: {  	_ =	swait.ge [sflag:s10], $0x2800  }
0xe1: {  	[sflag:s10] =	ssyncset.done $0x0  }
0xe2: {  	s17 =	simm.s32 @!p2 $0x8;
	[sflag:s10] =	ssyncadd.s32 $0xFFFFD800  }
0xe3: {  	_ =	swait.ge @!p2 [sflag:s17], $0x50  }
0xe4: {  	[sflag:s17] =	ssyncset.done @!p2 $0x0  }
0xe5: {  	[sflag:s17] =	ssyncadd.s32 @!p2 $0xFFFFFFB0  }
0xe6: {  	_ =	swait.ge @!p2 [sflag:s17], $0x50  }
0xe7: {  	s18 =	simm.s32 @!p2 $0x380;
	[sflag:s17] =	ssyncset.done @!p2 $0x0  }
0xe8: {  	s26 =	simm.s32 @!p2 $0x8000;
	[sflag:s17] =	ssyncadd.s32 @!p2 $0xFFFFFFB0;
	s17 =	simm.s32 @!p2 $0x50  }
0xe9: {  	[tilespmem:s26], [sflag:$0xC] =	stream.indirect.gather @!p2 [hbm4b:s0+s17], $0x80, s18, s17, $0xb8;
	[tilespmem:$0x1E080] =	vst v63  }
0xea: {  	s17 =	rddreg [dreg:$0xb]  }
0xeb: {  	s18 =	simm.s32 @!p3 $0x0;
	s26 =	simm.s32 @!p3 $0x80;
	s17 =	sadd.s32 @!p3 s15, s17  }
0xec: {  	[tilespmem:s26], [sflag:$0x2] =	stream.linear.gather @!p3 [hbm4b:s17+s18], $0x50, $0x38;
	[tilespmem:$0x1E080] =	vst v63  }
.Ltmp7:
0xed: {  	s17 =	rddreg [dreg:$0xc];
	(pc) =	sbr.rel @p1 .LBB2_8-.Ltmp7, $4  }
0xee: {  	s26 =	simm.s32 @!p3 $0x480;
	s17 =	sadd.s32 @!p3 s15, s17  }
0xef: {  	[tilespmem:s26], [sflag:$0x2] =	stream.linear.gather @!p3 [hbm4b:s17+s18], $0x50, $0x38;
	[tilespmem:$0x1E080] =	vst v63  }
0xf0: {  	s29 =	simm.s32 $0x600  }
0xf1: {  	[spmem:s2] =	stream.indirect.scatter.add.f32 [tilespmem:s6], [sflag:$0xD], $0x80, s29, s24, $0xb8;
	[tilespmem:$0x1E080] =	vst v63  }
0xf2: {  	_ =	swait.ge [sflag:s31], $0x2800  }
0xf3: {  	[sflag:s31] =	ssyncset.done $0x0  }
0xf4: {  	[sflag:s31] =	ssyncadd.s32 $0xFFFFD800  }
0xf5: {  	_ =	swait.ge [sflag:s1], $0x2800  }
0xf6: {  	[sflag:s1] =	ssyncset.done $0x0  }
0xf7: {  	[sflag:s1] =	ssyncadd.s32 $0xFFFFD800  }
0xf8: {  	_ =	swait.ge [sflag:s11], $0x50  }
0xf9: {  	[sflag:s11] =	ssyncset.done $0x0  }
0xfa: {  	[sflag:s11] =	ssyncadd.s32 $0xFFFFFFB0  }
0xfb: {  	_ =	swait.ge [sflag:s11], $0x50  }
0xfc: {  	[sflag:s11] =	ssyncset.done $0x0  }
0xfd: {  	s17 =	rddreg [dreg:$0x16];
	[sflag:s11] =	ssyncadd.s32 $0xFFFFFFB0  }
0xfe: {  	[tilespmem:s6], [sflag:$0x9] =	stream.indirect.gather [hbm4b:s0+s24], $0x80, s4, s24, $0xb8;
	[tilespmem:$0x1E080] =	vst v63  }
0xff: {  	s18 =	simm.s32 $0x100;
	s28 =	rddreg [dreg:$0x18];
	s17 =	sadd.s32 s15, s17  }
0x100: {  	[tilespmem:s18], [sflag:$0x3] =	stream.linear.gather [hbm4b:s17+s4], $0x50, $0x38;
	[tilespmem:$0x1E080] =	vst v63  }
0x101: {  	s26 =	simm.s32 $0x500;
	s17 =	sadd.s32 s15, s28  }
0x102: {  	[tilespmem:s26], [sflag:$0x3] =	stream.linear.gather [hbm4b:s17+s4], $0x50, $0x38;
	[tilespmem:$0x1E080] =	vst v63  }
0x103: {  	s29 =	simm.s32 $0x680  }
0x104: {  	[spmem:s2] =	stream.indirect.scatter.add.f32 [tilespmem:s19], [sflag:$0xE], $0x80, s29, s24, $0xb8;
	[tilespmem:$0x1E080] =	vst v63  }
0x105: {  	_ =	swait.ge [sflag:s14], $0x2800  }
0x106: {  	[sflag:s14] =	ssyncset.done $0x0  }
0x107: {  	[sflag:s14] =	ssyncadd.s32 $0xFFFFD800  }
0x108: {  	_ =	swait.ge [sflag:s3], $0x2800  }
0x109: {  	[sflag:s3] =	ssyncset.done $0x0  }
0x10a: {  	[sflag:s3] =	ssyncadd.s32 $0xFFFFD800  }
0x10b: {  	_ =	swait.ge [sflag:s30], $0x50  }
0x10c: {  	[sflag:s30] =	ssyncset.done $0x0  }
0x10d: {  	[sflag:s30] =	ssyncadd.s32 $0xFFFFFFB0  }
0x10e: {  	_ =	swait.ge [sflag:s30], $0x50  }
0x10f: {  	[sflag:s30] =	ssyncset.done $0x0  }
0x110: {  	s26 =	simm.s32 $0x80;
	s28 =	rddreg [dreg:$0x14];
	[sflag:s30] =	ssyncadd.s32 $0xFFFFFFB0  }
0x111: {  	[tilespmem:s19], [sflag:$0xA] =	stream.indirect.gather [hbm4b:s0+s24], $0x80, s26, s24, $0xb8;
	[tilespmem:$0x1E080] =	vst v63  }
0x112: {  	s29 =	simm.s32 $0x180;
	s17 =	sadd.s32 s15, s28;
	s28 =	rddreg [dreg:$0x15]  }
0x113: {  	[tilespmem:s29], [sflag:$0x4] =	stream.linear.gather [hbm4b:s17+s4], $0x50, $0x38;
	[tilespmem:$0x1E080] =	vst v63  }
0x114: {  	s17 =	sadd.s32 s15, s28;
	s29 =	simm.s32 $0x580  }
0x115: {  	[tilespmem:s29], [sflag:$0x4] =	stream.linear.gather [hbm4b:s17+s4], $0x50, $0x38;
	[tilespmem:$0x1E080] =	vst v63  }
0x116: {  	s26 =	simm.s32 $0x700  }
0x117: {  	[spmem:s2] =	stream.indirect.scatter.add.f32 [tilespmem:s21], [sflag:$0xF], $0x80, s26, s24, $0xb8;
	[tilespmem:$0x1E080] =	vst v63  }
0x118: {  	_ =	swait.ge [sflag:s7], $0x2800  }
0x119: {  	[sflag:s7] =	ssyncset.done $0x0  }
0x11a: {  	[sflag:s7] =	ssyncadd.s32 $0xFFFFD800  }
0x11b: {  	_ =	swait.ge [sflag:s8], $0x2800  }
0x11c: {  	[sflag:s8] =	ssyncset.done $0x0  }
0x11d: {  	[sflag:s8] =	ssyncadd.s32 $0xFFFFD800  }
0x11e: {  	_ =	swait.ge [sflag:s20], $0x50  }
0x11f: {  	[sflag:s20] =	ssyncset.done $0x0  }
0x120: {  	[sflag:s20] =	ssyncadd.s32 $0xFFFFFFB0  }
0x121: {  	_ =	swait.ge [sflag:s20], $0x50  }
0x122: {  	[sflag:s20] =	ssyncset.done $0x0  }
0x123: {  	s28 =	rddreg [dreg:$0x12];
	[sflag:s20] =	ssyncadd.s32 $0xFFFFFFB0  }
0x124: {  	[tilespmem:s21], [sflag:$0xB] =	stream.indirect.gather [hbm4b:s0+s24], $0x80, s18, s24, $0xb8;
	[tilespmem:$0x1E080] =	vst v63  }
0x125: {  	s29 =	simm.s32 $0x200;
	s17 =	sadd.s32 s15, s28  }
0x126: {  	[tilespmem:s29], [sflag:$0x5] =	stream.linear.gather [hbm4b:s17+s4], $0x50, $0x38;
	[tilespmem:$0x1E080] =	vst v63  }
.Ltmp8:
0x127: {  	s26 =	rddreg [dreg:$0x13];
	(pc) =	sbr.rel .LBB2_8-.Ltmp8, $4  }
0x128: {  	s28 =	simm.s32 $0x600;
	s17 =	sadd.s32 s15, s26  }
0x129: {  	[tilespmem:s28], [sflag:$0x5] =	stream.linear.gather [hbm4b:s17+s4], $0x50, $0x38;
	[tilespmem:$0x1E080] =	vst v63  }
0x12a: {  	s29 =	simm.s32 $0x780  }
0x12b: {  	[spmem:s2] =	stream.indirect.scatter.add.f32 [tilespmem:s25], [sflag:$0x10], $0x80, s29, s24, $0xb8;
	[tilespmem:$0x1E080] =	vst v63  }
.LBB2_10:
0x12c: {  	_ =	sfence.sel $0x180000  }
0x12d: {  	[bflag:$0x0] =	sbarrier.arrive $0xFFFF  }
0x12e: {  	_ =	strace $0x9000004A  }
0x12f: {  	[bflag:$0x2] =	sbarrier.arrive $0xFFFF  }
0x130: {  	s0 =	rddreg [dreg:$0x3]  }
0x131: {  	s0 =	sadd.s32 @!p0 $0x100000, s0  }
0x132: {  	[sflag:s0] =	ssyncadd.tile.s32 @!p0 $0x1;
	_ =	shalt  }
.Lfunc_end2:
_tile_overlayer_lowered:
.L_overlay_start_2:
0x133: {  	(tag) =	ssettag $0x2  }
0x134: {  	s0 =	rddreg [dreg:$0x0];
	s2 =	stileid.u32  }
0x135: {  	s1 =	rddreg [dreg:$0x1];
	p0 =	sne.s32 s2, $0x0  }
0x136: {  	s3 =	rddreg [dreg:$0x2];
	[bflag:$0x3] =	sbarrier.arrive $0xFFFF;
	s2 =	simm.s32 @!p0 $0x1C11  }
0x137: {  	[timem:s3], [sflag:s2] =	dma.local @!p0 [hbm:s0], s1  }
0x138: {  	s0 =	simm.s32 @!p0 $0x11  }
0x139: {  	_ =	swait.ge @!p0 [sflag:s0], s1  }
0x13a: {  	s1 =	ssub.s32 @!p0 $0x0, s1;
	[sflag:s0] =	ssyncset.done @!p0 $0x0  }
0x13b: {  	[sflag:s0] =	ssyncadd.s32 @!p0 s1  }
0x13c: {  	[bflag:$0x3] =	sbarrier.arrive $0xFFFF  }
0x13d: {  	_ =	shalt  }

</sc_bundles>
